<compile_context>
chip_gen: v7x
topology: tpu7x:2x2x1
jax: 0.10.2.dev20260603
libtpu: 0.0.44.dev20260713+nightly
codegen_flags: <defaults>
</compile_context>

<pallas_src>
import functools

import jax
import jax.numpy as jnp
from jax import lax
from jax.experimental import pallas as pl
from jax.experimental.pallas import tpu as pltpu
from jax.experimental.pallas import tpu_sc as plsc

D = 128
W = D // 2
L = 16
NC, NS = 2, 16
NW = NC * NS
CHUNK = 400


def _make_sc_kernel(n_nodes, n_edges):
    per_w = n_edges // NW
    n_chunks = per_w // CHUNK
    assert n_edges == NW * CHUNK * n_chunks
    slab = n_chunks * 2 * CHUNK
    mesh = plsc.VectorSubcoreMesh(
        core_axis_name="c", subcore_axis_name="s", num_cores=NC, num_subcores=NS
    )

    @functools.partial(
        pl.kernel,
        out_type=jax.ShapeDtypeStruct((n_edges,), jnp.float32),
        mesh=mesh,
        compiler_params=pltpu.CompilerParams(
            needs_layout_passes=False, use_tc_tiling_on_sc=False
        ),
        scratch_types=[
            pltpu.VMEM((slab,), jnp.int32),
            pltpu.VMEM((2 * CHUNK,), jnp.int32),
            pltpu.VMEM((2 * CHUNK, W), jnp.int32),
            pltpu.VMEM((per_w,), jnp.float32),
            pltpu.SemaphoreType.DMA,
        ],
    )
    def sc_kernel(ctab_hbm, cidx_hbm, out_hbm,
                  cidx_all, cidx_v, rows_v, out_v, sem):
        wid = lax.axis_index("s") * NC + lax.axis_index("c")
        lane = lax.iota(jnp.int32, L)

        pltpu.sync_copy(cidx_hbm.at[pl.ds(wid * slab, slab)], cidx_all)

        def chunk_body(c, _):
            off = c * 2 * CHUNK
            for i in range(2 * CHUNK // L):
                cidx_v[pl.ds(i * L, L)] = cidx_all[pl.ds(off + i * L, L)]
            cp = pltpu.async_copy(ctab_hbm.at[cidx_v], rows_v, sem)
            cp.wait()

            def group_body(g, _):
                eidx = g * L + lane
                ieidx = eidx + CHUNK
                acc = jnp.zeros((L,), jnp.float32)
                for d in range(W):
                    col = (lane + d) & (W - 1)
                    pu = plsc.load_gather(rows_v, [eidx, col])
                    pi = plsc.load_gather(rows_v, [ieidx, col])
                    prod = plsc.bitcast(pu, jnp.bfloat16) * plsc.bitcast(
                        pi, jnp.bfloat16)
                    pa, pb = plsc.unpack(
                        prod, format=plsc.PackFormat.INTERLEAVED,
                        preferred_element_type=jnp.float32)
                    acc = acc + pa + pb
                out_v[pl.ds(c * CHUNK + g * L, L)] = acc
                return 0

            lax.fori_loop(0, CHUNK // L, group_body, 0)
            return 0

        lax.fori_loop(0, n_chunks, chunk_body, 0)
        pltpu.sync_copy(out_v, out_hbm.at[pl.ds(wid * per_w, per_w)])

    return sc_kernel


@jax.jit
def kernel(user_emb, item_emb, edge_index):
    n_nodes = user_emb.shape[0]
    n_edges = edge_index.shape[1]
    step = NW * CHUNK
    n_chunks = -(-n_edges // step)
    n_pad = step * n_chunks

    ctab_bf = jnp.concatenate([user_emb, item_emb], axis=0).astype(jnp.bfloat16)
    ctab = lax.bitcast_convert_type(
        ctab_bf.reshape(2 * n_nodes, W, 2), jnp.int32)

    uidx = jnp.pad(edge_index[0], (0, n_pad - n_edges))
    iidx = jnp.pad(edge_index[1], (0, n_pad - n_edges)) + n_nodes
    cidx = jnp.stack(
        [uidx.reshape(NW, n_chunks, CHUNK), iidx.reshape(NW, n_chunks, CHUNK)],
        axis=2,
    ).reshape(-1)

    sc = _make_sc_kernel(n_nodes, n_pad)
    return sc(ctab, cidx)[:n_edges]

# --- scband reference (transcript-rebuilt; emitter-appended) ---
"""Pipeline reference for scband-decoder-5033701671194 (READ-ONLY COPY).

The authoritative reference and input builder live on the scoring server;
editing this copy changes nothing except your own understanding.
"""

import jax, jax.numpy as jnp
import numpy as np

N_NODES = 10000
D_FEAT = 128
N_EDGES = 320000

def setup_inputs(seed: int = 0) -> dict:
    key = jax.random.key(seed)
    k1, k2, k3 = jax.random.split(key, 3)
    user_emb = jax.random.normal(k1, (N_NODES, D_FEAT), dtype=jnp.float32)
    item_emb = jax.random.normal(k2, (N_NODES, D_FEAT), dtype=jnp.float32)
    edge_index = jax.random.randint(k3, (2, N_EDGES), 0, N_NODES, dtype=jnp.int32)
    return {"user_emb": user_emb, "item_emb": item_emb, "edge_index": edge_index}

def reference(user_emb, item_emb, edge_index):
    # batch_embedding_dict['user'][edge_index[0]] -> gather
    user_gathered = jnp.take(user_emb, edge_index[0], axis=0)
    # batch_embedding_dict['item'][edge_index[1]] -> gather
    item_gathered = jnp.take(item_emb, edge_index[1], axis=0)
    # elementwise product + reduce over feature dim
    return (user_gathered * item_gathered).sum(axis=-1)

if __name__ == "__main__":
    import jax
    _d = setup_inputs()
    print(jax.jit(kernel)(*tuple(_d.values())))

</pallas_src>

<mosaic_0001>
#map = affine_map<(d0, d1) -> (0, 0)>
#map1 = affine_map<(d0, d1) -> (0)>
module attributes {stable_mosaic.version = 14 : i64} {
  func.func @sc_kernel(%arg0: i32, %arg1: i32, %arg2: memref<20000x64xi32, #tpu.memory_space<hbm>>, %arg3: memref<640000xi32, #tpu.memory_space<hbm>>, %arg4: memref<320000xf32, #tpu.memory_space<hbm>>, %arg5: memref<20000xi32, #tpu.memory_space<vmem>>, %arg6: memref<800xi32, #tpu.memory_space<vmem>>, %arg7: memref<800x64xi32, #tpu.memory_space<vmem>>, %arg8: memref<10000xf32, #tpu.memory_space<vmem>>, %arg9: memref<!tpu.dma_semaphore, #tpu.memory_space<semaphore_mem>>) attributes {dimension_semantics = [#tpu.dimension_semantics<core_parallel>, #tpu.dimension_semantics<subcore_parallel>], iteration_bounds = array<i64: 2, 16>, scalar_prefetch = 0 : i64, scratch_operands = 5 : i64, tpu.core_type = #tpu.core_type<sc_vector_subcore>, window_params = [{transform_indices = #map}, {transform_indices = #map1}, {transform_indices = #map1}]} {
    %mul3A = arith.constant 2 : i32
    %mul3A_0 = arith.muli %arg1, %mul3A : i32
    %add3A = arith.addi %mul3A_0, %arg0 : i32
    %iota3A = tpu.iota {dimensions = array<i32: 0>} : vector<16xi32>
    %mul3A_1 = arith.constant 20000 : i32
    %mul3A_2 = arith.muli %add3A, %mul3A_1 : i32
    "tpu.region"() ({
      %run_scoped3A = tpu.sem_alloc : memref<!tpu.dma_semaphore, #tpu.memory_space<semaphore_mem>>
      %dma_start3A = tpu.memref_slice %arg3[%mul3A_2] : memref<640000xi32, #tpu.memory_space<hbm>> -> memref<20000xi32, #tpu.memory_space<hbm>>
      %dma_start3A_11 = tpu.memref_slice %arg3[%mul3A_2] : memref<640000xi32, #tpu.memory_space<hbm>> -> memref<20000xi32, #tpu.memory_space<hbm>>
      tpu.enqueue_dma source(%dma_start3A_11 : memref<20000xi32, #tpu.memory_space<hbm>>) target(%arg5 : memref<20000xi32, #tpu.memory_space<vmem>>) target_semaphore(%run_scoped3A : memref<!tpu.dma_semaphore, #tpu.memory_space<semaphore_mem>>)
      %dma_wait3A = tpu.memref_slice %arg3[%mul3A_2] : memref<640000xi32, #tpu.memory_space<hbm>> -> memref<20000xi32, #tpu.memory_space<hbm>>
      %dma_wait3A_12 = tpu.memref_slice %arg3[%mul3A_2] : memref<640000xi32, #tpu.memory_space<hbm>> -> memref<20000xi32, #tpu.memory_space<hbm>>
      tpu.wait_dma2 semaphore(%run_scoped3A : memref<!tpu.dma_semaphore, #tpu.memory_space<semaphore_mem>>) src(%dma_wait3A_12 : memref<20000xi32, #tpu.memory_space<hbm>>) dst(%arg5 : memref<20000xi32, #tpu.memory_space<vmem>>)
      tpu.yield
    }) : () -> ()
    %scan3A = arith.constant 0 : i32
    %scan3A_3 = arith.constant 0 : i32
    %scan3A_4 = arith.constant 25 : i32
    %scan3A_5 = arith.addi %scan3A_3, %scan3A_4 : i32
    %scan3A_6 = arith.constant 1 : i32
    %scan3A_7 = scf.for %scan3A_11 = %scan3A_3 to %scan3A_5 step %scan3A_6 iter_args(%scan3A_12 = %scan3A) -> (i32)  : i32 {
      %mul3A_13 = arith.constant 2 : i32
      %mul3A_14 = arith.muli %scan3A_11, %mul3A_13 : i32
      %mul3A_15 = arith.constant 400 : i32
      %mul3A_16 = arith.muli %mul3A_14, %mul3A_15 : i32
      %add3A_17 = arith.constant 0 : i32
      %add3A_18 = arith.addi %mul3A_16, %add3A_17 : i32
      %get3A = arith.index_cast %add3A_18 : i32 to index
      %get3A_19 = tpu.vector_load %arg5[%get3A] {strides = array<i32>} : memref<20000xi32, #tpu.memory_space<vmem>>, vector<16xi32>,
      %swap3A = arith.constant 0 : index
      %swap3A_20 = tpu.vector_load %arg6[%swap3A] {strides = array<i32>} : memref<800xi32, #tpu.memory_space<vmem>>, vector<16xi32>,
      tpu.vector_store %arg6[%swap3A], %get3A_19 {strides = array<i32>} : memref<800xi32, #tpu.memory_space<vmem>>, vector<16xi32>,
      %add3A_21 = arith.constant 16 : i32
      %add3A_22 = arith.addi %mul3A_16, %add3A_21 : i32
      %get3A_23 = arith.index_cast %add3A_22 : i32 to index
      %get3A_24 = tpu.vector_load %arg5[%get3A_23] {strides = array<i32>} : memref<20000xi32, #tpu.memory_space<vmem>>, vector<16xi32>,
      %swap3A_25 = arith.constant 16 : index
      %swap3A_26 = tpu.vector_load %arg6[%swap3A_25] {strides = array<i32>} : memref<800xi32, #tpu.memory_space<vmem>>, vector<16xi32>,
      tpu.vector_store %arg6[%swap3A_25], %get3A_24 {strides = array<i32>} : memref<800xi32, #tpu.memory_space<vmem>>, vector<16xi32>,
      %add3A_27 = arith.constant 32 : i32
      %add3A_28 = arith.addi %mul3A_16, %add3A_27 : i32
      %get3A_29 = arith.index_cast %add3A_28 : i32 to index
      %get3A_30 = tpu.vector_load %arg5[%get3A_29] {strides = array<i32>} : memref<20000xi32, #tpu.memory_space<vmem>>, vector<16xi32>,
      %swap3A_31 = arith.constant 32 : index
      %swap3A_32 = tpu.vector_load %arg6[%swap3A_31] {strides = array<i32>} : memref<800xi32, #tpu.memory_space<vmem>>, vector<16xi32>,
      tpu.vector_store %arg6[%swap3A_31], %get3A_30 {strides = array<i32>} : memref<800xi32, #tpu.memory_space<vmem>>, vector<16xi32>,
      %add3A_33 = arith.constant 48 : i32
      %add3A_34 = arith.addi %mul3A_16, %add3A_33 : i32
      %get3A_35 = arith.index_cast %add3A_34 : i32 to index
      %get3A_36 = tpu.vector_load %arg5[%get3A_35] {strides = array<i32>} : memref<20000xi32, #tpu.memory_space<vmem>>, vector<16xi32>,
      %swap3A_37 = arith.constant 48 : index
      %swap3A_38 = tpu.vector_load %arg6[%swap3A_37] {strides = array<i32>} : memref<800xi32, #tpu.memory_space<vmem>>, vector<16xi32>,
      tpu.vector_store %arg6[%swap3A_37], %get3A_36 {strides = array<i32>} : memref<800xi32, #tpu.memory_space<vmem>>, vector<16xi32>,
      %add3A_39 = arith.constant 64 : i32
      %add3A_40 = arith.addi %mul3A_16, %add3A_39 : i32
      %get3A_41 = arith.index_cast %add3A_40 : i32 to index
      %get3A_42 = tpu.vector_load %arg5[%get3A_41] {strides = array<i32>} : memref<20000xi32, #tpu.memory_space<vmem>>, vector<16xi32>,
      %swap3A_43 = arith.constant 64 : index
      %swap3A_44 = tpu.vector_load %arg6[%swap3A_43] {strides = array<i32>} : memref<800xi32, #tpu.memory_space<vmem>>, vector<16xi32>,
      tpu.vector_store %arg6[%swap3A_43], %get3A_42 {strides = array<i32>} : memref<800xi32, #tpu.memory_space<vmem>>, vector<16xi32>,
      %add3A_45 = arith.constant 80 : i32
      %add3A_46 = arith.addi %mul3A_16, %add3A_45 : i32
      %get3A_47 = arith.index_cast %add3A_46 : i32 to index
      %get3A_48 = tpu.vector_load %arg5[%get3A_47] {strides = array<i32>} : memref<20000xi32, #tpu.memory_space<vmem>>, vector<16xi32>,
      %swap3A_49 = arith.constant 80 : index
      %swap3A_50 = tpu.vector_load %arg6[%swap3A_49] {strides = array<i32>} : memref<800xi32, #tpu.memory_space<vmem>>, vector<16xi32>,
      tpu.vector_store %arg6[%swap3A_49], %get3A_48 {strides = array<i32>} : memref<800xi32, #tpu.memory_space<vmem>>, vector<16xi32>,
      %add3A_51 = arith.constant 96 : i32
      %add3A_52 = arith.addi %mul3A_16, %add3A_51 : i32
      %get3A_53 = arith.index_cast %add3A_52 : i32 to index
      %get3A_54 = tpu.vector_load %arg5[%get3A_53] {strides = array<i32>} : memref<20000xi32, #tpu.memory_space<vmem>>, vector<16xi32>,
      %swap3A_55 = arith.constant 96 : index
      %swap3A_56 = tpu.vector_load %arg6[%swap3A_55] {strides = array<i32>} : memref<800xi32, #tpu.memory_space<vmem>>, vector<16xi32>,
      tpu.vector_store %arg6[%swap3A_55], %get3A_54 {strides = array<i32>} : memref<800xi32, #tpu.memory_space<vmem>>, vector<16xi32>,
      %add3A_57 = arith.constant 112 : i32
      %add3A_58 = arith.addi %mul3A_16, %add3A_57 : i32
      %get3A_59 = arith.index_cast %add3A_58 : i32 to index
      %get3A_60 = tpu.vector_load %arg5[%get3A_59] {strides = array<i32>} : memref<20000xi32, #tpu.memory_space<vmem>>, vector<16xi32>,
      %swap3A_61 = arith.constant 112 : index
      %swap3A_62 = tpu.vector_load %arg6[%swap3A_61] {strides = array<i32>} : memref<800xi32, #tpu.memory_space<vmem>>, vector<16xi32>,
      tpu.vector_store %arg6[%swap3A_61], %get3A_60 {strides = array<i32>} : memref<800xi32, #tpu.memory_space<vmem>>, vector<16xi32>,
      %add3A_63 = arith.constant 128 : i32
      %add3A_64 = arith.addi %mul3A_16, %add3A_63 : i32
      %get3A_65 = arith.index_cast %add3A_64 : i32 to index
      %get3A_66 = tpu.vector_load %arg5[%get3A_65] {strides = array<i32>} : memref<20000xi32, #tpu.memory_space<vmem>>, vector<16xi32>,
      %swap3A_67 = arith.constant 128 : index
      %swap3A_68 = tpu.vector_load %arg6[%swap3A_67] {strides = array<i32>} : memref<800xi32, #tpu.memory_space<vmem>>, vector<16xi32>,
      tpu.vector_store %arg6[%swap3A_67], %get3A_66 {strides = array<i32>} : memref<800xi32, #tpu.memory_space<vmem>>, vector<16xi32>,
      %add3A_69 = arith.constant 144 : i32
      %add3A_70 = arith.addi %mul3A_16, %add3A_69 : i32
      %get3A_71 = arith.index_cast %add3A_70 : i32 to index
      %get3A_72 = tpu.vector_load %arg5[%get3A_71] {strides = array<i32>} : memref<20000xi32, #tpu.memory_space<vmem>>, vector<16xi32>,
      %swap3A_73 = arith.constant 144 : index
      %swap3A_74 = tpu.vector_load %arg6[%swap3A_73] {strides = array<i32>} : memref<800xi32, #tpu.memory_space<vmem>>, vector<16xi32>,
      tpu.vector_store %arg6[%swap3A_73], %get3A_72 {strides = array<i32>} : memref<800xi32, #tpu.memory_space<vmem>>, vector<16xi32>,
      %add3A_75 = arith.constant 160 : i32
      %add3A_76 = arith.addi %mul3A_16, %add3A_75 : i32
      %get3A_77 = arith.index_cast %add3A_76 : i32 to index
      %get3A_78 = tpu.vector_load %arg5[%get3A_77] {strides = array<i32>} : memref<20000xi32, #tpu.memory_space<vmem>>, vector<16xi32>,
      %swap3A_79 = arith.constant 160 : index
      %swap3A_80 = tpu.vector_load %arg6[%swap3A_79] {strides = array<i32>} : memref<800xi32, #tpu.memory_space<vmem>>, vector<16xi32>,
      tpu.vector_store %arg6[%swap3A_79], %get3A_78 {strides = array<i32>} : memref<800xi32, #tpu.memory_space<vmem>>, vector<16xi32>,
      %add3A_81 = arith.constant 176 : i32
      %add3A_82 = arith.addi %mul3A_16, %add3A_81 : i32
      %get3A_83 = arith.index_cast %add3A_82 : i32 to index
      %get3A_84 = tpu.vector_load %arg5[%get3A_83] {strides = array<i32>} : memref<20000xi32, #tpu.memory_space<vmem>>, vector<16xi32>,
      %swap3A_85 = arith.constant 176 : index
      %swap3A_86 = tpu.vector_load %arg6[%swap3A_85] {strides = array<i32>} : memref<800xi32, #tpu.memory_space<vmem>>, vector<16xi32>,
      tpu.vector_store %arg6[%swap3A_85], %get3A_84 {strides = array<i32>} : memref<800xi32, #tpu.memory_space<vmem>>, vector<16xi32>,
      %add3A_87 = arith.constant 192 : i32
      %add3A_88 = arith.addi %mul3A_16, %add3A_87 : i32
      %get3A_89 = arith.index_cast %add3A_88 : i32 to index
      %get3A_90 = tpu.vector_load %arg5[%get3A_89] {strides = array<i32>} : memref<20000xi32, #tpu.memory_space<vmem>>, vector<16xi32>,
      %swap3A_91 = arith.constant 192 : index
      %swap3A_92 = tpu.vector_load %arg6[%swap3A_91] {strides = array<i32>} : memref<800xi32, #tpu.memory_space<vmem>>, vector<16xi32>,
      tpu.vector_store %arg6[%swap3A_91], %get3A_90 {strides = array<i32>} : memref<800xi32, #tpu.memory_space<vmem>>, vector<16xi32>,
      %add3A_93 = arith.constant 208 : i32
      %add3A_94 = arith.addi %mul3A_16, %add3A_93 : i32
      %get3A_95 = arith.index_cast %add3A_94 : i32 to index
      %get3A_96 = tpu.vector_load %arg5[%get3A_95] {strides = array<i32>} : memref<20000xi32, #tpu.memory_space<vmem>>, vector<16xi32>,
      %swap3A_97 = arith.constant 208 : index
      %swap3A_98 = tpu.vector_load %arg6[%swap3A_97] {strides = array<i32>} : memref<800xi32, #tpu.memory_space<vmem>>, vector<16xi32>,
      tpu.vector_store %arg6[%swap3A_97], %get3A_96 {strides = array<i32>} : memref<800xi32, #tpu.memory_space<vmem>>, vector<16xi32>,
      %add3A_99 = arith.constant 224 : i32
      %add3A_100 = arith.addi %mul3A_16, %add3A_99 : i32
      %get3A_101 = arith.index_cast %add3A_100 : i32 to index
      %get3A_102 = tpu.vector_load %arg5[%get3A_101] {strides = array<i32>} : memref<20000xi32, #tpu.memory_space<vmem>>, vector<16xi32>,
      %swap3A_103 = arith.constant 224 : index
      %swap3A_104 = tpu.vector_load %arg6[%swap3A_103] {strides = array<i32>} : memref<800xi32, #tpu.memory_space<vmem>>, vector<16xi32>,
      tpu.vector_store %arg6[%swap3A_103], %get3A_102 {strides = array<i32>} : memref<800xi32, #tpu.memory_space<vmem>>, vector<16xi32>,
      %add3A_105 = arith.constant 240 : i32
      %add3A_106 = arith.addi %mul3A_16, %add3A_105 : i32
      %get3A_107 = arith.index_cast %add3A_106 : i32 to index
      %get3A_108 = tpu.vector_load %arg5[%get3A_107] {strides = array<i32>} : memref<20000xi32, #tpu.memory_space<vmem>>, vector<16xi32>,
      %swap3A_109 = arith.constant 240 : index
      %swap3A_110 = tpu.vector_load %arg6[%swap3A_109] {strides = array<i32>} : memref<800xi32, #tpu.memory_space<vmem>>, vector<16xi32>,
      tpu.vector_store %arg6[%swap3A_109], %get3A_108 {strides = array<i32>} : memref<800xi32, #tpu.memory_space<vmem>>, vector<16xi32>,
      %add3A_111 = arith.constant 256 : i32
      %add3A_112 = arith.addi %mul3A_16, %add3A_111 : i32
      %get3A_113 = arith.index_cast %add3A_112 : i32 to index
      %get3A_114 = tpu.vector_load %arg5[%get3A_113] {strides = array<i32>} : memref<20000xi32, #tpu.memory_space<vmem>>, vector<16xi32>,
      %swap3A_115 = arith.constant 256 : index
      %swap3A_116 = tpu.vector_load %arg6[%swap3A_115] {strides = array<i32>} : memref<800xi32, #tpu.memory_space<vmem>>, vector<16xi32>,
      tpu.vector_store %arg6[%swap3A_115], %get3A_114 {strides = array<i32>} : memref<800xi32, #tpu.memory_space<vmem>>, vector<16xi32>,
      %add3A_117 = arith.constant 272 : i32
      %add3A_118 = arith.addi %mul3A_16, %add3A_117 : i32
      %get3A_119 = arith.index_cast %add3A_118 : i32 to index
      %get3A_120 = tpu.vector_load %arg5[%get3A_119] {strides = array<i32>} : memref<20000xi32, #tpu.memory_space<vmem>>, vector<16xi32>,
      %swap3A_121 = arith.constant 272 : index
      %swap3A_122 = tpu.vector_load %arg6[%swap3A_121] {strides = array<i32>} : memref<800xi32, #tpu.memory_space<vmem>>, vector<16xi32>,
      tpu.vector_store %arg6[%swap3A_121], %get3A_120 {strides = array<i32>} : memref<800xi32, #tpu.memory_space<vmem>>, vector<16xi32>,
      %add3A_123 = arith.constant 288 : i32
      %add3A_124 = arith.addi %mul3A_16, %add3A_123 : i32
      %get3A_125 = arith.index_cast %add3A_124 : i32 to index
      %get3A_126 = tpu.vector_load %arg5[%get3A_125] {strides = array<i32>} : memref<20000xi32, #tpu.memory_space<vmem>>, vector<16xi32>,
      %swap3A_127 = arith.constant 288 : index
      %swap3A_128 = tpu.vector_load %arg6[%swap3A_127] {strides = array<i32>} : memref<800xi32, #tpu.memory_space<vmem>>, vector<16xi32>,
      tpu.vector_store %arg6[%swap3A_127], %get3A_126 {strides = array<i32>} : memref<800xi32, #tpu.memory_space<vmem>>, vector<16xi32>,
      %add3A_129 = arith.constant 304 : i32
      %add3A_130 = arith.addi %mul3A_16, %add3A_129 : i32
      %get3A_131 = arith.index_cast %add3A_130 : i32 to index
      %get3A_132 = tpu.vector_load %arg5[%get3A_131] {strides = array<i32>} : memref<20000xi32, #tpu.memory_space<vmem>>, vector<16xi32>,
      %swap3A_133 = arith.constant 304 : index
      %swap3A_134 = tpu.vector_load %arg6[%swap3A_133] {strides = array<i32>} : memref<800xi32, #tpu.memory_space<vmem>>, vector<16xi32>,
      tpu.vector_store %arg6[%swap3A_133], %get3A_132 {strides = array<i32>} : memref<800xi32, #tpu.memory_space<vmem>>, vector<16xi32>,
      %add3A_135 = arith.constant 320 : i32
      %add3A_136 = arith.addi %mul3A_16, %add3A_135 : i32
      %get3A_137 = arith.index_cast %add3A_136 : i32 to index
      %get3A_138 = tpu.vector_load %arg5[%get3A_137] {strides = array<i32>} : memref<20000xi32, #tpu.memory_space<vmem>>, vector<16xi32>,
      %swap3A_139 = arith.constant 320 : index
      %swap3A_140 = tpu.vector_load %arg6[%swap3A_139] {strides = array<i32>} : memref<800xi32, #tpu.memory_space<vmem>>, vector<16xi32>,
      tpu.vector_store %arg6[%swap3A_139], %get3A_138 {strides = array<i32>} : memref<800xi32, #tpu.memory_space<vmem>>, vector<16xi32>,
      %add3A_141 = arith.constant 336 : i32
      %add3A_142 = arith.addi %mul3A_16, %add3A_141 : i32
      %get3A_143 = arith.index_cast %add3A_142 : i32 to index
      %get3A_144 = tpu.vector_load %arg5[%get3A_143] {strides = array<i32>} : memref<20000xi32, #tpu.memory_space<vmem>>, vector<16xi32>,
      %swap3A_145 = arith.constant 336 : index
      %swap3A_146 = tpu.vector_load %arg6[%swap3A_145] {strides = array<i32>} : memref<800xi32, #tpu.memory_space<vmem>>, vector<16xi32>,
      tpu.vector_store %arg6[%swap3A_145], %get3A_144 {strides = array<i32>} : memref<800xi32, #tpu.memory_space<vmem>>, vector<16xi32>,
      %add3A_147 = arith.constant 352 : i32
      %add3A_148 = arith.addi %mul3A_16, %add3A_147 : i32
      %get3A_149 = arith.index_cast %add3A_148 : i32 to index
      %get3A_150 = tpu.vector_load %arg5[%get3A_149] {strides = array<i32>} : memref<20000xi32, #tpu.memory_space<vmem>>, vector<16xi32>,
      %swap3A_151 = arith.constant 352 : index
      %swap3A_152 = tpu.vector_load %arg6[%swap3A_151] {strides = array<i32>} : memref<800xi32, #tpu.memory_space<vmem>>, vector<16xi32>,
      tpu.vector_store %arg6[%swap3A_151], %get3A_150 {strides = array<i32>} : memref<800xi32, #tpu.memory_space<vmem>>, vector<16xi32>,
      %add3A_153 = arith.constant 368 : i32
      %add3A_154 = arith.addi %mul3A_16, %add3A_153 : i32
      %get3A_155 = arith.index_cast %add3A_154 : i32 to index
      %get3A_156 = tpu.vector_load %arg5[%get3A_155] {strides = array<i32>} : memref<20000xi32, #tpu.memory_space<vmem>>, vector<16xi32>,
      %swap3A_157 = arith.constant 368 : index
      %swap3A_158 = tpu.vector_load %arg6[%swap3A_157] {strides = array<i32>} : memref<800xi32, #tpu.memory_space<vmem>>, vector<16xi32>,
      tpu.vector_store %arg6[%swap3A_157], %get3A_156 {strides = array<i32>} : memref<800xi32, #tpu.memory_space<vmem>>, vector<16xi32>,
      %add3A_159 = arith.constant 384 : i32
      %add3A_160 = arith.addi %mul3A_16, %add3A_159 : i32
      %get3A_161 = arith.index_cast %add3A_160 : i32 to index
      %get3A_162 = tpu.vector_load %arg5[%get3A_161] {strides = array<i32>} : memref<20000xi32, #tpu.memory_space<vmem>>, vector<16xi32>,
      %swap3A_163 = arith.constant 384 : index
      %swap3A_164 = tpu.vector_load %arg6[%swap3A_163] {strides = array<i32>} : memref<800xi32, #tpu.memory_space<vmem>>, vector<16xi32>,
      tpu.vector_store %arg6[%swap3A_163], %get3A_162 {strides = array<i32>} : memref<800xi32, #tpu.memory_space<vmem>>, vector<16xi32>,
      %add3A_165 = arith.constant 400 : i32
      %add3A_166 = arith.addi %mul3A_16, %add3A_165 : i32
      %get3A_167 = arith.index_cast %add3A_166 : i32 to index
      %get3A_168 = tpu.vector_load %arg5[%get3A_167] {strides = array<i32>} : memref<20000xi32, #tpu.memory_space<vmem>>, vector<16xi32>,
      %swap3A_169 = arith.constant 400 : index
      %swap3A_170 = tpu.vector_load %arg6[%swap3A_169] {strides = array<i32>} : memref<800xi32, #tpu.memory_space<vmem>>, vector<16xi32>,
      tpu.vector_store %arg6[%swap3A_169], %get3A_168 {strides = array<i32>} : memref<800xi32, #tpu.memory_space<vmem>>, vector<16xi32>,
      %add3A_171 = arith.constant 416 : i32
      %add3A_172 = arith.addi %mul3A_16, %add3A_171 : i32
      %get3A_173 = arith.index_cast %add3A_172 : i32 to index
      %get3A_174 = tpu.vector_load %arg5[%get3A_173] {strides = array<i32>} : memref<20000xi32, #tpu.memory_space<vmem>>, vector<16xi32>,
      %swap3A_175 = arith.constant 416 : index
      %swap3A_176 = tpu.vector_load %arg6[%swap3A_175] {strides = array<i32>} : memref<800xi32, #tpu.memory_space<vmem>>, vector<16xi32>,
      tpu.vector_store %arg6[%swap3A_175], %get3A_174 {strides = array<i32>} : memref<800xi32, #tpu.memory_space<vmem>>, vector<16xi32>,
      %add3A_177 = arith.constant 432 : i32
      %add3A_178 = arith.addi %mul3A_16, %add3A_177 : i32
      %get3A_179 = arith.index_cast %add3A_178 : i32 to index
      %get3A_180 = tpu.vector_load %arg5[%get3A_179] {strides = array<i32>} : memref<20000xi32, #tpu.memory_space<vmem>>, vector<16xi32>,
      %swap3A_181 = arith.constant 432 : index
      %swap3A_182 = tpu.vector_load %arg6[%swap3A_181] {strides = array<i32>} : memref<800xi32, #tpu.memory_space<vmem>>, vector<16xi32>,
      tpu.vector_store %arg6[%swap3A_181], %get3A_180 {strides = array<i32>} : memref<800xi32, #tpu.memory_space<vmem>>, vector<16xi32>,
      %add3A_183 = arith.constant 448 : i32
      %add3A_184 = arith.addi %mul3A_16, %add3A_183 : i32
      %get3A_185 = arith.index_cast %add3A_184 : i32 to index
      %get3A_186 = tpu.vector_load %arg5[%get3A_185] {strides = array<i32>} : memref<20000xi32, #tpu.memory_space<vmem>>, vector<16xi32>,
      %swap3A_187 = arith.constant 448 : index
      %swap3A_188 = tpu.vector_load %arg6[%swap3A_187] {strides = array<i32>} : memref<800xi32, #tpu.memory_space<vmem>>, vector<16xi32>,
      tpu.vector_store %arg6[%swap3A_187], %get3A_186 {strides = array<i32>} : memref<800xi32, #tpu.memory_space<vmem>>, vector<16xi32>,
      %add3A_189 = arith.constant 464 : i32
      %add3A_190 = arith.addi %mul3A_16, %add3A_189 : i32
      %get3A_191 = arith.index_cast %add3A_190 : i32 to index
      %get3A_192 = tpu.vector_load %arg5[%get3A_191] {strides = array<i32>} : memref<20000xi32, #tpu.memory_space<vmem>>, vector<16xi32>,
      %swap3A_193 = arith.constant 464 : index
      %swap3A_194 = tpu.vector_load %arg6[%swap3A_193] {strides = array<i32>} : memref<800xi32, #tpu.memory_space<vmem>>, vector<16xi32>,
      tpu.vector_store %arg6[%swap3A_193], %get3A_192 {strides = array<i32>} : memref<800xi32, #tpu.memory_space<vmem>>, vector<16xi32>,
      %add3A_195 = arith.constant 480 : i32
      %add3A_196 = arith.addi %mul3A_16, %add3A_195 : i32
      %get3A_197 = arith.index_cast %add3A_196 : i32 to index
      %get3A_198 = tpu.vector_load %arg5[%get3A_197] {strides = array<i32>} : memref<20000xi32, #tpu.memory_space<vmem>>, vector<16xi32>,
      %swap3A_199 = arith.constant 480 : index
      %swap3A_200 = tpu.vector_load %arg6[%swap3A_199] {strides = array<i32>} : memref<800xi32, #tpu.memory_space<vmem>>, vector<16xi32>,
      tpu.vector_store %arg6[%swap3A_199], %get3A_198 {strides = array<i32>} : memref<800xi32, #tpu.memory_space<vmem>>, vector<16xi32>,
      %add3A_201 = arith.constant 496 : i32
      %add3A_202 = arith.addi %mul3A_16, %add3A_201 : i32
      %get3A_203 = arith.index_cast %add3A_202 : i32 to index
      %get3A_204 = tpu.vector_load %arg5[%get3A_203] {strides = array<i32>} : memref<20000xi32, #tpu.memory_space<vmem>>, vector<16xi32>,
      %swap3A_205 = arith.constant 496 : index
      %swap3A_206 = tpu.vector_load %arg6[%swap3A_205] {strides = array<i32>} : memref<800xi32, #tpu.memory_space<vmem>>, vector<16xi32>,
      tpu.vector_store %arg6[%swap3A_205], %get3A_204 {strides = array<i32>} : memref<800xi32, #tpu.memory_space<vmem>>, vector<16xi32>,
      %add3A_207 = arith.constant 512 : i32
      %add3A_208 = arith.addi %mul3A_16, %add3A_207 : i32
      %get3A_209 = arith.index_cast %add3A_208 : i32 to index
      %get3A_210 = tpu.vector_load %arg5[%get3A_209] {strides = array<i32>} : memref<20000xi32, #tpu.memory_space<vmem>>, vector<16xi32>,
      %swap3A_211 = arith.constant 512 : index
      %swap3A_212 = tpu.vector_load %arg6[%swap3A_211] {strides = array<i32>} : memref<800xi32, #tpu.memory_space<vmem>>, vector<16xi32>,
      tpu.vector_store %arg6[%swap3A_211], %get3A_210 {strides = array<i32>} : memref<800xi32, #tpu.memory_space<vmem>>, vector<16xi32>,
      %add3A_213 = arith.constant 528 : i32
      %add3A_214 = arith.addi %mul3A_16, %add3A_213 : i32
      %get3A_215 = arith.index_cast %add3A_214 : i32 to index
      %get3A_216 = tpu.vector_load %arg5[%get3A_215] {strides = array<i32>} : memref<20000xi32, #tpu.memory_space<vmem>>, vector<16xi32>,
      %swap3A_217 = arith.constant 528 : index
      %swap3A_218 = tpu.vector_load %arg6[%swap3A_217] {strides = array<i32>} : memref<800xi32, #tpu.memory_space<vmem>>, vector<16xi32>,
      tpu.vector_store %arg6[%swap3A_217], %get3A_216 {strides = array<i32>} : memref<800xi32, #tpu.memory_space<vmem>>, vector<16xi32>,
      %add3A_219 = arith.constant 544 : i32
      %add3A_220 = arith.addi %mul3A_16, %add3A_219 : i32
      %get3A_221 = arith.index_cast %add3A_220 : i32 to index
      %get3A_222 = tpu.vector_load %arg5[%get3A_221] {strides = array<i32>} : memref<20000xi32, #tpu.memory_space<vmem>>, vector<16xi32>,
      %swap3A_223 = arith.constant 544 : index
      %swap3A_224 = tpu.vector_load %arg6[%swap3A_223] {strides = array<i32>} : memref<800xi32, #tpu.memory_space<vmem>>, vector<16xi32>,
      tpu.vector_store %arg6[%swap3A_223], %get3A_222 {strides = array<i32>} : memref<800xi32, #tpu.memory_space<vmem>>, vector<16xi32>,
      %add3A_225 = arith.constant 560 : i32
      %add3A_226 = arith.addi %mul3A_16, %add3A_225 : i32
      %get3A_227 = arith.index_cast %add3A_226 : i32 to index
      %get3A_228 = tpu.vector_load %arg5[%get3A_227] {strides = array<i32>} : memref<20000xi32, #tpu.memory_space<vmem>>, vector<16xi32>,
      %swap3A_229 = arith.constant 560 : index
      %swap3A_230 = tpu.vector_load %arg6[%swap3A_229] {strides = array<i32>} : memref<800xi32, #tpu.memory_space<vmem>>, vector<16xi32>,
      tpu.vector_store %arg6[%swap3A_229], %get3A_228 {strides = array<i32>} : memref<800xi32, #tpu.memory_space<vmem>>, vector<16xi32>,
      %add3A_231 = arith.constant 576 : i32
      %add3A_232 = arith.addi %mul3A_16, %add3A_231 : i32
      %get3A_233 = arith.index_cast %add3A_232 : i32 to index
      %get3A_234 = tpu.vector_load %arg5[%get3A_233] {strides = array<i32>} : memref<20000xi32, #tpu.memory_space<vmem>>, vector<16xi32>,
      %swap3A_235 = arith.constant 576 : index
      %swap3A_236 = tpu.vector_load %arg6[%swap3A_235] {strides = array<i32>} : memref<800xi32, #tpu.memory_space<vmem>>, vector<16xi32>,
      tpu.vector_store %arg6[%swap3A_235], %get3A_234 {strides = array<i32>} : memref<800xi32, #tpu.memory_space<vmem>>, vector<16xi32>,
      %add3A_237 = arith.constant 592 : i32
      %add3A_238 = arith.addi %mul3A_16, %add3A_237 : i32
      %get3A_239 = arith.index_cast %add3A_238 : i32 to index
      %get3A_240 = tpu.vector_load %arg5[%get3A_239] {strides = array<i32>} : memref<20000xi32, #tpu.memory_space<vmem>>, vector<16xi32>,
      %swap3A_241 = arith.constant 592 : index
      %swap3A_242 = tpu.vector_load %arg6[%swap3A_241] {strides = array<i32>} : memref<800xi32, #tpu.memory_space<vmem>>, vector<16xi32>,
      tpu.vector_store %arg6[%swap3A_241], %get3A_240 {strides = array<i32>} : memref<800xi32, #tpu.memory_space<vmem>>, vector<16xi32>,
      %add3A_243 = arith.constant 608 : i32
      %add3A_244 = arith.addi %mul3A_16, %add3A_243 : i32
      %get3A_245 = arith.index_cast %add3A_244 : i32 to index
      %get3A_246 = tpu.vector_load %arg5[%get3A_245] {strides = array<i32>} : memref<20000xi32, #tpu.memory_space<vmem>>, vector<16xi32>,
      %swap3A_247 = arith.constant 608 : index
      %swap3A_248 = tpu.vector_load %arg6[%swap3A_247] {strides = array<i32>} : memref<800xi32, #tpu.memory_space<vmem>>, vector<16xi32>,
      tpu.vector_store %arg6[%swap3A_247], %get3A_246 {strides = array<i32>} : memref<800xi32, #tpu.memory_space<vmem>>, vector<16xi32>,
      %add3A_249 = arith.constant 624 : i32
      %add3A_250 = arith.addi %mul3A_16, %add3A_249 : i32
      %get3A_251 = arith.index_cast %add3A_250 : i32 to index
      %get3A_252 = tpu.vector_load %arg5[%get3A_251] {strides = array<i32>} : memref<20000xi32, #tpu.memory_space<vmem>>, vector<16xi32>,
      %swap3A_253 = arith.constant 624 : index
      %swap3A_254 = tpu.vector_load %arg6[%swap3A_253] {strides = array<i32>} : memref<800xi32, #tpu.memory_space<vmem>>, vector<16xi32>,
      tpu.vector_store %arg6[%swap3A_253], %get3A_252 {strides = array<i32>} : memref<800xi32, #tpu.memory_space<vmem>>, vector<16xi32>,
      %add3A_255 = arith.constant 640 : i32
      %add3A_256 = arith.addi %mul3A_16, %add3A_255 : i32
      %get3A_257 = arith.index_cast %add3A_256 : i32 to index
      %get3A_258 = tpu.vector_load %arg5[%get3A_257] {strides = array<i32>} : memref<20000xi32, #tpu.memory_space<vmem>>, vector<16xi32>,
      %swap3A_259 = arith.constant 640 : index
      %swap3A_260 = tpu.vector_load %arg6[%swap3A_259] {strides = array<i32>} : memref<800xi32, #tpu.memory_space<vmem>>, vector<16xi32>,
      tpu.vector_store %arg6[%swap3A_259], %get3A_258 {strides = array<i32>} : memref<800xi32, #tpu.memory_space<vmem>>, vector<16xi32>,
      %add3A_261 = arith.constant 656 : i32
      %add3A_262 = arith.addi %mul3A_16, %add3A_261 : i32
      %get3A_263 = arith.index_cast %add3A_262 : i32 to index
      %get3A_264 = tpu.vector_load %arg5[%get3A_263] {strides = array<i32>} : memref<20000xi32, #tpu.memory_space<vmem>>, vector<16xi32>,
      %swap3A_265 = arith.constant 656 : index
      %swap3A_266 = tpu.vector_load %arg6[%swap3A_265] {strides = array<i32>} : memref<800xi32, #tpu.memory_space<vmem>>, vector<16xi32>,
      tpu.vector_store %arg6[%swap3A_265], %get3A_264 {strides = array<i32>} : memref<800xi32, #tpu.memory_space<vmem>>, vector<16xi32>,
      %add3A_267 = arith.constant 672 : i32
      %add3A_268 = arith.addi %mul3A_16, %add3A_267 : i32
      %get3A_269 = arith.index_cast %add3A_268 : i32 to index
      %get3A_270 = tpu.vector_load %arg5[%get3A_269] {strides = array<i32>} : memref<20000xi32, #tpu.memory_space<vmem>>, vector<16xi32>,
      %swap3A_271 = arith.constant 672 : index
      %swap3A_272 = tpu.vector_load %arg6[%swap3A_271] {strides = array<i32>} : memref<800xi32, #tpu.memory_space<vmem>>, vector<16xi32>,
      tpu.vector_store %arg6[%swap3A_271], %get3A_270 {strides = array<i32>} : memref<800xi32, #tpu.memory_space<vmem>>, vector<16xi32>,
      %add3A_273 = arith.constant 688 : i32
      %add3A_274 = arith.addi %mul3A_16, %add3A_273 : i32
      %get3A_275 = arith.index_cast %add3A_274 : i32 to index
      %get3A_276 = tpu.vector_load %arg5[%get3A_275] {strides = array<i32>} : memref<20000xi32, #tpu.memory_space<vmem>>, vector<16xi32>,
      %swap3A_277 = arith.constant 688 : index
      %swap3A_278 = tpu.vector_load %arg6[%swap3A_277] {strides = array<i32>} : memref<800xi32, #tpu.memory_space<vmem>>, vector<16xi32>,
      tpu.vector_store %arg6[%swap3A_277], %get3A_276 {strides = array<i32>} : memref<800xi32, #tpu.memory_space<vmem>>, vector<16xi32>,
      %add3A_279 = arith.constant 704 : i32
      %add3A_280 = arith.addi %mul3A_16, %add3A_279 : i32
      %get3A_281 = arith.index_cast %add3A_280 : i32 to index
      %get3A_282 = tpu.vector_load %arg5[%get3A_281] {strides = array<i32>} : memref<20000xi32, #tpu.memory_space<vmem>>, vector<16xi32>,
      %swap3A_283 = arith.constant 704 : index
      %swap3A_284 = tpu.vector_load %arg6[%swap3A_283] {strides = array<i32>} : memref<800xi32, #tpu.memory_space<vmem>>, vector<16xi32>,
      tpu.vector_store %arg6[%swap3A_283], %get3A_282 {strides = array<i32>} : memref<800xi32, #tpu.memory_space<vmem>>, vector<16xi32>,
      %add3A_285 = arith.constant 720 : i32
      %add3A_286 = arith.addi %mul3A_16, %add3A_285 : i32
      %get3A_287 = arith.index_cast %add3A_286 : i32 to index
      %get3A_288 = tpu.vector_load %arg5[%get3A_287] {strides = array<i32>} : memref<20000xi32, #tpu.memory_space<vmem>>, vector<16xi32>,
      %swap3A_289 = arith.constant 720 : index
      %swap3A_290 = tpu.vector_load %arg6[%swap3A_289] {strides = array<i32>} : memref<800xi32, #tpu.memory_space<vmem>>, vector<16xi32>,
      tpu.vector_store %arg6[%swap3A_289], %get3A_288 {strides = array<i32>} : memref<800xi32, #tpu.memory_space<vmem>>, vector<16xi32>,
      %add3A_291 = arith.constant 736 : i32
      %add3A_292 = arith.addi %mul3A_16, %add3A_291 : i32
      %get3A_293 = arith.index_cast %add3A_292 : i32 to index
      %get3A_294 = tpu.vector_load %arg5[%get3A_293] {strides = array<i32>} : memref<20000xi32, #tpu.memory_space<vmem>>, vector<16xi32>,
      %swap3A_295 = arith.constant 736 : index
      %swap3A_296 = tpu.vector_load %arg6[%swap3A_295] {strides = array<i32>} : memref<800xi32, #tpu.memory_space<vmem>>, vector<16xi32>,
      tpu.vector_store %arg6[%swap3A_295], %get3A_294 {strides = array<i32>} : memref<800xi32, #tpu.memory_space<vmem>>, vector<16xi32>,
      %add3A_297 = arith.constant 752 : i32
      %add3A_298 = arith.addi %mul3A_16, %add3A_297 : i32
      %get3A_299 = arith.index_cast %add3A_298 : i32 to index
      %get3A_300 = tpu.vector_load %arg5[%get3A_299] {strides = array<i32>} : memref<20000xi32, #tpu.memory_space<vmem>>, vector<16xi32>,
      %swap3A_301 = arith.constant 752 : index
      %swap3A_302 = tpu.vector_load %arg6[%swap3A_301] {strides = array<i32>} : memref<800xi32, #tpu.memory_space<vmem>>, vector<16xi32>,
      tpu.vector_store %arg6[%swap3A_301], %get3A_300 {strides = array<i32>} : memref<800xi32, #tpu.memory_space<vmem>>, vector<16xi32>,
      %add3A_303 = arith.constant 768 : i32
      %add3A_304 = arith.addi %mul3A_16, %add3A_303 : i32
      %get3A_305 = arith.index_cast %add3A_304 : i32 to index
      %get3A_306 = tpu.vector_load %arg5[%get3A_305] {strides = array<i32>} : memref<20000xi32, #tpu.memory_space<vmem>>, vector<16xi32>,
      %swap3A_307 = arith.constant 768 : index
      %swap3A_308 = tpu.vector_load %arg6[%swap3A_307] {strides = array<i32>} : memref<800xi32, #tpu.memory_space<vmem>>, vector<16xi32>,
      tpu.vector_store %arg6[%swap3A_307], %get3A_306 {strides = array<i32>} : memref<800xi32, #tpu.memory_space<vmem>>, vector<16xi32>,
      %add3A_309 = arith.constant 784 : i32
      %add3A_310 = arith.addi %mul3A_16, %add3A_309 : i32
      %get3A_311 = arith.index_cast %add3A_310 : i32 to index
      %get3A_312 = tpu.vector_load %arg5[%get3A_311] {strides = array<i32>} : memref<20000xi32, #tpu.memory_space<vmem>>, vector<16xi32>,
      %swap3A_313 = arith.constant 784 : index
      %swap3A_314 = tpu.vector_load %arg6[%swap3A_313] {strides = array<i32>} : memref<800xi32, #tpu.memory_space<vmem>>, vector<16xi32>,
      tpu.vector_store %arg6[%swap3A_313], %get3A_312 {strides = array<i32>} : memref<800xi32, #tpu.memory_space<vmem>>, vector<16xi32>,
      %dma_start3A = arith.constant 0 : i32
      %dma_start3A_315 = arith.constant 0 : i32
      %dma_start3A_316 = tpu.memref_slice %arg2[%dma_start3A, %dma_start3A_315] : memref<20000x64xi32, #tpu.memory_space<hbm>> -> memref<20000x64xi32, #tpu.memory_space<hbm>>
      tpu.enqueue_indirect_dma source(%dma_start3A_316 : memref<20000x64xi32, #tpu.memory_space<hbm>>) target(%arg7 : memref<800x64xi32, #tpu.memory_space<vmem>>) offsets(%arg6 : memref<800xi32, #tpu.memory_space<vmem>>) semaphore(%arg9 : memref<!tpu.dma_semaphore, #tpu.memory_space<semaphore_mem>>)
      %dma_wait3A = arith.constant 0 : i32
      %dma_wait3A_317 = arith.constant 0 : i32
      %dma_wait3A_318 = tpu.memref_slice %arg2[%dma_wait3A, %dma_wait3A_317] : memref<20000x64xi32, #tpu.memory_space<hbm>> -> memref<20000x64xi32, #tpu.memory_space<hbm>>
      tpu.wait_indirect_dma semaphore(%arg9 : memref<!tpu.dma_semaphore, #tpu.memory_space<semaphore_mem>>) src(%dma_wait3A_318 : memref<20000x64xi32, #tpu.memory_space<hbm>>) dst(%arg7 : memref<800x64xi32, #tpu.memory_space<vmem>>)
      %scan3A_319 = arith.constant 0 : i32
      %scan3A_320 = arith.constant 0 : i32
      %scan3A_321 = arith.constant 25 : i32
      %scan3A_322 = arith.addi %scan3A_320, %scan3A_321 : i32
      %scan3A_323 = arith.constant 1 : i32
      %scan3A_324 = scf.for %scan3A_327 = %scan3A_320 to %scan3A_322 step %scan3A_323 iter_args(%scan3A_328 = %scan3A_319) -> (i32)  : i32 {
        %mul3A_329 = arith.constant 16 : i32
        %mul3A_330 = arith.muli %scan3A_327, %mul3A_329 : i32
        %add3A_331 = vector.broadcast %mul3A_330 : i32 to vector<16xi32>
        %add3A_332 = arith.addi %add3A_331, %iota3A : vector<16xi32>
        %add3A_333 = arith.constant 400 : i32
        %add3A_334 = vector.broadcast %add3A_333 : i32 to vector<16xi32>
        %add3A_335 = arith.addi %add3A_332, %add3A_334 : vector<16xi32>
        %broadcast_in_dim3A = arith.constant 0.000000e+00 : f32
        %broadcast_in_dim3A_336 = vector.broadcast %broadcast_in_dim3A : f32 to vector<16xf32>
        %add3A_337 = arith.constant 0 : i32
        %add3A_338 = vector.broadcast %add3A_337 : i32 to vector<16xi32>
        %add3A_339 = arith.addi %iota3A, %add3A_338 : vector<16xi32>
        %and3A = arith.constant 63 : i32
        %and3A_340 = vector.broadcast %and3A : i32 to vector<16xi32>
        %and3A_341 = arith.andi %add3A_339, %and3A_340 : vector<16xi32>
        %gather3A = tpu.vector_load_idx %arg7[%add3A_332, %and3A_341] : memref<800x64xi32, #tpu.memory_space<vmem>>[vector<16xi32>, vector<16xi32>], vector<16xi32>,
        %gather3A_342 = tpu.vector_load_idx %arg7[%add3A_335, %and3A_341] : memref<800x64xi32, #tpu.memory_space<vmem>>[vector<16xi32>, vector<16xi32>], vector<16xi32>,
        %bitcast3A = vector.bitcast %gather3A : vector<16xi32> to vector<32xbf16>
        %bitcast3A_343 = vector.bitcast %gather3A_342 : vector<16xi32> to vector<32xbf16>
        %mul3A_344 = arith.mulf %bitcast3A, %bitcast3A_343 : vector<32xbf16>
        %unpack3A = tpu.unpack_subelements %mul3A_344, 0 {pack_format = #tpu.pack_format<interleaved>} : vector<32xbf16> -> vector<16xf32>
        %unpack3A_345 = tpu.unpack_subelements %mul3A_344, 1 {pack_format = #tpu.pack_format<interleaved>} : vector<32xbf16> -> vector<16xf32>
        %add3A_346 = arith.addf %broadcast_in_dim3A_336, %unpack3A : vector<16xf32>
        %add3A_347 = arith.addf %add3A_346, %unpack3A_345 : vector<16xf32>
        %add3A_348 = arith.constant 1 : i32
        %add3A_349 = vector.broadcast %add3A_348 : i32 to vector<16xi32>
        %add3A_350 = arith.addi %iota3A, %add3A_349 : vector<16xi32>
        %and3A_351 = arith.constant 63 : i32
        %and3A_352 = vector.broadcast %and3A_351 : i32 to vector<16xi32>
        %and3A_353 = arith.andi %add3A_350, %and3A_352 : vector<16xi32>
        %gather3A_354 = tpu.vector_load_idx %arg7[%add3A_332, %and3A_353] : memref<800x64xi32, #tpu.memory_space<vmem>>[vector<16xi32>, vector<16xi32>], vector<16xi32>,
        %gather3A_355 = tpu.vector_load_idx %arg7[%add3A_335, %and3A_353] : memref<800x64xi32, #tpu.memory_space<vmem>>[vector<16xi32>, vector<16xi32>], vector<16xi32>,
        %bitcast3A_356 = vector.bitcast %gather3A_354 : vector<16xi32> to vector<32xbf16>
        %bitcast3A_357 = vector.bitcast %gather3A_355 : vector<16xi32> to vector<32xbf16>
        %mul3A_358 = arith.mulf %bitcast3A_356, %bitcast3A_357 : vector<32xbf16>
        %unpack3A_359 = tpu.unpack_subelements %mul3A_358, 0 {pack_format = #tpu.pack_format<interleaved>} : vector<32xbf16> -> vector<16xf32>
        %unpack3A_360 = tpu.unpack_subelements %mul3A_358, 1 {pack_format = #tpu.pack_format<interleaved>} : vector<32xbf16> -> vector<16xf32>
        %add3A_361 = arith.addf %add3A_347, %unpack3A_359 : vector<16xf32>
        %add3A_362 = arith.addf %add3A_361, %unpack3A_360 : vector<16xf32>
        %add3A_363 = arith.constant 2 : i32
        %add3A_364 = vector.broadcast %add3A_363 : i32 to vector<16xi32>
        %add3A_365 = arith.addi %iota3A, %add3A_364 : vector<16xi32>
        %and3A_366 = arith.constant 63 : i32
        %and3A_367 = vector.broadcast %and3A_366 : i32 to vector<16xi32>
        %and3A_368 = arith.andi %add3A_365, %and3A_367 : vector<16xi32>
        %gather3A_369 = tpu.vector_load_idx %arg7[%add3A_332, %and3A_368] : memref<800x64xi32, #tpu.memory_space<vmem>>[vector<16xi32>, vector<16xi32>], vector<16xi32>,
        %gather3A_370 = tpu.vector_load_idx %arg7[%add3A_335, %and3A_368] : memref<800x64xi32, #tpu.memory_space<vmem>>[vector<16xi32>, vector<16xi32>], vector<16xi32>,
        %bitcast3A_371 = vector.bitcast %gather3A_369 : vector<16xi32> to vector<32xbf16>
        %bitcast3A_372 = vector.bitcast %gather3A_370 : vector<16xi32> to vector<32xbf16>
        %mul3A_373 = arith.mulf %bitcast3A_371, %bitcast3A_372 : vector<32xbf16>
        %unpack3A_374 = tpu.unpack_subelements %mul3A_373, 0 {pack_format = #tpu.pack_format<interleaved>} : vector<32xbf16> -> vector<16xf32>
        %unpack3A_375 = tpu.unpack_subelements %mul3A_373, 1 {pack_format = #tpu.pack_format<interleaved>} : vector<32xbf16> -> vector<16xf32>
        %add3A_376 = arith.addf %add3A_362, %unpack3A_374 : vector<16xf32>
        %add3A_377 = arith.addf %add3A_376, %unpack3A_375 : vector<16xf32>
        %add3A_378 = arith.constant 3 : i32
        %add3A_379 = vector.broadcast %add3A_378 : i32 to vector<16xi32>
        %add3A_380 = arith.addi %iota3A, %add3A_379 : vector<16xi32>
        %and3A_381 = arith.constant 63 : i32
        %and3A_382 = vector.broadcast %and3A_381 : i32 to vector<16xi32>
        %and3A_383 = arith.andi %add3A_380, %and3A_382 : vector<16xi32>
        %gather3A_384 = tpu.vector_load_idx %arg7[%add3A_332, %and3A_383] : memref<800x64xi32, #tpu.memory_space<vmem>>[vector<16xi32>, vector<16xi32>], vector<16xi32>,
        %gather3A_385 = tpu.vector_load_idx %arg7[%add3A_335, %and3A_383] : memref<800x64xi32, #tpu.memory_space<vmem>>[vector<16xi32>, vector<16xi32>], vector<16xi32>,
        %bitcast3A_386 = vector.bitcast %gather3A_384 : vector<16xi32> to vector<32xbf16>
        %bitcast3A_387 = vector.bitcast %gather3A_385 : vector<16xi32> to vector<32xbf16>
        %mul3A_388 = arith.mulf %bitcast3A_386, %bitcast3A_387 : vector<32xbf16>
        %unpack3A_389 = tpu.unpack_subelements %mul3A_388, 0 {pack_format = #tpu.pack_format<interleaved>} : vector<32xbf16> -> vector<16xf32>
        %unpack3A_390 = tpu.unpack_subelements %mul3A_388, 1 {pack_format = #tpu.pack_format<interleaved>} : vector<32xbf16> -> vector<16xf32>
        %add3A_391 = arith.addf %add3A_377, %unpack3A_389 : vector<16xf32>
        %add3A_392 = arith.addf %add3A_391, %unpack3A_390 : vector<16xf32>
        %add3A_393 = arith.constant 4 : i32
        %add3A_394 = vector.broadcast %add3A_393 : i32 to vector<16xi32>
        %add3A_395 = arith.addi %iota3A, %add3A_394 : vector<16xi32>
        %and3A_396 = arith.constant 63 : i32
        %and3A_397 = vector.broadcast %and3A_396 : i32 to vector<16xi32>
        %and3A_398 = arith.andi %add3A_395, %and3A_397 : vector<16xi32>
        %gather3A_399 = tpu.vector_load_idx %arg7[%add3A_332, %and3A_398] : memref<800x64xi32, #tpu.memory_space<vmem>>[vector<16xi32>, vector<16xi32>], vector<16xi32>,
        %gather3A_400 = tpu.vector_load_idx %arg7[%add3A_335, %and3A_398] : memref<800x64xi32, #tpu.memory_space<vmem>>[vector<16xi32>, vector<16xi32>], vector<16xi32>,
        %bitcast3A_401 = vector.bitcast %gather3A_399 : vector<16xi32> to vector<32xbf16>
        %bitcast3A_402 = vector.bitcast %gather3A_400 : vector<16xi32> to vector<32xbf16>
        %mul3A_403 = arith.mulf %bitcast3A_401, %bitcast3A_402 : vector<32xbf16>
        %unpack3A_404 = tpu.unpack_subelements %mul3A_403, 0 {pack_format = #tpu.pack_format<interleaved>} : vector<32xbf16> -> vector<16xf32>
        %unpack3A_405 = tpu.unpack_subelements %mul3A_403, 1 {pack_format = #tpu.pack_format<interleaved>} : vector<32xbf16> -> vector<16xf32>
        %add3A_406 = arith.addf %add3A_392, %unpack3A_404 : vector<16xf32>
        %add3A_407 = arith.addf %add3A_406, %unpack3A_405 : vector<16xf32>
        %add3A_408 = arith.constant 5 : i32
        %add3A_409 = vector.broadcast %add3A_408 : i32 to vector<16xi32>
        %add3A_410 = arith.addi %iota3A, %add3A_409 : vector<16xi32>
        %and3A_411 = arith.constant 63 : i32
        %and3A_412 = vector.broadcast %and3A_411 : i32 to vector<16xi32>
        %and3A_413 = arith.andi %add3A_410, %and3A_412 : vector<16xi32>
        %gather3A_414 = tpu.vector_load_idx %arg7[%add3A_332, %and3A_413] : memref<800x64xi32, #tpu.memory_space<vmem>>[vector<16xi32>, vector<16xi32>], vector<16xi32>,
        %gather3A_415 = tpu.vector_load_idx %arg7[%add3A_335, %and3A_413] : memref<800x64xi32, #tpu.memory_space<vmem>>[vector<16xi32>, vector<16xi32>], vector<16xi32>,
        %bitcast3A_416 = vector.bitcast %gather3A_414 : vector<16xi32> to vector<32xbf16>
        %bitcast3A_417 = vector.bitcast %gather3A_415 : vector<16xi32> to vector<32xbf16>
        %mul3A_418 = arith.mulf %bitcast3A_416, %bitcast3A_417 : vector<32xbf16>
        %unpack3A_419 = tpu.unpack_subelements %mul3A_418, 0 {pack_format = #tpu.pack_format<interleaved>} : vector<32xbf16> -> vector<16xf32>
        %unpack3A_420 = tpu.unpack_subelements %mul3A_418, 1 {pack_format = #tpu.pack_format<interleaved>} : vector<32xbf16> -> vector<16xf32>
        %add3A_421 = arith.addf %add3A_407, %unpack3A_419 : vector<16xf32>
        %add3A_422 = arith.addf %add3A_421, %unpack3A_420 : vector<16xf32>
        %add3A_423 = arith.constant 6 : i32
        %add3A_424 = vector.broadcast %add3A_423 : i32 to vector<16xi32>
        %add3A_425 = arith.addi %iota3A, %add3A_424 : vector<16xi32>
        %and3A_426 = arith.constant 63 : i32
        %and3A_427 = vector.broadcast %and3A_426 : i32 to vector<16xi32>
        %and3A_428 = arith.andi %add3A_425, %and3A_427 : vector<16xi32>
        %gather3A_429 = tpu.vector_load_idx %arg7[%add3A_332, %and3A_428] : memref<800x64xi32, #tpu.memory_space<vmem>>[vector<16xi32>, vector<16xi32>], vector<16xi32>,
        %gather3A_430 = tpu.vector_load_idx %arg7[%add3A_335, %and3A_428] : memref<800x64xi32, #tpu.memory_space<vmem>>[vector<16xi32>, vector<16xi32>], vector<16xi32>,
        %bitcast3A_431 = vector.bitcast %gather3A_429 : vector<16xi32> to vector<32xbf16>
        %bitcast3A_432 = vector.bitcast %gather3A_430 : vector<16xi32> to vector<32xbf16>
        %mul3A_433 = arith.mulf %bitcast3A_431, %bitcast3A_432 : vector<32xbf16>
        %unpack3A_434 = tpu.unpack_subelements %mul3A_433, 0 {pack_format = #tpu.pack_format<interleaved>} : vector<32xbf16> -> vector<16xf32>
        %unpack3A_435 = tpu.unpack_subelements %mul3A_433, 1 {pack_format = #tpu.pack_format<interleaved>} : vector<32xbf16> -> vector<16xf32>
        %add3A_436 = arith.addf %add3A_422, %unpack3A_434 : vector<16xf32>
        %add3A_437 = arith.addf %add3A_436, %unpack3A_435 : vector<16xf32>
        %add3A_438 = arith.constant 7 : i32
        %add3A_439 = vector.broadcast %add3A_438 : i32 to vector<16xi32>
        %add3A_440 = arith.addi %iota3A, %add3A_439 : vector<16xi32>
        %and3A_441 = arith.constant 63 : i32
        %and3A_442 = vector.broadcast %and3A_441 : i32 to vector<16xi32>
        %and3A_443 = arith.andi %add3A_440, %and3A_442 : vector<16xi32>
        %gather3A_444 = tpu.vector_load_idx %arg7[%add3A_332, %and3A_443] : memref<800x64xi32, #tpu.memory_space<vmem>>[vector<16xi32>, vector<16xi32>], vector<16xi32>,
        %gather3A_445 = tpu.vector_load_idx %arg7[%add3A_335, %and3A_443] : memref<800x64xi32, #tpu.memory_space<vmem>>[vector<16xi32>, vector<16xi32>], vector<16xi32>,
        %bitcast3A_446 = vector.bitcast %gather3A_444 : vector<16xi32> to vector<32xbf16>
        %bitcast3A_447 = vector.bitcast %gather3A_445 : vector<16xi32> to vector<32xbf16>
        %mul3A_448 = arith.mulf %bitcast3A_446, %bitcast3A_447 : vector<32xbf16>
        %unpack3A_449 = tpu.unpack_subelements %mul3A_448, 0 {pack_format = #tpu.pack_format<interleaved>} : vector<32xbf16> -> vector<16xf32>
        %unpack3A_450 = tpu.unpack_subelements %mul3A_448, 1 {pack_format = #tpu.pack_format<interleaved>} : vector<32xbf16> -> vector<16xf32>
        %add3A_451 = arith.addf %add3A_437, %unpack3A_449 : vector<16xf32>
        %add3A_452 = arith.addf %add3A_451, %unpack3A_450 : vector<16xf32>
        %add3A_453 = arith.constant 8 : i32
        %add3A_454 = vector.broadcast %add3A_453 : i32 to vector<16xi32>
        %add3A_455 = arith.addi %iota3A, %add3A_454 : vector<16xi32>
        %and3A_456 = arith.constant 63 : i32
        %and3A_457 = vector.broadcast %and3A_456 : i32 to vector<16xi32>
        %and3A_458 = arith.andi %add3A_455, %and3A_457 : vector<16xi32>
        %gather3A_459 = tpu.vector_load_idx %arg7[%add3A_332, %and3A_458] : memref<800x64xi32, #tpu.memory_space<vmem>>[vector<16xi32>, vector<16xi32>], vector<16xi32>,
        %gather3A_460 = tpu.vector_load_idx %arg7[%add3A_335, %and3A_458] : memref<800x64xi32, #tpu.memory_space<vmem>>[vector<16xi32>, vector<16xi32>], vector<16xi32>,
        %bitcast3A_461 = vector.bitcast %gather3A_459 : vector<16xi32> to vector<32xbf16>
        %bitcast3A_462 = vector.bitcast %gather3A_460 : vector<16xi32> to vector<32xbf16>
        %mul3A_463 = arith.mulf %bitcast3A_461, %bitcast3A_462 : vector<32xbf16>
        %unpack3A_464 = tpu.unpack_subelements %mul3A_463, 0 {pack_format = #tpu.pack_format<interleaved>} : vector<32xbf16> -> vector<16xf32>
        %unpack3A_465 = tpu.unpack_subelements %mul3A_463, 1 {pack_format = #tpu.pack_format<interleaved>} : vector<32xbf16> -> vector<16xf32>
        %add3A_466 = arith.addf %add3A_452, %unpack3A_464 : vector<16xf32>
        %add3A_467 = arith.addf %add3A_466, %unpack3A_465 : vector<16xf32>
        %add3A_468 = arith.constant 9 : i32
        %add3A_469 = vector.broadcast %add3A_468 : i32 to vector<16xi32>
        %add3A_470 = arith.addi %iota3A, %add3A_469 : vector<16xi32>
        %and3A_471 = arith.constant 63 : i32
        %and3A_472 = vector.broadcast %and3A_471 : i32 to vector<16xi32>
        %and3A_473 = arith.andi %add3A_470, %and3A_472 : vector<16xi32>
        %gather3A_474 = tpu.vector_load_idx %arg7[%add3A_332, %and3A_473] : memref<800x64xi32, #tpu.memory_space<vmem>>[vector<16xi32>, vector<16xi32>], vector<16xi32>,
        %gather3A_475 = tpu.vector_load_idx %arg7[%add3A_335, %and3A_473] : memref<800x64xi32, #tpu.memory_space<vmem>>[vector<16xi32>, vector<16xi32>], vector<16xi32>,
        %bitcast3A_476 = vector.bitcast %gather3A_474 : vector<16xi32> to vector<32xbf16>
        %bitcast3A_477 = vector.bitcast %gather3A_475 : vector<16xi32> to vector<32xbf16>
        %mul3A_478 = arith.mulf %bitcast3A_476, %bitcast3A_477 : vector<32xbf16>
        %unpack3A_479 = tpu.unpack_subelements %mul3A_478, 0 {pack_format = #tpu.pack_format<interleaved>} : vector<32xbf16> -> vector<16xf32>
        %unpack3A_480 = tpu.unpack_subelements %mul3A_478, 1 {pack_format = #tpu.pack_format<interleaved>} : vector<32xbf16> -> vector<16xf32>
        %add3A_481 = arith.addf %add3A_467, %unpack3A_479 : vector<16xf32>
        %add3A_482 = arith.addf %add3A_481, %unpack3A_480 : vector<16xf32>
        %add3A_483 = arith.constant 10 : i32
        %add3A_484 = vector.broadcast %add3A_483 : i32 to vector<16xi32>
        %add3A_485 = arith.addi %iota3A, %add3A_484 : vector<16xi32>
        %and3A_486 = arith.constant 63 : i32
        %and3A_487 = vector.broadcast %and3A_486 : i32 to vector<16xi32>
        %and3A_488 = arith.andi %add3A_485, %and3A_487 : vector<16xi32>
        %gather3A_489 = tpu.vector_load_idx %arg7[%add3A_332, %and3A_488] : memref<800x64xi32, #tpu.memory_space<vmem>>[vector<16xi32>, vector<16xi32>], vector<16xi32>,
        %gather3A_490 = tpu.vector_load_idx %arg7[%add3A_335, %and3A_488] : memref<800x64xi32, #tpu.memory_space<vmem>>[vector<16xi32>, vector<16xi32>], vector<16xi32>,
        %bitcast3A_491 = vector.bitcast %gather3A_489 : vector<16xi32> to vector<32xbf16>
        %bitcast3A_492 = vector.bitcast %gather3A_490 : vector<16xi32> to vector<32xbf16>
        %mul3A_493 = arith.mulf %bitcast3A_491, %bitcast3A_492 : vector<32xbf16>
        %unpack3A_494 = tpu.unpack_subelements %mul3A_493, 0 {pack_format = #tpu.pack_format<interleaved>} : vector<32xbf16> -> vector<16xf32>
        %unpack3A_495 = tpu.unpack_subelements %mul3A_493, 1 {pack_format = #tpu.pack_format<interleaved>} : vector<32xbf16> -> vector<16xf32>
        %add3A_496 = arith.addf %add3A_482, %unpack3A_494 : vector<16xf32>
        %add3A_497 = arith.addf %add3A_496, %unpack3A_495 : vector<16xf32>
        %add3A_498 = arith.constant 11 : i32
        %add3A_499 = vector.broadcast %add3A_498 : i32 to vector<16xi32>
        %add3A_500 = arith.addi %iota3A, %add3A_499 : vector<16xi32>
        %and3A_501 = arith.constant 63 : i32
        %and3A_502 = vector.broadcast %and3A_501 : i32 to vector<16xi32>
        %and3A_503 = arith.andi %add3A_500, %and3A_502 : vector<16xi32>
        %gather3A_504 = tpu.vector_load_idx %arg7[%add3A_332, %and3A_503] : memref<800x64xi32, #tpu.memory_space<vmem>>[vector<16xi32>, vector<16xi32>], vector<16xi32>,
        %gather3A_505 = tpu.vector_load_idx %arg7[%add3A_335, %and3A_503] : memref<800x64xi32, #tpu.memory_space<vmem>>[vector<16xi32>, vector<16xi32>], vector<16xi32>,
        %bitcast3A_506 = vector.bitcast %gather3A_504 : vector<16xi32> to vector<32xbf16>
        %bitcast3A_507 = vector.bitcast %gather3A_505 : vector<16xi32> to vector<32xbf16>
        %mul3A_508 = arith.mulf %bitcast3A_506, %bitcast3A_507 : vector<32xbf16>
        %unpack3A_509 = tpu.unpack_subelements %mul3A_508, 0 {pack_format = #tpu.pack_format<interleaved>} : vector<32xbf16> -> vector<16xf32>
        %unpack3A_510 = tpu.unpack_subelements %mul3A_508, 1 {pack_format = #tpu.pack_format<interleaved>} : vector<32xbf16> -> vector<16xf32>
        %add3A_511 = arith.addf %add3A_497, %unpack3A_509 : vector<16xf32>
        %add3A_512 = arith.addf %add3A_511, %unpack3A_510 : vector<16xf32>
        %add3A_513 = arith.constant 12 : i32
        %add3A_514 = vector.broadcast %add3A_513 : i32 to vector<16xi32>
        %add3A_515 = arith.addi %iota3A, %add3A_514 : vector<16xi32>
        %and3A_516 = arith.constant 63 : i32
        %and3A_517 = vector.broadcast %and3A_516 : i32 to vector<16xi32>
        %and3A_518 = arith.andi %add3A_515, %and3A_517 : vector<16xi32>
        %gather3A_519 = tpu.vector_load_idx %arg7[%add3A_332, %and3A_518] : memref<800x64xi32, #tpu.memory_space<vmem>>[vector<16xi32>, vector<16xi32>], vector<16xi32>,
        %gather3A_520 = tpu.vector_load_idx %arg7[%add3A_335, %and3A_518] : memref<800x64xi32, #tpu.memory_space<vmem>>[vector<16xi32>, vector<16xi32>], vector<16xi32>,
        %bitcast3A_521 = vector.bitcast %gather3A_519 : vector<16xi32> to vector<32xbf16>
        %bitcast3A_522 = vector.bitcast %gather3A_520 : vector<16xi32> to vector<32xbf16>
        %mul3A_523 = arith.mulf %bitcast3A_521, %bitcast3A_522 : vector<32xbf16>
        %unpack3A_524 = tpu.unpack_subelements %mul3A_523, 0 {pack_format = #tpu.pack_format<interleaved>} : vector<32xbf16> -> vector<16xf32>
        %unpack3A_525 = tpu.unpack_subelements %mul3A_523, 1 {pack_format = #tpu.pack_format<interleaved>} : vector<32xbf16> -> vector<16xf32>
        %add3A_526 = arith.addf %add3A_512, %unpack3A_524 : vector<16xf32>
        %add3A_527 = arith.addf %add3A_526, %unpack3A_525 : vector<16xf32>
        %add3A_528 = arith.constant 13 : i32
        %add3A_529 = vector.broadcast %add3A_528 : i32 to vector<16xi32>
        %add3A_530 = arith.addi %iota3A, %add3A_529 : vector<16xi32>
        %and3A_531 = arith.constant 63 : i32
        %and3A_532 = vector.broadcast %and3A_531 : i32 to vector<16xi32>
        %and3A_533 = arith.andi %add3A_530, %and3A_532 : vector<16xi32>
        %gather3A_534 = tpu.vector_load_idx %arg7[%add3A_332, %and3A_533] : memref<800x64xi32, #tpu.memory_space<vmem>>[vector<16xi32>, vector<16xi32>], vector<16xi32>,
        %gather3A_535 = tpu.vector_load_idx %arg7[%add3A_335, %and3A_533] : memref<800x64xi32, #tpu.memory_space<vmem>>[vector<16xi32>, vector<16xi32>], vector<16xi32>,
        %bitcast3A_536 = vector.bitcast %gather3A_534 : vector<16xi32> to vector<32xbf16>
        %bitcast3A_537 = vector.bitcast %gather3A_535 : vector<16xi32> to vector<32xbf16>
        %mul3A_538 = arith.mulf %bitcast3A_536, %bitcast3A_537 : vector<32xbf16>
        %unpack3A_539 = tpu.unpack_subelements %mul3A_538, 0 {pack_format = #tpu.pack_format<interleaved>} : vector<32xbf16> -> vector<16xf32>
        %unpack3A_540 = tpu.unpack_subelements %mul3A_538, 1 {pack_format = #tpu.pack_format<interleaved>} : vector<32xbf16> -> vector<16xf32>
        %add3A_541 = arith.addf %add3A_527, %unpack3A_539 : vector<16xf32>
        %add3A_542 = arith.addf %add3A_541, %unpack3A_540 : vector<16xf32>
        %add3A_543 = arith.constant 14 : i32
        %add3A_544 = vector.broadcast %add3A_543 : i32 to vector<16xi32>
        %add3A_545 = arith.addi %iota3A, %add3A_544 : vector<16xi32>
        %and3A_546 = arith.constant 63 : i32
        %and3A_547 = vector.broadcast %and3A_546 : i32 to vector<16xi32>
        %and3A_548 = arith.andi %add3A_545, %and3A_547 : vector<16xi32>
        %gather3A_549 = tpu.vector_load_idx %arg7[%add3A_332, %and3A_548] : memref<800x64xi32, #tpu.memory_space<vmem>>[vector<16xi32>, vector<16xi32>], vector<16xi32>,
        %gather3A_550 = tpu.vector_load_idx %arg7[%add3A_335, %and3A_548] : memref<800x64xi32, #tpu.memory_space<vmem>>[vector<16xi32>, vector<16xi32>], vector<16xi32>,
        %bitcast3A_551 = vector.bitcast %gather3A_549 : vector<16xi32> to vector<32xbf16>
        %bitcast3A_552 = vector.bitcast %gather3A_550 : vector<16xi32> to vector<32xbf16>
        %mul3A_553 = arith.mulf %bitcast3A_551, %bitcast3A_552 : vector<32xbf16>
        %unpack3A_554 = tpu.unpack_subelements %mul3A_553, 0 {pack_format = #tpu.pack_format<interleaved>} : vector<32xbf16> -> vector<16xf32>
        %unpack3A_555 = tpu.unpack_subelements %mul3A_553, 1 {pack_format = #tpu.pack_format<interleaved>} : vector<32xbf16> -> vector<16xf32>
        %add3A_556 = arith.addf %add3A_542, %unpack3A_554 : vector<16xf32>
        %add3A_557 = arith.addf %add3A_556, %unpack3A_555 : vector<16xf32>
        %add3A_558 = arith.constant 15 : i32
        %add3A_559 = vector.broadcast %add3A_558 : i32 to vector<16xi32>
        %add3A_560 = arith.addi %iota3A, %add3A_559 : vector<16xi32>
        %and3A_561 = arith.constant 63 : i32
        %and3A_562 = vector.broadcast %and3A_561 : i32 to vector<16xi32>
        %and3A_563 = arith.andi %add3A_560, %and3A_562 : vector<16xi32>
        %gather3A_564 = tpu.vector_load_idx %arg7[%add3A_332, %and3A_563] : memref<800x64xi32, #tpu.memory_space<vmem>>[vector<16xi32>, vector<16xi32>], vector<16xi32>,
        %gather3A_565 = tpu.vector_load_idx %arg7[%add3A_335, %and3A_563] : memref<800x64xi32, #tpu.memory_space<vmem>>[vector<16xi32>, vector<16xi32>], vector<16xi32>,
        %bitcast3A_566 = vector.bitcast %gather3A_564 : vector<16xi32> to vector<32xbf16>
        %bitcast3A_567 = vector.bitcast %gather3A_565 : vector<16xi32> to vector<32xbf16>
        %mul3A_568 = arith.mulf %bitcast3A_566, %bitcast3A_567 : vector<32xbf16>
        %unpack3A_569 = tpu.unpack_subelements %mul3A_568, 0 {pack_format = #tpu.pack_format<interleaved>} : vector<32xbf16> -> vector<16xf32>
        %unpack3A_570 = tpu.unpack_subelements %mul3A_568, 1 {pack_format = #tpu.pack_format<interleaved>} : vector<32xbf16> -> vector<16xf32>
        %add3A_571 = arith.addf %add3A_557, %unpack3A_569 : vector<16xf32>
        %add3A_572 = arith.addf %add3A_571, %unpack3A_570 : vector<16xf32>
        %add3A_573 = arith.constant 16 : i32
        %add3A_574 = vector.broadcast %add3A_573 : i32 to vector<16xi32>
        %add3A_575 = arith.addi %iota3A, %add3A_574 : vector<16xi32>
        %and3A_576 = arith.constant 63 : i32
        %and3A_577 = vector.broadcast %and3A_576 : i32 to vector<16xi32>
        %and3A_578 = arith.andi %add3A_575, %and3A_577 : vector<16xi32>
        %gather3A_579 = tpu.vector_load_idx %arg7[%add3A_332, %and3A_578] : memref<800x64xi32, #tpu.memory_space<vmem>>[vector<16xi32>, vector<16xi32>], vector<16xi32>,
        %gather3A_580 = tpu.vector_load_idx %arg7[%add3A_335, %and3A_578] : memref<800x64xi32, #tpu.memory_space<vmem>>[vector<16xi32>, vector<16xi32>], vector<16xi32>,
        %bitcast3A_581 = vector.bitcast %gather3A_579 : vector<16xi32> to vector<32xbf16>
        %bitcast3A_582 = vector.bitcast %gather3A_580 : vector<16xi32> to vector<32xbf16>
        %mul3A_583 = arith.mulf %bitcast3A_581, %bitcast3A_582 : vector<32xbf16>
        %unpack3A_584 = tpu.unpack_subelements %mul3A_583, 0 {pack_format = #tpu.pack_format<interleaved>} : vector<32xbf16> -> vector<16xf32>
        %unpack3A_585 = tpu.unpack_subelements %mul3A_583, 1 {pack_format = #tpu.pack_format<interleaved>} : vector<32xbf16> -> vector<16xf32>
        %add3A_586 = arith.addf %add3A_572, %unpack3A_584 : vector<16xf32>
        %add3A_587 = arith.addf %add3A_586, %unpack3A_585 : vector<16xf32>
        %add3A_588 = arith.constant 17 : i32
        %add3A_589 = vector.broadcast %add3A_588 : i32 to vector<16xi32>
        %add3A_590 = arith.addi %iota3A, %add3A_589 : vector<16xi32>
        %and3A_591 = arith.constant 63 : i32
        %and3A_592 = vector.broadcast %and3A_591 : i32 to vector<16xi32>
        %and3A_593 = arith.andi %add3A_590, %and3A_592 : vector<16xi32>
        %gather3A_594 = tpu.vector_load_idx %arg7[%add3A_332, %and3A_593] : memref<800x64xi32, #tpu.memory_space<vmem>>[vector<16xi32>, vector<16xi32>], vector<16xi32>,
        %gather3A_595 = tpu.vector_load_idx %arg7[%add3A_335, %and3A_593] : memref<800x64xi32, #tpu.memory_space<vmem>>[vector<16xi32>, vector<16xi32>], vector<16xi32>,
        %bitcast3A_596 = vector.bitcast %gather3A_594 : vector<16xi32> to vector<32xbf16>
        %bitcast3A_597 = vector.bitcast %gather3A_595 : vector<16xi32> to vector<32xbf16>
        %mul3A_598 = arith.mulf %bitcast3A_596, %bitcast3A_597 : vector<32xbf16>
        %unpack3A_599 = tpu.unpack_subelements %mul3A_598, 0 {pack_format = #tpu.pack_format<interleaved>} : vector<32xbf16> -> vector<16xf32>
        %unpack3A_600 = tpu.unpack_subelements %mul3A_598, 1 {pack_format = #tpu.pack_format<interleaved>} : vector<32xbf16> -> vector<16xf32>
        %add3A_601 = arith.addf %add3A_587, %unpack3A_599 : vector<16xf32>
        %add3A_602 = arith.addf %add3A_601, %unpack3A_600 : vector<16xf32>
        %add3A_603 = arith.constant 18 : i32
        %add3A_604 = vector.broadcast %add3A_603 : i32 to vector<16xi32>
        %add3A_605 = arith.addi %iota3A, %add3A_604 : vector<16xi32>
        %and3A_606 = arith.constant 63 : i32
        %and3A_607 = vector.broadcast %and3A_606 : i32 to vector<16xi32>
        %and3A_608 = arith.andi %add3A_605, %and3A_607 : vector<16xi32>
        %gather3A_609 = tpu.vector_load_idx %arg7[%add3A_332, %and3A_608] : memref<800x64xi32, #tpu.memory_space<vmem>>[vector<16xi32>, vector<16xi32>], vector<16xi32>,
        %gather3A_610 = tpu.vector_load_idx %arg7[%add3A_335, %and3A_608] : memref<800x64xi32, #tpu.memory_space<vmem>>[vector<16xi32>, vector<16xi32>], vector<16xi32>,
        %bitcast3A_611 = vector.bitcast %gather3A_609 : vector<16xi32> to vector<32xbf16>
        %bitcast3A_612 = vector.bitcast %gather3A_610 : vector<16xi32> to vector<32xbf16>
        %mul3A_613 = arith.mulf %bitcast3A_611, %bitcast3A_612 : vector<32xbf16>
        %unpack3A_614 = tpu.unpack_subelements %mul3A_613, 0 {pack_format = #tpu.pack_format<interleaved>} : vector<32xbf16> -> vector<16xf32>
        %unpack3A_615 = tpu.unpack_subelements %mul3A_613, 1 {pack_format = #tpu.pack_format<interleaved>} : vector<32xbf16> -> vector<16xf32>
        %add3A_616 = arith.addf %add3A_602, %unpack3A_614 : vector<16xf32>
        %add3A_617 = arith.addf %add3A_616, %unpack3A_615 : vector<16xf32>
        %add3A_618 = arith.constant 19 : i32
        %add3A_619 = vector.broadcast %add3A_618 : i32 to vector<16xi32>
        %add3A_620 = arith.addi %iota3A, %add3A_619 : vector<16xi32>
        %and3A_621 = arith.constant 63 : i32
        %and3A_622 = vector.broadcast %and3A_621 : i32 to vector<16xi32>
        %and3A_623 = arith.andi %add3A_620, %and3A_622 : vector<16xi32>
        %gather3A_624 = tpu.vector_load_idx %arg7[%add3A_332, %and3A_623] : memref<800x64xi32, #tpu.memory_space<vmem>>[vector<16xi32>, vector<16xi32>], vector<16xi32>,
        %gather3A_625 = tpu.vector_load_idx %arg7[%add3A_335, %and3A_623] : memref<800x64xi32, #tpu.memory_space<vmem>>[vector<16xi32>, vector<16xi32>], vector<16xi32>,
        %bitcast3A_626 = vector.bitcast %gather3A_624 : vector<16xi32> to vector<32xbf16>
        %bitcast3A_627 = vector.bitcast %gather3A_625 : vector<16xi32> to vector<32xbf16>
        %mul3A_628 = arith.mulf %bitcast3A_626, %bitcast3A_627 : vector<32xbf16>
        %unpack3A_629 = tpu.unpack_subelements %mul3A_628, 0 {pack_format = #tpu.pack_format<interleaved>} : vector<32xbf16> -> vector<16xf32>
        %unpack3A_630 = tpu.unpack_subelements %mul3A_628, 1 {pack_format = #tpu.pack_format<interleaved>} : vector<32xbf16> -> vector<16xf32>
        %add3A_631 = arith.addf %add3A_617, %unpack3A_629 : vector<16xf32>
        %add3A_632 = arith.addf %add3A_631, %unpack3A_630 : vector<16xf32>
        %add3A_633 = arith.constant 20 : i32
        %add3A_634 = vector.broadcast %add3A_633 : i32 to vector<16xi32>
        %add3A_635 = arith.addi %iota3A, %add3A_634 : vector<16xi32>
        %and3A_636 = arith.constant 63 : i32
        %and3A_637 = vector.broadcast %and3A_636 : i32 to vector<16xi32>
        %and3A_638 = arith.andi %add3A_635, %and3A_637 : vector<16xi32>
        %gather3A_639 = tpu.vector_load_idx %arg7[%add3A_332, %and3A_638] : memref<800x64xi32, #tpu.memory_space<vmem>>[vector<16xi32>, vector<16xi32>], vector<16xi32>,
        %gather3A_640 = tpu.vector_load_idx %arg7[%add3A_335, %and3A_638] : memref<800x64xi32, #tpu.memory_space<vmem>>[vector<16xi32>, vector<16xi32>], vector<16xi32>,
        %bitcast3A_641 = vector.bitcast %gather3A_639 : vector<16xi32> to vector<32xbf16>
        %bitcast3A_642 = vector.bitcast %gather3A_640 : vector<16xi32> to vector<32xbf16>
        %mul3A_643 = arith.mulf %bitcast3A_641, %bitcast3A_642 : vector<32xbf16>
        %unpack3A_644 = tpu.unpack_subelements %mul3A_643, 0 {pack_format = #tpu.pack_format<interleaved>} : vector<32xbf16> -> vector<16xf32>
        %unpack3A_645 = tpu.unpack_subelements %mul3A_643, 1 {pack_format = #tpu.pack_format<interleaved>} : vector<32xbf16> -> vector<16xf32>
        %add3A_646 = arith.addf %add3A_632, %unpack3A_644 : vector<16xf32>
        %add3A_647 = arith.addf %add3A_646, %unpack3A_645 : vector<16xf32>
        %add3A_648 = arith.constant 21 : i32
        %add3A_649 = vector.broadcast %add3A_648 : i32 to vector<16xi32>
        %add3A_650 = arith.addi %iota3A, %add3A_649 : vector<16xi32>
        %and3A_651 = arith.constant 63 : i32
        %and3A_652 = vector.broadcast %and3A_651 : i32 to vector<16xi32>
        %and3A_653 = arith.andi %add3A_650, %and3A_652 : vector<16xi32>
        %gather3A_654 = tpu.vector_load_idx %arg7[%add3A_332, %and3A_653] : memref<800x64xi32, #tpu.memory_space<vmem>>[vector<16xi32>, vector<16xi32>], vector<16xi32>,
        %gather3A_655 = tpu.vector_load_idx %arg7[%add3A_335, %and3A_653] : memref<800x64xi32, #tpu.memory_space<vmem>>[vector<16xi32>, vector<16xi32>], vector<16xi32>,
        %bitcast3A_656 = vector.bitcast %gather3A_654 : vector<16xi32> to vector<32xbf16>
        %bitcast3A_657 = vector.bitcast %gather3A_655 : vector<16xi32> to vector<32xbf16>
        %mul3A_658 = arith.mulf %bitcast3A_656, %bitcast3A_657 : vector<32xbf16>
        %unpack3A_659 = tpu.unpack_subelements %mul3A_658, 0 {pack_format = #tpu.pack_format<interleaved>} : vector<32xbf16> -> vector<16xf32>
        %unpack3A_660 = tpu.unpack_subelements %mul3A_658, 1 {pack_format = #tpu.pack_format<interleaved>} : vector<32xbf16> -> vector<16xf32>
        %add3A_661 = arith.addf %add3A_647, %unpack3A_659 : vector<16xf32>
        %add3A_662 = arith.addf %add3A_661, %unpack3A_660 : vector<16xf32>
        %add3A_663 = arith.constant 22 : i32
        %add3A_664 = vector.broadcast %add3A_663 : i32 to vector<16xi32>
        %add3A_665 = arith.addi %iota3A, %add3A_664 : vector<16xi32>
        %and3A_666 = arith.constant 63 : i32
        %and3A_667 = vector.broadcast %and3A_666 : i32 to vector<16xi32>
        %and3A_668 = arith.andi %add3A_665, %and3A_667 : vector<16xi32>
        %gather3A_669 = tpu.vector_load_idx %arg7[%add3A_332, %and3A_668] : memref<800x64xi32, #tpu.memory_space<vmem>>[vector<16xi32>, vector<16xi32>], vector<16xi32>,
        %gather3A_670 = tpu.vector_load_idx %arg7[%add3A_335, %and3A_668] : memref<800x64xi32, #tpu.memory_space<vmem>>[vector<16xi32>, vector<16xi32>], vector<16xi32>,
        %bitcast3A_671 = vector.bitcast %gather3A_669 : vector<16xi32> to vector<32xbf16>
        %bitcast3A_672 = vector.bitcast %gather3A_670 : vector<16xi32> to vector<32xbf16>
        %mul3A_673 = arith.mulf %bitcast3A_671, %bitcast3A_672 : vector<32xbf16>
        %unpack3A_674 = tpu.unpack_subelements %mul3A_673, 0 {pack_format = #tpu.pack_format<interleaved>} : vector<32xbf16> -> vector<16xf32>
        %unpack3A_675 = tpu.unpack_subelements %mul3A_673, 1 {pack_format = #tpu.pack_format<interleaved>} : vector<32xbf16> -> vector<16xf32>
        %add3A_676 = arith.addf %add3A_662, %unpack3A_674 : vector<16xf32>
        %add3A_677 = arith.addf %add3A_676, %unpack3A_675 : vector<16xf32>
        %add3A_678 = arith.constant 23 : i32
        %add3A_679 = vector.broadcast %add3A_678 : i32 to vector<16xi32>
        %add3A_680 = arith.addi %iota3A, %add3A_679 : vector<16xi32>
        %and3A_681 = arith.constant 63 : i32
        %and3A_682 = vector.broadcast %and3A_681 : i32 to vector<16xi32>
        %and3A_683 = arith.andi %add3A_680, %and3A_682 : vector<16xi32>
        %gather3A_684 = tpu.vector_load_idx %arg7[%add3A_332, %and3A_683] : memref<800x64xi32, #tpu.memory_space<vmem>>[vector<16xi32>, vector<16xi32>], vector<16xi32>,
        %gather3A_685 = tpu.vector_load_idx %arg7[%add3A_335, %and3A_683] : memref<800x64xi32, #tpu.memory_space<vmem>>[vector<16xi32>, vector<16xi32>], vector<16xi32>,
        %bitcast3A_686 = vector.bitcast %gather3A_684 : vector<16xi32> to vector<32xbf16>
        %bitcast3A_687 = vector.bitcast %gather3A_685 : vector<16xi32> to vector<32xbf16>
        %mul3A_688 = arith.mulf %bitcast3A_686, %bitcast3A_687 : vector<32xbf16>
        %unpack3A_689 = tpu.unpack_subelements %mul3A_688, 0 {pack_format = #tpu.pack_format<interleaved>} : vector<32xbf16> -> vector<16xf32>
        %unpack3A_690 = tpu.unpack_subelements %mul3A_688, 1 {pack_format = #tpu.pack_format<interleaved>} : vector<32xbf16> -> vector<16xf32>
        %add3A_691 = arith.addf %add3A_677, %unpack3A_689 : vector<16xf32>
        %add3A_692 = arith.addf %add3A_691, %unpack3A_690 : vector<16xf32>
        %add3A_693 = arith.constant 24 : i32
        %add3A_694 = vector.broadcast %add3A_693 : i32 to vector<16xi32>
        %add3A_695 = arith.addi %iota3A, %add3A_694 : vector<16xi32>
        %and3A_696 = arith.constant 63 : i32
        %and3A_697 = vector.broadcast %and3A_696 : i32 to vector<16xi32>
        %and3A_698 = arith.andi %add3A_695, %and3A_697 : vector<16xi32>
        %gather3A_699 = tpu.vector_load_idx %arg7[%add3A_332, %and3A_698] : memref<800x64xi32, #tpu.memory_space<vmem>>[vector<16xi32>, vector<16xi32>], vector<16xi32>,
        %gather3A_700 = tpu.vector_load_idx %arg7[%add3A_335, %and3A_698] : memref<800x64xi32, #tpu.memory_space<vmem>>[vector<16xi32>, vector<16xi32>], vector<16xi32>,
        %bitcast3A_701 = vector.bitcast %gather3A_699 : vector<16xi32> to vector<32xbf16>
        %bitcast3A_702 = vector.bitcast %gather3A_700 : vector<16xi32> to vector<32xbf16>
        %mul3A_703 = arith.mulf %bitcast3A_701, %bitcast3A_702 : vector<32xbf16>
        %unpack3A_704 = tpu.unpack_subelements %mul3A_703, 0 {pack_format = #tpu.pack_format<interleaved>} : vector<32xbf16> -> vector<16xf32>
        %unpack3A_705 = tpu.unpack_subelements %mul3A_703, 1 {pack_format = #tpu.pack_format<interleaved>} : vector<32xbf16> -> vector<16xf32>
        %add3A_706 = arith.addf %add3A_692, %unpack3A_704 : vector<16xf32>
        %add3A_707 = arith.addf %add3A_706, %unpack3A_705 : vector<16xf32>
        %add3A_708 = arith.constant 25 : i32
        %add3A_709 = vector.broadcast %add3A_708 : i32 to vector<16xi32>
        %add3A_710 = arith.addi %iota3A, %add3A_709 : vector<16xi32>
        %and3A_711 = arith.constant 63 : i32
        %and3A_712 = vector.broadcast %and3A_711 : i32 to vector<16xi32>
        %and3A_713 = arith.andi %add3A_710, %and3A_712 : vector<16xi32>
        %gather3A_714 = tpu.vector_load_idx %arg7[%add3A_332, %and3A_713] : memref<800x64xi32, #tpu.memory_space<vmem>>[vector<16xi32>, vector<16xi32>], vector<16xi32>,
        %gather3A_715 = tpu.vector_load_idx %arg7[%add3A_335, %and3A_713] : memref<800x64xi32, #tpu.memory_space<vmem>>[vector<16xi32>, vector<16xi32>], vector<16xi32>,
        %bitcast3A_716 = vector.bitcast %gather3A_714 : vector<16xi32> to vector<32xbf16>
        %bitcast3A_717 = vector.bitcast %gather3A_715 : vector<16xi32> to vector<32xbf16>
        %mul3A_718 = arith.mulf %bitcast3A_716, %bitcast3A_717 : vector<32xbf16>
        %unpack3A_719 = tpu.unpack_subelements %mul3A_718, 0 {pack_format = #tpu.pack_format<interleaved>} : vector<32xbf16> -> vector<16xf32>
        %unpack3A_720 = tpu.unpack_subelements %mul3A_718, 1 {pack_format = #tpu.pack_format<interleaved>} : vector<32xbf16> -> vector<16xf32>
        %add3A_721 = arith.addf %add3A_707, %unpack3A_719 : vector<16xf32>
        %add3A_722 = arith.addf %add3A_721, %unpack3A_720 : vector<16xf32>
        %add3A_723 = arith.constant 26 : i32
        %add3A_724 = vector.broadcast %add3A_723 : i32 to vector<16xi32>
        %add3A_725 = arith.addi %iota3A, %add3A_724 : vector<16xi32>
        %and3A_726 = arith.constant 63 : i32
        %and3A_727 = vector.broadcast %and3A_726 : i32 to vector<16xi32>
        %and3A_728 = arith.andi %add3A_725, %and3A_727 : vector<16xi32>
        %gather3A_729 = tpu.vector_load_idx %arg7[%add3A_332, %and3A_728] : memref<800x64xi32, #tpu.memory_space<vmem>>[vector<16xi32>, vector<16xi32>], vector<16xi32>,
        %gather3A_730 = tpu.vector_load_idx %arg7[%add3A_335, %and3A_728] : memref<800x64xi32, #tpu.memory_space<vmem>>[vector<16xi32>, vector<16xi32>], vector<16xi32>,
        %bitcast3A_731 = vector.bitcast %gather3A_729 : vector<16xi32> to vector<32xbf16>
        %bitcast3A_732 = vector.bitcast %gather3A_730 : vector<16xi32> to vector<32xbf16>
        %mul3A_733 = arith.mulf %bitcast3A_731, %bitcast3A_732 : vector<32xbf16>
        %unpack3A_734 = tpu.unpack_subelements %mul3A_733, 0 {pack_format = #tpu.pack_format<interleaved>} : vector<32xbf16> -> vector<16xf32>
        %unpack3A_735 = tpu.unpack_subelements %mul3A_733, 1 {pack_format = #tpu.pack_format<interleaved>} : vector<32xbf16> -> vector<16xf32>
        %add3A_736 = arith.addf %add3A_722, %unpack3A_734 : vector<16xf32>
        %add3A_737 = arith.addf %add3A_736, %unpack3A_735 : vector<16xf32>
        %add3A_738 = arith.constant 27 : i32
        %add3A_739 = vector.broadcast %add3A_738 : i32 to vector<16xi32>
        %add3A_740 = arith.addi %iota3A, %add3A_739 : vector<16xi32>
        %and3A_741 = arith.constant 63 : i32
        %and3A_742 = vector.broadcast %and3A_741 : i32 to vector<16xi32>
        %and3A_743 = arith.andi %add3A_740, %and3A_742 : vector<16xi32>
        %gather3A_744 = tpu.vector_load_idx %arg7[%add3A_332, %and3A_743] : memref<800x64xi32, #tpu.memory_space<vmem>>[vector<16xi32>, vector<16xi32>], vector<16xi32>,
        %gather3A_745 = tpu.vector_load_idx %arg7[%add3A_335, %and3A_743] : memref<800x64xi32, #tpu.memory_space<vmem>>[vector<16xi32>, vector<16xi32>], vector<16xi32>,
        %bitcast3A_746 = vector.bitcast %gather3A_744 : vector<16xi32> to vector<32xbf16>
        %bitcast3A_747 = vector.bitcast %gather3A_745 : vector<16xi32> to vector<32xbf16>
        %mul3A_748 = arith.mulf %bitcast3A_746, %bitcast3A_747 : vector<32xbf16>
        %unpack3A_749 = tpu.unpack_subelements %mul3A_748, 0 {pack_format = #tpu.pack_format<interleaved>} : vector<32xbf16> -> vector<16xf32>
        %unpack3A_750 = tpu.unpack_subelements %mul3A_748, 1 {pack_format = #tpu.pack_format<interleaved>} : vector<32xbf16> -> vector<16xf32>
        %add3A_751 = arith.addf %add3A_737, %unpack3A_749 : vector<16xf32>
        %add3A_752 = arith.addf %add3A_751, %unpack3A_750 : vector<16xf32>
        %add3A_753 = arith.constant 28 : i32
        %add3A_754 = vector.broadcast %add3A_753 : i32 to vector<16xi32>
        %add3A_755 = arith.addi %iota3A, %add3A_754 : vector<16xi32>
        %and3A_756 = arith.constant 63 : i32
        %and3A_757 = vector.broadcast %and3A_756 : i32 to vector<16xi32>
        %and3A_758 = arith.andi %add3A_755, %and3A_757 : vector<16xi32>
        %gather3A_759 = tpu.vector_load_idx %arg7[%add3A_332, %and3A_758] : memref<800x64xi32, #tpu.memory_space<vmem>>[vector<16xi32>, vector<16xi32>], vector<16xi32>,
        %gather3A_760 = tpu.vector_load_idx %arg7[%add3A_335, %and3A_758] : memref<800x64xi32, #tpu.memory_space<vmem>>[vector<16xi32>, vector<16xi32>], vector<16xi32>,
        %bitcast3A_761 = vector.bitcast %gather3A_759 : vector<16xi32> to vector<32xbf16>
        %bitcast3A_762 = vector.bitcast %gather3A_760 : vector<16xi32> to vector<32xbf16>
        %mul3A_763 = arith.mulf %bitcast3A_761, %bitcast3A_762 : vector<32xbf16>
        %unpack3A_764 = tpu.unpack_subelements %mul3A_763, 0 {pack_format = #tpu.pack_format<interleaved>} : vector<32xbf16> -> vector<16xf32>
        %unpack3A_765 = tpu.unpack_subelements %mul3A_763, 1 {pack_format = #tpu.pack_format<interleaved>} : vector<32xbf16> -> vector<16xf32>
        %add3A_766 = arith.addf %add3A_752, %unpack3A_764 : vector<16xf32>
        %add3A_767 = arith.addf %add3A_766, %unpack3A_765 : vector<16xf32>
        %add3A_768 = arith.constant 29 : i32
        %add3A_769 = vector.broadcast %add3A_768 : i32 to vector<16xi32>
        %add3A_770 = arith.addi %iota3A, %add3A_769 : vector<16xi32>
        %and3A_771 = arith.constant 63 : i32
        %and3A_772 = vector.broadcast %and3A_771 : i32 to vector<16xi32>
        %and3A_773 = arith.andi %add3A_770, %and3A_772 : vector<16xi32>
        %gather3A_774 = tpu.vector_load_idx %arg7[%add3A_332, %and3A_773] : memref<800x64xi32, #tpu.memory_space<vmem>>[vector<16xi32>, vector<16xi32>], vector<16xi32>,
        %gather3A_775 = tpu.vector_load_idx %arg7[%add3A_335, %and3A_773] : memref<800x64xi32, #tpu.memory_space<vmem>>[vector<16xi32>, vector<16xi32>], vector<16xi32>,
        %bitcast3A_776 = vector.bitcast %gather3A_774 : vector<16xi32> to vector<32xbf16>
        %bitcast3A_777 = vector.bitcast %gather3A_775 : vector<16xi32> to vector<32xbf16>
        %mul3A_778 = arith.mulf %bitcast3A_776, %bitcast3A_777 : vector<32xbf16>
        %unpack3A_779 = tpu.unpack_subelements %mul3A_778, 0 {pack_format = #tpu.pack_format<interleaved>} : vector<32xbf16> -> vector<16xf32>
        %unpack3A_780 = tpu.unpack_subelements %mul3A_778, 1 {pack_format = #tpu.pack_format<interleaved>} : vector<32xbf16> -> vector<16xf32>
        %add3A_781 = arith.addf %add3A_767, %unpack3A_779 : vector<16xf32>
        %add3A_782 = arith.addf %add3A_781, %unpack3A_780 : vector<16xf32>
        %add3A_783 = arith.constant 30 : i32
        %add3A_784 = vector.broadcast %add3A_783 : i32 to vector<16xi32>
        %add3A_785 = arith.addi %iota3A, %add3A_784 : vector<16xi32>
        %and3A_786 = arith.constant 63 : i32
        %and3A_787 = vector.broadcast %and3A_786 : i32 to vector<16xi32>
        %and3A_788 = arith.andi %add3A_785, %and3A_787 : vector<16xi32>
        %gather3A_789 = tpu.vector_load_idx %arg7[%add3A_332, %and3A_788] : memref<800x64xi32, #tpu.memory_space<vmem>>[vector<16xi32>, vector<16xi32>], vector<16xi32>,
        %gather3A_790 = tpu.vector_load_idx %arg7[%add3A_335, %and3A_788] : memref<800x64xi32, #tpu.memory_space<vmem>>[vector<16xi32>, vector<16xi32>], vector<16xi32>,
        %bitcast3A_791 = vector.bitcast %gather3A_789 : vector<16xi32> to vector<32xbf16>
        %bitcast3A_792 = vector.bitcast %gather3A_790 : vector<16xi32> to vector<32xbf16>
        %mul3A_793 = arith.mulf %bitcast3A_791, %bitcast3A_792 : vector<32xbf16>
        %unpack3A_794 = tpu.unpack_subelements %mul3A_793, 0 {pack_format = #tpu.pack_format<interleaved>} : vector<32xbf16> -> vector<16xf32>
        %unpack3A_795 = tpu.unpack_subelements %mul3A_793, 1 {pack_format = #tpu.pack_format<interleaved>} : vector<32xbf16> -> vector<16xf32>
        %add3A_796 = arith.addf %add3A_782, %unpack3A_794 : vector<16xf32>
        %add3A_797 = arith.addf %add3A_796, %unpack3A_795 : vector<16xf32>
        %add3A_798 = arith.constant 31 : i32
        %add3A_799 = vector.broadcast %add3A_798 : i32 to vector<16xi32>
        %add3A_800 = arith.addi %iota3A, %add3A_799 : vector<16xi32>
        %and3A_801 = arith.constant 63 : i32
        %and3A_802 = vector.broadcast %and3A_801 : i32 to vector<16xi32>
        %and3A_803 = arith.andi %add3A_800, %and3A_802 : vector<16xi32>
        %gather3A_804 = tpu.vector_load_idx %arg7[%add3A_332, %and3A_803] : memref<800x64xi32, #tpu.memory_space<vmem>>[vector<16xi32>, vector<16xi32>], vector<16xi32>,
        %gather3A_805 = tpu.vector_load_idx %arg7[%add3A_335, %and3A_803] : memref<800x64xi32, #tpu.memory_space<vmem>>[vector<16xi32>, vector<16xi32>], vector<16xi32>,
        %bitcast3A_806 = vector.bitcast %gather3A_804 : vector<16xi32> to vector<32xbf16>
        %bitcast3A_807 = vector.bitcast %gather3A_805 : vector<16xi32> to vector<32xbf16>
        %mul3A_808 = arith.mulf %bitcast3A_806, %bitcast3A_807 : vector<32xbf16>
        %unpack3A_809 = tpu.unpack_subelements %mul3A_808, 0 {pack_format = #tpu.pack_format<interleaved>} : vector<32xbf16> -> vector<16xf32>
        %unpack3A_810 = tpu.unpack_subelements %mul3A_808, 1 {pack_format = #tpu.pack_format<interleaved>} : vector<32xbf16> -> vector<16xf32>
        %add3A_811 = arith.addf %add3A_797, %unpack3A_809 : vector<16xf32>
        %add3A_812 = arith.addf %add3A_811, %unpack3A_810 : vector<16xf32>
        %add3A_813 = arith.constant 32 : i32
        %add3A_814 = vector.broadcast %add3A_813 : i32 to vector<16xi32>
        %add3A_815 = arith.addi %iota3A, %add3A_814 : vector<16xi32>
        %and3A_816 = arith.constant 63 : i32
        %and3A_817 = vector.broadcast %and3A_816 : i32 to vector<16xi32>
        %and3A_818 = arith.andi %add3A_815, %and3A_817 : vector<16xi32>
        %gather3A_819 = tpu.vector_load_idx %arg7[%add3A_332, %and3A_818] : memref<800x64xi32, #tpu.memory_space<vmem>>[vector<16xi32>, vector<16xi32>], vector<16xi32>,
        %gather3A_820 = tpu.vector_load_idx %arg7[%add3A_335, %and3A_818] : memref<800x64xi32, #tpu.memory_space<vmem>>[vector<16xi32>, vector<16xi32>], vector<16xi32>,
        %bitcast3A_821 = vector.bitcast %gather3A_819 : vector<16xi32> to vector<32xbf16>
        %bitcast3A_822 = vector.bitcast %gather3A_820 : vector<16xi32> to vector<32xbf16>
        %mul3A_823 = arith.mulf %bitcast3A_821, %bitcast3A_822 : vector<32xbf16>
        %unpack3A_824 = tpu.unpack_subelements %mul3A_823, 0 {pack_format = #tpu.pack_format<interleaved>} : vector<32xbf16> -> vector<16xf32>
        %unpack3A_825 = tpu.unpack_subelements %mul3A_823, 1 {pack_format = #tpu.pack_format<interleaved>} : vector<32xbf16> -> vector<16xf32>
        %add3A_826 = arith.addf %add3A_812, %unpack3A_824 : vector<16xf32>
        %add3A_827 = arith.addf %add3A_826, %unpack3A_825 : vector<16xf32>
        %add3A_828 = arith.constant 33 : i32
        %add3A_829 = vector.broadcast %add3A_828 : i32 to vector<16xi32>
        %add3A_830 = arith.addi %iota3A, %add3A_829 : vector<16xi32>
        %and3A_831 = arith.constant 63 : i32
        %and3A_832 = vector.broadcast %and3A_831 : i32 to vector<16xi32>
        %and3A_833 = arith.andi %add3A_830, %and3A_832 : vector<16xi32>
        %gather3A_834 = tpu.vector_load_idx %arg7[%add3A_332, %and3A_833] : memref<800x64xi32, #tpu.memory_space<vmem>>[vector<16xi32>, vector<16xi32>], vector<16xi32>,
        %gather3A_835 = tpu.vector_load_idx %arg7[%add3A_335, %and3A_833] : memref<800x64xi32, #tpu.memory_space<vmem>>[vector<16xi32>, vector<16xi32>], vector<16xi32>,
        %bitcast3A_836 = vector.bitcast %gather3A_834 : vector<16xi32> to vector<32xbf16>
        %bitcast3A_837 = vector.bitcast %gather3A_835 : vector<16xi32> to vector<32xbf16>
        %mul3A_838 = arith.mulf %bitcast3A_836, %bitcast3A_837 : vector<32xbf16>
        %unpack3A_839 = tpu.unpack_subelements %mul3A_838, 0 {pack_format = #tpu.pack_format<interleaved>} : vector<32xbf16> -> vector<16xf32>
        %unpack3A_840 = tpu.unpack_subelements %mul3A_838, 1 {pack_format = #tpu.pack_format<interleaved>} : vector<32xbf16> -> vector<16xf32>
        %add3A_841 = arith.addf %add3A_827, %unpack3A_839 : vector<16xf32>
        %add3A_842 = arith.addf %add3A_841, %unpack3A_840 : vector<16xf32>
        %add3A_843 = arith.constant 34 : i32
        %add3A_844 = vector.broadcast %add3A_843 : i32 to vector<16xi32>
        %add3A_845 = arith.addi %iota3A, %add3A_844 : vector<16xi32>
        %and3A_846 = arith.constant 63 : i32
        %and3A_847 = vector.broadcast %and3A_846 : i32 to vector<16xi32>
        %and3A_848 = arith.andi %add3A_845, %and3A_847 : vector<16xi32>
        %gather3A_849 = tpu.vector_load_idx %arg7[%add3A_332, %and3A_848] : memref<800x64xi32, #tpu.memory_space<vmem>>[vector<16xi32>, vector<16xi32>], vector<16xi32>,
        %gather3A_850 = tpu.vector_load_idx %arg7[%add3A_335, %and3A_848] : memref<800x64xi32, #tpu.memory_space<vmem>>[vector<16xi32>, vector<16xi32>], vector<16xi32>,
        %bitcast3A_851 = vector.bitcast %gather3A_849 : vector<16xi32> to vector<32xbf16>
        %bitcast3A_852 = vector.bitcast %gather3A_850 : vector<16xi32> to vector<32xbf16>
        %mul3A_853 = arith.mulf %bitcast3A_851, %bitcast3A_852 : vector<32xbf16>
        %unpack3A_854 = tpu.unpack_subelements %mul3A_853, 0 {pack_format = #tpu.pack_format<interleaved>} : vector<32xbf16> -> vector<16xf32>
        %unpack3A_855 = tpu.unpack_subelements %mul3A_853, 1 {pack_format = #tpu.pack_format<interleaved>} : vector<32xbf16> -> vector<16xf32>
        %add3A_856 = arith.addf %add3A_842, %unpack3A_854 : vector<16xf32>
        %add3A_857 = arith.addf %add3A_856, %unpack3A_855 : vector<16xf32>
        %add3A_858 = arith.constant 35 : i32
        %add3A_859 = vector.broadcast %add3A_858 : i32 to vector<16xi32>
        %add3A_860 = arith.addi %iota3A, %add3A_859 : vector<16xi32>
        %and3A_861 = arith.constant 63 : i32
        %and3A_862 = vector.broadcast %and3A_861 : i32 to vector<16xi32>
        %and3A_863 = arith.andi %add3A_860, %and3A_862 : vector<16xi32>
        %gather3A_864 = tpu.vector_load_idx %arg7[%add3A_332, %and3A_863] : memref<800x64xi32, #tpu.memory_space<vmem>>[vector<16xi32>, vector<16xi32>], vector<16xi32>,
        %gather3A_865 = tpu.vector_load_idx %arg7[%add3A_335, %and3A_863] : memref<800x64xi32, #tpu.memory_space<vmem>>[vector<16xi32>, vector<16xi32>], vector<16xi32>,
        %bitcast3A_866 = vector.bitcast %gather3A_864 : vector<16xi32> to vector<32xbf16>
        %bitcast3A_867 = vector.bitcast %gather3A_865 : vector<16xi32> to vector<32xbf16>
        %mul3A_868 = arith.mulf %bitcast3A_866, %bitcast3A_867 : vector<32xbf16>
        %unpack3A_869 = tpu.unpack_subelements %mul3A_868, 0 {pack_format = #tpu.pack_format<interleaved>} : vector<32xbf16> -> vector<16xf32>
        %unpack3A_870 = tpu.unpack_subelements %mul3A_868, 1 {pack_format = #tpu.pack_format<interleaved>} : vector<32xbf16> -> vector<16xf32>
        %add3A_871 = arith.addf %add3A_857, %unpack3A_869 : vector<16xf32>
        %add3A_872 = arith.addf %add3A_871, %unpack3A_870 : vector<16xf32>
        %add3A_873 = arith.constant 36 : i32
        %add3A_874 = vector.broadcast %add3A_873 : i32 to vector<16xi32>
        %add3A_875 = arith.addi %iota3A, %add3A_874 : vector<16xi32>
        %and3A_876 = arith.constant 63 : i32
        %and3A_877 = vector.broadcast %and3A_876 : i32 to vector<16xi32>
        %and3A_878 = arith.andi %add3A_875, %and3A_877 : vector<16xi32>
        %gather3A_879 = tpu.vector_load_idx %arg7[%add3A_332, %and3A_878] : memref<800x64xi32, #tpu.memory_space<vmem>>[vector<16xi32>, vector<16xi32>], vector<16xi32>,
        %gather3A_880 = tpu.vector_load_idx %arg7[%add3A_335, %and3A_878] : memref<800x64xi32, #tpu.memory_space<vmem>>[vector<16xi32>, vector<16xi32>], vector<16xi32>,
        %bitcast3A_881 = vector.bitcast %gather3A_879 : vector<16xi32> to vector<32xbf16>
        %bitcast3A_882 = vector.bitcast %gather3A_880 : vector<16xi32> to vector<32xbf16>
        %mul3A_883 = arith.mulf %bitcast3A_881, %bitcast3A_882 : vector<32xbf16>
        %unpack3A_884 = tpu.unpack_subelements %mul3A_883, 0 {pack_format = #tpu.pack_format<interleaved>} : vector<32xbf16> -> vector<16xf32>
        %unpack3A_885 = tpu.unpack_subelements %mul3A_883, 1 {pack_format = #tpu.pack_format<interleaved>} : vector<32xbf16> -> vector<16xf32>
        %add3A_886 = arith.addf %add3A_872, %unpack3A_884 : vector<16xf32>
        %add3A_887 = arith.addf %add3A_886, %unpack3A_885 : vector<16xf32>
        %add3A_888 = arith.constant 37 : i32
        %add3A_889 = vector.broadcast %add3A_888 : i32 to vector<16xi32>
        %add3A_890 = arith.addi %iota3A, %add3A_889 : vector<16xi32>
        %and3A_891 = arith.constant 63 : i32
        %and3A_892 = vector.broadcast %and3A_891 : i32 to vector<16xi32>
        %and3A_893 = arith.andi %add3A_890, %and3A_892 : vector<16xi32>
        %gather3A_894 = tpu.vector_load_idx %arg7[%add3A_332, %and3A_893] : memref<800x64xi32, #tpu.memory_space<vmem>>[vector<16xi32>, vector<16xi32>], vector<16xi32>,
        %gather3A_895 = tpu.vector_load_idx %arg7[%add3A_335, %and3A_893] : memref<800x64xi32, #tpu.memory_space<vmem>>[vector<16xi32>, vector<16xi32>], vector<16xi32>,
        %bitcast3A_896 = vector.bitcast %gather3A_894 : vector<16xi32> to vector<32xbf16>
        %bitcast3A_897 = vector.bitcast %gather3A_895 : vector<16xi32> to vector<32xbf16>
        %mul3A_898 = arith.mulf %bitcast3A_896, %bitcast3A_897 : vector<32xbf16>
        %unpack3A_899 = tpu.unpack_subelements %mul3A_898, 0 {pack_format = #tpu.pack_format<interleaved>} : vector<32xbf16> -> vector<16xf32>
        %unpack3A_900 = tpu.unpack_subelements %mul3A_898, 1 {pack_format = #tpu.pack_format<interleaved>} : vector<32xbf16> -> vector<16xf32>
        %add3A_901 = arith.addf %add3A_887, %unpack3A_899 : vector<16xf32>
        %add3A_902 = arith.addf %add3A_901, %unpack3A_900 : vector<16xf32>
        %add3A_903 = arith.constant 38 : i32
        %add3A_904 = vector.broadcast %add3A_903 : i32 to vector<16xi32>
        %add3A_905 = arith.addi %iota3A, %add3A_904 : vector<16xi32>
        %and3A_906 = arith.constant 63 : i32
        %and3A_907 = vector.broadcast %and3A_906 : i32 to vector<16xi32>
        %and3A_908 = arith.andi %add3A_905, %and3A_907 : vector<16xi32>
        %gather3A_909 = tpu.vector_load_idx %arg7[%add3A_332, %and3A_908] : memref<800x64xi32, #tpu.memory_space<vmem>>[vector<16xi32>, vector<16xi32>], vector<16xi32>,
        %gather3A_910 = tpu.vector_load_idx %arg7[%add3A_335, %and3A_908] : memref<800x64xi32, #tpu.memory_space<vmem>>[vector<16xi32>, vector<16xi32>], vector<16xi32>,
        %bitcast3A_911 = vector.bitcast %gather3A_909 : vector<16xi32> to vector<32xbf16>
        %bitcast3A_912 = vector.bitcast %gather3A_910 : vector<16xi32> to vector<32xbf16>
        %mul3A_913 = arith.mulf %bitcast3A_911, %bitcast3A_912 : vector<32xbf16>
        %unpack3A_914 = tpu.unpack_subelements %mul3A_913, 0 {pack_format = #tpu.pack_format<interleaved>} : vector<32xbf16> -> vector<16xf32>
        %unpack3A_915 = tpu.unpack_subelements %mul3A_913, 1 {pack_format = #tpu.pack_format<interleaved>} : vector<32xbf16> -> vector<16xf32>
        %add3A_916 = arith.addf %add3A_902, %unpack3A_914 : vector<16xf32>
        %add3A_917 = arith.addf %add3A_916, %unpack3A_915 : vector<16xf32>
        %add3A_918 = arith.constant 39 : i32
        %add3A_919 = vector.broadcast %add3A_918 : i32 to vector<16xi32>
        %add3A_920 = arith.addi %iota3A, %add3A_919 : vector<16xi32>
        %and3A_921 = arith.constant 63 : i32
        %and3A_922 = vector.broadcast %and3A_921 : i32 to vector<16xi32>
        %and3A_923 = arith.andi %add3A_920, %and3A_922 : vector<16xi32>
        %gather3A_924 = tpu.vector_load_idx %arg7[%add3A_332, %and3A_923] : memref<800x64xi32, #tpu.memory_space<vmem>>[vector<16xi32>, vector<16xi32>], vector<16xi32>,
        %gather3A_925 = tpu.vector_load_idx %arg7[%add3A_335, %and3A_923] : memref<800x64xi32, #tpu.memory_space<vmem>>[vector<16xi32>, vector<16xi32>], vector<16xi32>,
        %bitcast3A_926 = vector.bitcast %gather3A_924 : vector<16xi32> to vector<32xbf16>
        %bitcast3A_927 = vector.bitcast %gather3A_925 : vector<16xi32> to vector<32xbf16>
        %mul3A_928 = arith.mulf %bitcast3A_926, %bitcast3A_927 : vector<32xbf16>
        %unpack3A_929 = tpu.unpack_subelements %mul3A_928, 0 {pack_format = #tpu.pack_format<interleaved>} : vector<32xbf16> -> vector<16xf32>
        %unpack3A_930 = tpu.unpack_subelements %mul3A_928, 1 {pack_format = #tpu.pack_format<interleaved>} : vector<32xbf16> -> vector<16xf32>
        %add3A_931 = arith.addf %add3A_917, %unpack3A_929 : vector<16xf32>
        %add3A_932 = arith.addf %add3A_931, %unpack3A_930 : vector<16xf32>
        %add3A_933 = arith.constant 40 : i32
        %add3A_934 = vector.broadcast %add3A_933 : i32 to vector<16xi32>
        %add3A_935 = arith.addi %iota3A, %add3A_934 : vector<16xi32>
        %and3A_936 = arith.constant 63 : i32
        %and3A_937 = vector.broadcast %and3A_936 : i32 to vector<16xi32>
        %and3A_938 = arith.andi %add3A_935, %and3A_937 : vector<16xi32>
        %gather3A_939 = tpu.vector_load_idx %arg7[%add3A_332, %and3A_938] : memref<800x64xi32, #tpu.memory_space<vmem>>[vector<16xi32>, vector<16xi32>], vector<16xi32>,
        %gather3A_940 = tpu.vector_load_idx %arg7[%add3A_335, %and3A_938] : memref<800x64xi32, #tpu.memory_space<vmem>>[vector<16xi32>, vector<16xi32>], vector<16xi32>,
        %bitcast3A_941 = vector.bitcast %gather3A_939 : vector<16xi32> to vector<32xbf16>
        %bitcast3A_942 = vector.bitcast %gather3A_940 : vector<16xi32> to vector<32xbf16>
        %mul3A_943 = arith.mulf %bitcast3A_941, %bitcast3A_942 : vector<32xbf16>
        %unpack3A_944 = tpu.unpack_subelements %mul3A_943, 0 {pack_format = #tpu.pack_format<interleaved>} : vector<32xbf16> -> vector<16xf32>
        %unpack3A_945 = tpu.unpack_subelements %mul3A_943, 1 {pack_format = #tpu.pack_format<interleaved>} : vector<32xbf16> -> vector<16xf32>
        %add3A_946 = arith.addf %add3A_932, %unpack3A_944 : vector<16xf32>
        %add3A_947 = arith.addf %add3A_946, %unpack3A_945 : vector<16xf32>
        %add3A_948 = arith.constant 41 : i32
        %add3A_949 = vector.broadcast %add3A_948 : i32 to vector<16xi32>
        %add3A_950 = arith.addi %iota3A, %add3A_949 : vector<16xi32>
        %and3A_951 = arith.constant 63 : i32
        %and3A_952 = vector.broadcast %and3A_951 : i32 to vector<16xi32>
        %and3A_953 = arith.andi %add3A_950, %and3A_952 : vector<16xi32>
        %gather3A_954 = tpu.vector_load_idx %arg7[%add3A_332, %and3A_953] : memref<800x64xi32, #tpu.memory_space<vmem>>[vector<16xi32>, vector<16xi32>], vector<16xi32>,
        %gather3A_955 = tpu.vector_load_idx %arg7[%add3A_335, %and3A_953] : memref<800x64xi32, #tpu.memory_space<vmem>>[vector<16xi32>, vector<16xi32>], vector<16xi32>,
        %bitcast3A_956 = vector.bitcast %gather3A_954 : vector<16xi32> to vector<32xbf16>
        %bitcast3A_957 = vector.bitcast %gather3A_955 : vector<16xi32> to vector<32xbf16>
        %mul3A_958 = arith.mulf %bitcast3A_956, %bitcast3A_957 : vector<32xbf16>
        %unpack3A_959 = tpu.unpack_subelements %mul3A_958, 0 {pack_format = #tpu.pack_format<interleaved>} : vector<32xbf16> -> vector<16xf32>
        %unpack3A_960 = tpu.unpack_subelements %mul3A_958, 1 {pack_format = #tpu.pack_format<interleaved>} : vector<32xbf16> -> vector<16xf32>
        %add3A_961 = arith.addf %add3A_947, %unpack3A_959 : vector<16xf32>
        %add3A_962 = arith.addf %add3A_961, %unpack3A_960 : vector<16xf32>
        %add3A_963 = arith.constant 42 : i32
        %add3A_964 = vector.broadcast %add3A_963 : i32 to vector<16xi32>
        %add3A_965 = arith.addi %iota3A, %add3A_964 : vector<16xi32>
        %and3A_966 = arith.constant 63 : i32
        %and3A_967 = vector.broadcast %and3A_966 : i32 to vector<16xi32>
        %and3A_968 = arith.andi %add3A_965, %and3A_967 : vector<16xi32>
        %gather3A_969 = tpu.vector_load_idx %arg7[%add3A_332, %and3A_968] : memref<800x64xi32, #tpu.memory_space<vmem>>[vector<16xi32>, vector<16xi32>], vector<16xi32>,
        %gather3A_970 = tpu.vector_load_idx %arg7[%add3A_335, %and3A_968] : memref<800x64xi32, #tpu.memory_space<vmem>>[vector<16xi32>, vector<16xi32>], vector<16xi32>,
        %bitcast3A_971 = vector.bitcast %gather3A_969 : vector<16xi32> to vector<32xbf16>
        %bitcast3A_972 = vector.bitcast %gather3A_970 : vector<16xi32> to vector<32xbf16>
        %mul3A_973 = arith.mulf %bitcast3A_971, %bitcast3A_972 : vector<32xbf16>
        %unpack3A_974 = tpu.unpack_subelements %mul3A_973, 0 {pack_format = #tpu.pack_format<interleaved>} : vector<32xbf16> -> vector<16xf32>
        %unpack3A_975 = tpu.unpack_subelements %mul3A_973, 1 {pack_format = #tpu.pack_format<interleaved>} : vector<32xbf16> -> vector<16xf32>
        %add3A_976 = arith.addf %add3A_962, %unpack3A_974 : vector<16xf32>
        %add3A_977 = arith.addf %add3A_976, %unpack3A_975 : vector<16xf32>
        %add3A_978 = arith.constant 43 : i32
        %add3A_979 = vector.broadcast %add3A_978 : i32 to vector<16xi32>
        %add3A_980 = arith.addi %iota3A, %add3A_979 : vector<16xi32>
        %and3A_981 = arith.constant 63 : i32
        %and3A_982 = vector.broadcast %and3A_981 : i32 to vector<16xi32>
        %and3A_983 = arith.andi %add3A_980, %and3A_982 : vector<16xi32>
        %gather3A_984 = tpu.vector_load_idx %arg7[%add3A_332, %and3A_983] : memref<800x64xi32, #tpu.memory_space<vmem>>[vector<16xi32>, vector<16xi32>], vector<16xi32>,
        %gather3A_985 = tpu.vector_load_idx %arg7[%add3A_335, %and3A_983] : memref<800x64xi32, #tpu.memory_space<vmem>>[vector<16xi32>, vector<16xi32>], vector<16xi32>,
        %bitcast3A_986 = vector.bitcast %gather3A_984 : vector<16xi32> to vector<32xbf16>
        %bitcast3A_987 = vector.bitcast %gather3A_985 : vector<16xi32> to vector<32xbf16>
        %mul3A_988 = arith.mulf %bitcast3A_986, %bitcast3A_987 : vector<32xbf16>
        %unpack3A_989 = tpu.unpack_subelements %mul3A_988, 0 {pack_format = #tpu.pack_format<interleaved>} : vector<32xbf16> -> vector<16xf32>
        %unpack3A_990 = tpu.unpack_subelements %mul3A_988, 1 {pack_format = #tpu.pack_format<interleaved>} : vector<32xbf16> -> vector<16xf32>
        %add3A_991 = arith.addf %add3A_977, %unpack3A_989 : vector<16xf32>
        %add3A_992 = arith.addf %add3A_991, %unpack3A_990 : vector<16xf32>
        %add3A_993 = arith.constant 44 : i32
        %add3A_994 = vector.broadcast %add3A_993 : i32 to vector<16xi32>
        %add3A_995 = arith.addi %iota3A, %add3A_994 : vector<16xi32>
        %and3A_996 = arith.constant 63 : i32
        %and3A_997 = vector.broadcast %and3A_996 : i32 to vector<16xi32>
        %and3A_998 = arith.andi %add3A_995, %and3A_997 : vector<16xi32>
        %gather3A_999 = tpu.vector_load_idx %arg7[%add3A_332, %and3A_998] : memref<800x64xi32, #tpu.memory_space<vmem>>[vector<16xi32>, vector<16xi32>], vector<16xi32>,
        %gather3A_1000 = tpu.vector_load_idx %arg7[%add3A_335, %and3A_998] : memref<800x64xi32, #tpu.memory_space<vmem>>[vector<16xi32>, vector<16xi32>], vector<16xi32>,
        %bitcast3A_1001 = vector.bitcast %gather3A_999 : vector<16xi32> to vector<32xbf16>
        %bitcast3A_1002 = vector.bitcast %gather3A_1000 : vector<16xi32> to vector<32xbf16>
        %mul3A_1003 = arith.mulf %bitcast3A_1001, %bitcast3A_1002 : vector<32xbf16>
        %unpack3A_1004 = tpu.unpack_subelements %mul3A_1003, 0 {pack_format = #tpu.pack_format<interleaved>} : vector<32xbf16> -> vector<16xf32>
        %unpack3A_1005 = tpu.unpack_subelements %mul3A_1003, 1 {pack_format = #tpu.pack_format<interleaved>} : vector<32xbf16> -> vector<16xf32>
        %add3A_1006 = arith.addf %add3A_992, %unpack3A_1004 : vector<16xf32>
        %add3A_1007 = arith.addf %add3A_1006, %unpack3A_1005 : vector<16xf32>
        %add3A_1008 = arith.constant 45 : i32
        %add3A_1009 = vector.broadcast %add3A_1008 : i32 to vector<16xi32>
        %add3A_1010 = arith.addi %iota3A, %add3A_1009 : vector<16xi32>
        %and3A_1011 = arith.constant 63 : i32
        %and3A_1012 = vector.broadcast %and3A_1011 : i32 to vector<16xi32>
        %and3A_1013 = arith.andi %add3A_1010, %and3A_1012 : vector<16xi32>
        %gather3A_1014 = tpu.vector_load_idx %arg7[%add3A_332, %and3A_1013] : memref<800x64xi32, #tpu.memory_space<vmem>>[vector<16xi32>, vector<16xi32>], vector<16xi32>,
        %gather3A_1015 = tpu.vector_load_idx %arg7[%add3A_335, %and3A_1013] : memref<800x64xi32, #tpu.memory_space<vmem>>[vector<16xi32>, vector<16xi32>], vector<16xi32>,
        %bitcast3A_1016 = vector.bitcast %gather3A_1014 : vector<16xi32> to vector<32xbf16>
        %bitcast3A_1017 = vector.bitcast %gather3A_1015 : vector<16xi32> to vector<32xbf16>
        %mul3A_1018 = arith.mulf %bitcast3A_1016, %bitcast3A_1017 : vector<32xbf16>
        %unpack3A_1019 = tpu.unpack_subelements %mul3A_1018, 0 {pack_format = #tpu.pack_format<interleaved>} : vector<32xbf16> -> vector<16xf32>
        %unpack3A_1020 = tpu.unpack_subelements %mul3A_1018, 1 {pack_format = #tpu.pack_format<interleaved>} : vector<32xbf16> -> vector<16xf32>
        %add3A_1021 = arith.addf %add3A_1007, %unpack3A_1019 : vector<16xf32>
        %add3A_1022 = arith.addf %add3A_1021, %unpack3A_1020 : vector<16xf32>
        %add3A_1023 = arith.constant 46 : i32
        %add3A_1024 = vector.broadcast %add3A_1023 : i32 to vector<16xi32>
        %add3A_1025 = arith.addi %iota3A, %add3A_1024 : vector<16xi32>
        %and3A_1026 = arith.constant 63 : i32
        %and3A_1027 = vector.broadcast %and3A_1026 : i32 to vector<16xi32>
        %and3A_1028 = arith.andi %add3A_1025, %and3A_1027 : vector<16xi32>
        %gather3A_1029 = tpu.vector_load_idx %arg7[%add3A_332, %and3A_1028] : memref<800x64xi32, #tpu.memory_space<vmem>>[vector<16xi32>, vector<16xi32>], vector<16xi32>,
        %gather3A_1030 = tpu.vector_load_idx %arg7[%add3A_335, %and3A_1028] : memref<800x64xi32, #tpu.memory_space<vmem>>[vector<16xi32>, vector<16xi32>], vector<16xi32>,
        %bitcast3A_1031 = vector.bitcast %gather3A_1029 : vector<16xi32> to vector<32xbf16>
        %bitcast3A_1032 = vector.bitcast %gather3A_1030 : vector<16xi32> to vector<32xbf16>
        %mul3A_1033 = arith.mulf %bitcast3A_1031, %bitcast3A_1032 : vector<32xbf16>
        %unpack3A_1034 = tpu.unpack_subelements %mul3A_1033, 0 {pack_format = #tpu.pack_format<interleaved>} : vector<32xbf16> -> vector<16xf32>
        %unpack3A_1035 = tpu.unpack_subelements %mul3A_1033, 1 {pack_format = #tpu.pack_format<interleaved>} : vector<32xbf16> -> vector<16xf32>
        %add3A_1036 = arith.addf %add3A_1022, %unpack3A_1034 : vector<16xf32>
        %add3A_1037 = arith.addf %add3A_1036, %unpack3A_1035 : vector<16xf32>
        %add3A_1038 = arith.constant 47 : i32
        %add3A_1039 = vector.broadcast %add3A_1038 : i32 to vector<16xi32>
        %add3A_1040 = arith.addi %iota3A, %add3A_1039 : vector<16xi32>
        %and3A_1041 = arith.constant 63 : i32
        %and3A_1042 = vector.broadcast %and3A_1041 : i32 to vector<16xi32>
        %and3A_1043 = arith.andi %add3A_1040, %and3A_1042 : vector<16xi32>
        %gather3A_1044 = tpu.vector_load_idx %arg7[%add3A_332, %and3A_1043] : memref<800x64xi32, #tpu.memory_space<vmem>>[vector<16xi32>, vector<16xi32>], vector<16xi32>,
        %gather3A_1045 = tpu.vector_load_idx %arg7[%add3A_335, %and3A_1043] : memref<800x64xi32, #tpu.memory_space<vmem>>[vector<16xi32>, vector<16xi32>], vector<16xi32>,
        %bitcast3A_1046 = vector.bitcast %gather3A_1044 : vector<16xi32> to vector<32xbf16>
        %bitcast3A_1047 = vector.bitcast %gather3A_1045 : vector<16xi32> to vector<32xbf16>
        %mul3A_1048 = arith.mulf %bitcast3A_1046, %bitcast3A_1047 : vector<32xbf16>
        %unpack3A_1049 = tpu.unpack_subelements %mul3A_1048, 0 {pack_format = #tpu.pack_format<interleaved>} : vector<32xbf16> -> vector<16xf32>
        %unpack3A_1050 = tpu.unpack_subelements %mul3A_1048, 1 {pack_format = #tpu.pack_format<interleaved>} : vector<32xbf16> -> vector<16xf32>
        %add3A_1051 = arith.addf %add3A_1037, %unpack3A_1049 : vector<16xf32>
        %add3A_1052 = arith.addf %add3A_1051, %unpack3A_1050 : vector<16xf32>
        %add3A_1053 = arith.constant 48 : i32
        %add3A_1054 = vector.broadcast %add3A_1053 : i32 to vector<16xi32>
        %add3A_1055 = arith.addi %iota3A, %add3A_1054 : vector<16xi32>
        %and3A_1056 = arith.constant 63 : i32
        %and3A_1057 = vector.broadcast %and3A_1056 : i32 to vector<16xi32>
        %and3A_1058 = arith.andi %add3A_1055, %and3A_1057 : vector<16xi32>
        %gather3A_1059 = tpu.vector_load_idx %arg7[%add3A_332, %and3A_1058] : memref<800x64xi32, #tpu.memory_space<vmem>>[vector<16xi32>, vector<16xi32>], vector<16xi32>,
        %gather3A_1060 = tpu.vector_load_idx %arg7[%add3A_335, %and3A_1058] : memref<800x64xi32, #tpu.memory_space<vmem>>[vector<16xi32>, vector<16xi32>], vector<16xi32>,
        %bitcast3A_1061 = vector.bitcast %gather3A_1059 : vector<16xi32> to vector<32xbf16>
        %bitcast3A_1062 = vector.bitcast %gather3A_1060 : vector<16xi32> to vector<32xbf16>
        %mul3A_1063 = arith.mulf %bitcast3A_1061, %bitcast3A_1062 : vector<32xbf16>
        %unpack3A_1064 = tpu.unpack_subelements %mul3A_1063, 0 {pack_format = #tpu.pack_format<interleaved>} : vector<32xbf16> -> vector<16xf32>
        %unpack3A_1065 = tpu.unpack_subelements %mul3A_1063, 1 {pack_format = #tpu.pack_format<interleaved>} : vector<32xbf16> -> vector<16xf32>
        %add3A_1066 = arith.addf %add3A_1052, %unpack3A_1064 : vector<16xf32>
        %add3A_1067 = arith.addf %add3A_1066, %unpack3A_1065 : vector<16xf32>
        %add3A_1068 = arith.constant 49 : i32
        %add3A_1069 = vector.broadcast %add3A_1068 : i32 to vector<16xi32>
        %add3A_1070 = arith.addi %iota3A, %add3A_1069 : vector<16xi32>
        %and3A_1071 = arith.constant 63 : i32
        %and3A_1072 = vector.broadcast %and3A_1071 : i32 to vector<16xi32>
        %and3A_1073 = arith.andi %add3A_1070, %and3A_1072 : vector<16xi32>
        %gather3A_1074 = tpu.vector_load_idx %arg7[%add3A_332, %and3A_1073] : memref<800x64xi32, #tpu.memory_space<vmem>>[vector<16xi32>, vector<16xi32>], vector<16xi32>,
        %gather3A_1075 = tpu.vector_load_idx %arg7[%add3A_335, %and3A_1073] : memref<800x64xi32, #tpu.memory_space<vmem>>[vector<16xi32>, vector<16xi32>], vector<16xi32>,
        %bitcast3A_1076 = vector.bitcast %gather3A_1074 : vector<16xi32> to vector<32xbf16>
        %bitcast3A_1077 = vector.bitcast %gather3A_1075 : vector<16xi32> to vector<32xbf16>
        %mul3A_1078 = arith.mulf %bitcast3A_1076, %bitcast3A_1077 : vector<32xbf16>
        %unpack3A_1079 = tpu.unpack_subelements %mul3A_1078, 0 {pack_format = #tpu.pack_format<interleaved>} : vector<32xbf16> -> vector<16xf32>
        %unpack3A_1080 = tpu.unpack_subelements %mul3A_1078, 1 {pack_format = #tpu.pack_format<interleaved>} : vector<32xbf16> -> vector<16xf32>
        %add3A_1081 = arith.addf %add3A_1067, %unpack3A_1079 : vector<16xf32>
        %add3A_1082 = arith.addf %add3A_1081, %unpack3A_1080 : vector<16xf32>
        %add3A_1083 = arith.constant 50 : i32
        %add3A_1084 = vector.broadcast %add3A_1083 : i32 to vector<16xi32>
        %add3A_1085 = arith.addi %iota3A, %add3A_1084 : vector<16xi32>
        %and3A_1086 = arith.constant 63 : i32
        %and3A_1087 = vector.broadcast %and3A_1086 : i32 to vector<16xi32>
        %and3A_1088 = arith.andi %add3A_1085, %and3A_1087 : vector<16xi32>
        %gather3A_1089 = tpu.vector_load_idx %arg7[%add3A_332, %and3A_1088] : memref<800x64xi32, #tpu.memory_space<vmem>>[vector<16xi32>, vector<16xi32>], vector<16xi32>,
        %gather3A_1090 = tpu.vector_load_idx %arg7[%add3A_335, %and3A_1088] : memref<800x64xi32, #tpu.memory_space<vmem>>[vector<16xi32>, vector<16xi32>], vector<16xi32>,
        %bitcast3A_1091 = vector.bitcast %gather3A_1089 : vector<16xi32> to vector<32xbf16>
        %bitcast3A_1092 = vector.bitcast %gather3A_1090 : vector<16xi32> to vector<32xbf16>
        %mul3A_1093 = arith.mulf %bitcast3A_1091, %bitcast3A_1092 : vector<32xbf16>
        %unpack3A_1094 = tpu.unpack_subelements %mul3A_1093, 0 {pack_format = #tpu.pack_format<interleaved>} : vector<32xbf16> -> vector<16xf32>
        %unpack3A_1095 = tpu.unpack_subelements %mul3A_1093, 1 {pack_format = #tpu.pack_format<interleaved>} : vector<32xbf16> -> vector<16xf32>
        %add3A_1096 = arith.addf %add3A_1082, %unpack3A_1094 : vector<16xf32>
        %add3A_1097 = arith.addf %add3A_1096, %unpack3A_1095 : vector<16xf32>
        %add3A_1098 = arith.constant 51 : i32
        %add3A_1099 = vector.broadcast %add3A_1098 : i32 to vector<16xi32>
        %add3A_1100 = arith.addi %iota3A, %add3A_1099 : vector<16xi32>
        %and3A_1101 = arith.constant 63 : i32
        %and3A_1102 = vector.broadcast %and3A_1101 : i32 to vector<16xi32>
        %and3A_1103 = arith.andi %add3A_1100, %and3A_1102 : vector<16xi32>
        %gather3A_1104 = tpu.vector_load_idx %arg7[%add3A_332, %and3A_1103] : memref<800x64xi32, #tpu.memory_space<vmem>>[vector<16xi32>, vector<16xi32>], vector<16xi32>,
        %gather3A_1105 = tpu.vector_load_idx %arg7[%add3A_335, %and3A_1103] : memref<800x64xi32, #tpu.memory_space<vmem>>[vector<16xi32>, vector<16xi32>], vector<16xi32>,
        %bitcast3A_1106 = vector.bitcast %gather3A_1104 : vector<16xi32> to vector<32xbf16>
        %bitcast3A_1107 = vector.bitcast %gather3A_1105 : vector<16xi32> to vector<32xbf16>
        %mul3A_1108 = arith.mulf %bitcast3A_1106, %bitcast3A_1107 : vector<32xbf16>
        %unpack3A_1109 = tpu.unpack_subelements %mul3A_1108, 0 {pack_format = #tpu.pack_format<interleaved>} : vector<32xbf16> -> vector<16xf32>
        %unpack3A_1110 = tpu.unpack_subelements %mul3A_1108, 1 {pack_format = #tpu.pack_format<interleaved>} : vector<32xbf16> -> vector<16xf32>
        %add3A_1111 = arith.addf %add3A_1097, %unpack3A_1109 : vector<16xf32>
        %add3A_1112 = arith.addf %add3A_1111, %unpack3A_1110 : vector<16xf32>
        %add3A_1113 = arith.constant 52 : i32
        %add3A_1114 = vector.broadcast %add3A_1113 : i32 to vector<16xi32>
        %add3A_1115 = arith.addi %iota3A, %add3A_1114 : vector<16xi32>
        %and3A_1116 = arith.constant 63 : i32
        %and3A_1117 = vector.broadcast %and3A_1116 : i32 to vector<16xi32>
        %and3A_1118 = arith.andi %add3A_1115, %and3A_1117 : vector<16xi32>
        %gather3A_1119 = tpu.vector_load_idx %arg7[%add3A_332, %and3A_1118] : memref<800x64xi32, #tpu.memory_space<vmem>>[vector<16xi32>, vector<16xi32>], vector<16xi32>,
        %gather3A_1120 = tpu.vector_load_idx %arg7[%add3A_335, %and3A_1118] : memref<800x64xi32, #tpu.memory_space<vmem>>[vector<16xi32>, vector<16xi32>], vector<16xi32>,
        %bitcast3A_1121 = vector.bitcast %gather3A_1119 : vector<16xi32> to vector<32xbf16>
        %bitcast3A_1122 = vector.bitcast %gather3A_1120 : vector<16xi32> to vector<32xbf16>
        %mul3A_1123 = arith.mulf %bitcast3A_1121, %bitcast3A_1122 : vector<32xbf16>
        %unpack3A_1124 = tpu.unpack_subelements %mul3A_1123, 0 {pack_format = #tpu.pack_format<interleaved>} : vector<32xbf16> -> vector<16xf32>
        %unpack3A_1125 = tpu.unpack_subelements %mul3A_1123, 1 {pack_format = #tpu.pack_format<interleaved>} : vector<32xbf16> -> vector<16xf32>
        %add3A_1126 = arith.addf %add3A_1112, %unpack3A_1124 : vector<16xf32>
        %add3A_1127 = arith.addf %add3A_1126, %unpack3A_1125 : vector<16xf32>
        %add3A_1128 = arith.constant 53 : i32
        %add3A_1129 = vector.broadcast %add3A_1128 : i32 to vector<16xi32>
        %add3A_1130 = arith.addi %iota3A, %add3A_1129 : vector<16xi32>
        %and3A_1131 = arith.constant 63 : i32
        %and3A_1132 = vector.broadcast %and3A_1131 : i32 to vector<16xi32>
        %and3A_1133 = arith.andi %add3A_1130, %and3A_1132 : vector<16xi32>
        %gather3A_1134 = tpu.vector_load_idx %arg7[%add3A_332, %and3A_1133] : memref<800x64xi32, #tpu.memory_space<vmem>>[vector<16xi32>, vector<16xi32>], vector<16xi32>,
        %gather3A_1135 = tpu.vector_load_idx %arg7[%add3A_335, %and3A_1133] : memref<800x64xi32, #tpu.memory_space<vmem>>[vector<16xi32>, vector<16xi32>], vector<16xi32>,
        %bitcast3A_1136 = vector.bitcast %gather3A_1134 : vector<16xi32> to vector<32xbf16>
        %bitcast3A_1137 = vector.bitcast %gather3A_1135 : vector<16xi32> to vector<32xbf16>
        %mul3A_1138 = arith.mulf %bitcast3A_1136, %bitcast3A_1137 : vector<32xbf16>
        %unpack3A_1139 = tpu.unpack_subelements %mul3A_1138, 0 {pack_format = #tpu.pack_format<interleaved>} : vector<32xbf16> -> vector<16xf32>
        %unpack3A_1140 = tpu.unpack_subelements %mul3A_1138, 1 {pack_format = #tpu.pack_format<interleaved>} : vector<32xbf16> -> vector<16xf32>
        %add3A_1141 = arith.addf %add3A_1127, %unpack3A_1139 : vector<16xf32>
        %add3A_1142 = arith.addf %add3A_1141, %unpack3A_1140 : vector<16xf32>
        %add3A_1143 = arith.constant 54 : i32
        %add3A_1144 = vector.broadcast %add3A_1143 : i32 to vector<16xi32>
        %add3A_1145 = arith.addi %iota3A, %add3A_1144 : vector<16xi32>
        %and3A_1146 = arith.constant 63 : i32
        %and3A_1147 = vector.broadcast %and3A_1146 : i32 to vector<16xi32>
        %and3A_1148 = arith.andi %add3A_1145, %and3A_1147 : vector<16xi32>
        %gather3A_1149 = tpu.vector_load_idx %arg7[%add3A_332, %and3A_1148] : memref<800x64xi32, #tpu.memory_space<vmem>>[vector<16xi32>, vector<16xi32>], vector<16xi32>,
        %gather3A_1150 = tpu.vector_load_idx %arg7[%add3A_335, %and3A_1148] : memref<800x64xi32, #tpu.memory_space<vmem>>[vector<16xi32>, vector<16xi32>], vector<16xi32>,
        %bitcast3A_1151 = vector.bitcast %gather3A_1149 : vector<16xi32> to vector<32xbf16>
        %bitcast3A_1152 = vector.bitcast %gather3A_1150 : vector<16xi32> to vector<32xbf16>
        %mul3A_1153 = arith.mulf %bitcast3A_1151, %bitcast3A_1152 : vector<32xbf16>
        %unpack3A_1154 = tpu.unpack_subelements %mul3A_1153, 0 {pack_format = #tpu.pack_format<interleaved>} : vector<32xbf16> -> vector<16xf32>
        %unpack3A_1155 = tpu.unpack_subelements %mul3A_1153, 1 {pack_format = #tpu.pack_format<interleaved>} : vector<32xbf16> -> vector<16xf32>
        %add3A_1156 = arith.addf %add3A_1142, %unpack3A_1154 : vector<16xf32>
        %add3A_1157 = arith.addf %add3A_1156, %unpack3A_1155 : vector<16xf32>
        %add3A_1158 = arith.constant 55 : i32
        %add3A_1159 = vector.broadcast %add3A_1158 : i32 to vector<16xi32>
        %add3A_1160 = arith.addi %iota3A, %add3A_1159 : vector<16xi32>
        %and3A_1161 = arith.constant 63 : i32
        %and3A_1162 = vector.broadcast %and3A_1161 : i32 to vector<16xi32>
        %and3A_1163 = arith.andi %add3A_1160, %and3A_1162 : vector<16xi32>
        %gather3A_1164 = tpu.vector_load_idx %arg7[%add3A_332, %and3A_1163] : memref<800x64xi32, #tpu.memory_space<vmem>>[vector<16xi32>, vector<16xi32>], vector<16xi32>,
        %gather3A_1165 = tpu.vector_load_idx %arg7[%add3A_335, %and3A_1163] : memref<800x64xi32, #tpu.memory_space<vmem>>[vector<16xi32>, vector<16xi32>], vector<16xi32>,
        %bitcast3A_1166 = vector.bitcast %gather3A_1164 : vector<16xi32> to vector<32xbf16>
        %bitcast3A_1167 = vector.bitcast %gather3A_1165 : vector<16xi32> to vector<32xbf16>
        %mul3A_1168 = arith.mulf %bitcast3A_1166, %bitcast3A_1167 : vector<32xbf16>
        %unpack3A_1169 = tpu.unpack_subelements %mul3A_1168, 0 {pack_format = #tpu.pack_format<interleaved>} : vector<32xbf16> -> vector<16xf32>
        %unpack3A_1170 = tpu.unpack_subelements %mul3A_1168, 1 {pack_format = #tpu.pack_format<interleaved>} : vector<32xbf16> -> vector<16xf32>
        %add3A_1171 = arith.addf %add3A_1157, %unpack3A_1169 : vector<16xf32>
        %add3A_1172 = arith.addf %add3A_1171, %unpack3A_1170 : vector<16xf32>
        %add3A_1173 = arith.constant 56 : i32
        %add3A_1174 = vector.broadcast %add3A_1173 : i32 to vector<16xi32>
        %add3A_1175 = arith.addi %iota3A, %add3A_1174 : vector<16xi32>
        %and3A_1176 = arith.constant 63 : i32
        %and3A_1177 = vector.broadcast %and3A_1176 : i32 to vector<16xi32>
        %and3A_1178 = arith.andi %add3A_1175, %and3A_1177 : vector<16xi32>
        %gather3A_1179 = tpu.vector_load_idx %arg7[%add3A_332, %and3A_1178] : memref<800x64xi32, #tpu.memory_space<vmem>>[vector<16xi32>, vector<16xi32>], vector<16xi32>,
        %gather3A_1180 = tpu.vector_load_idx %arg7[%add3A_335, %and3A_1178] : memref<800x64xi32, #tpu.memory_space<vmem>>[vector<16xi32>, vector<16xi32>], vector<16xi32>,
        %bitcast3A_1181 = vector.bitcast %gather3A_1179 : vector<16xi32> to vector<32xbf16>
        %bitcast3A_1182 = vector.bitcast %gather3A_1180 : vector<16xi32> to vector<32xbf16>
        %mul3A_1183 = arith.mulf %bitcast3A_1181, %bitcast3A_1182 : vector<32xbf16>
        %unpack3A_1184 = tpu.unpack_subelements %mul3A_1183, 0 {pack_format = #tpu.pack_format<interleaved>} : vector<32xbf16> -> vector<16xf32>
        %unpack3A_1185 = tpu.unpack_subelements %mul3A_1183, 1 {pack_format = #tpu.pack_format<interleaved>} : vector<32xbf16> -> vector<16xf32>
        %add3A_1186 = arith.addf %add3A_1172, %unpack3A_1184 : vector<16xf32>
        %add3A_1187 = arith.addf %add3A_1186, %unpack3A_1185 : vector<16xf32>
        %add3A_1188 = arith.constant 57 : i32
        %add3A_1189 = vector.broadcast %add3A_1188 : i32 to vector<16xi32>
        %add3A_1190 = arith.addi %iota3A, %add3A_1189 : vector<16xi32>
        %and3A_1191 = arith.constant 63 : i32
        %and3A_1192 = vector.broadcast %and3A_1191 : i32 to vector<16xi32>
        %and3A_1193 = arith.andi %add3A_1190, %and3A_1192 : vector<16xi32>
        %gather3A_1194 = tpu.vector_load_idx %arg7[%add3A_332, %and3A_1193] : memref<800x64xi32, #tpu.memory_space<vmem>>[vector<16xi32>, vector<16xi32>], vector<16xi32>,
        %gather3A_1195 = tpu.vector_load_idx %arg7[%add3A_335, %and3A_1193] : memref<800x64xi32, #tpu.memory_space<vmem>>[vector<16xi32>, vector<16xi32>], vector<16xi32>,
        %bitcast3A_1196 = vector.bitcast %gather3A_1194 : vector<16xi32> to vector<32xbf16>
        %bitcast3A_1197 = vector.bitcast %gather3A_1195 : vector<16xi32> to vector<32xbf16>
        %mul3A_1198 = arith.mulf %bitcast3A_1196, %bitcast3A_1197 : vector<32xbf16>
        %unpack3A_1199 = tpu.unpack_subelements %mul3A_1198, 0 {pack_format = #tpu.pack_format<interleaved>} : vector<32xbf16> -> vector<16xf32>
        %unpack3A_1200 = tpu.unpack_subelements %mul3A_1198, 1 {pack_format = #tpu.pack_format<interleaved>} : vector<32xbf16> -> vector<16xf32>
        %add3A_1201 = arith.addf %add3A_1187, %unpack3A_1199 : vector<16xf32>
        %add3A_1202 = arith.addf %add3A_1201, %unpack3A_1200 : vector<16xf32>
        %add3A_1203 = arith.constant 58 : i32
        %add3A_1204 = vector.broadcast %add3A_1203 : i32 to vector<16xi32>
        %add3A_1205 = arith.addi %iota3A, %add3A_1204 : vector<16xi32>
        %and3A_1206 = arith.constant 63 : i32
        %and3A_1207 = vector.broadcast %and3A_1206 : i32 to vector<16xi32>
        %and3A_1208 = arith.andi %add3A_1205, %and3A_1207 : vector<16xi32>
        %gather3A_1209 = tpu.vector_load_idx %arg7[%add3A_332, %and3A_1208] : memref<800x64xi32, #tpu.memory_space<vmem>>[vector<16xi32>, vector<16xi32>], vector<16xi32>,
        %gather3A_1210 = tpu.vector_load_idx %arg7[%add3A_335, %and3A_1208] : memref<800x64xi32, #tpu.memory_space<vmem>>[vector<16xi32>, vector<16xi32>], vector<16xi32>,
        %bitcast3A_1211 = vector.bitcast %gather3A_1209 : vector<16xi32> to vector<32xbf16>
        %bitcast3A_1212 = vector.bitcast %gather3A_1210 : vector<16xi32> to vector<32xbf16>
        %mul3A_1213 = arith.mulf %bitcast3A_1211, %bitcast3A_1212 : vector<32xbf16>
        %unpack3A_1214 = tpu.unpack_subelements %mul3A_1213, 0 {pack_format = #tpu.pack_format<interleaved>} : vector<32xbf16> -> vector<16xf32>
        %unpack3A_1215 = tpu.unpack_subelements %mul3A_1213, 1 {pack_format = #tpu.pack_format<interleaved>} : vector<32xbf16> -> vector<16xf32>
        %add3A_1216 = arith.addf %add3A_1202, %unpack3A_1214 : vector<16xf32>
        %add3A_1217 = arith.addf %add3A_1216, %unpack3A_1215 : vector<16xf32>
        %add3A_1218 = arith.constant 59 : i32
        %add3A_1219 = vector.broadcast %add3A_1218 : i32 to vector<16xi32>
        %add3A_1220 = arith.addi %iota3A, %add3A_1219 : vector<16xi32>
        %and3A_1221 = arith.constant 63 : i32
        %and3A_1222 = vector.broadcast %and3A_1221 : i32 to vector<16xi32>
        %and3A_1223 = arith.andi %add3A_1220, %and3A_1222 : vector<16xi32>
        %gather3A_1224 = tpu.vector_load_idx %arg7[%add3A_332, %and3A_1223] : memref<800x64xi32, #tpu.memory_space<vmem>>[vector<16xi32>, vector<16xi32>], vector<16xi32>,
        %gather3A_1225 = tpu.vector_load_idx %arg7[%add3A_335, %and3A_1223] : memref<800x64xi32, #tpu.memory_space<vmem>>[vector<16xi32>, vector<16xi32>], vector<16xi32>,
        %bitcast3A_1226 = vector.bitcast %gather3A_1224 : vector<16xi32> to vector<32xbf16>
        %bitcast3A_1227 = vector.bitcast %gather3A_1225 : vector<16xi32> to vector<32xbf16>
        %mul3A_1228 = arith.mulf %bitcast3A_1226, %bitcast3A_1227 : vector<32xbf16>
        %unpack3A_1229 = tpu.unpack_subelements %mul3A_1228, 0 {pack_format = #tpu.pack_format<interleaved>} : vector<32xbf16> -> vector<16xf32>
        %unpack3A_1230 = tpu.unpack_subelements %mul3A_1228, 1 {pack_format = #tpu.pack_format<interleaved>} : vector<32xbf16> -> vector<16xf32>
        %add3A_1231 = arith.addf %add3A_1217, %unpack3A_1229 : vector<16xf32>
        %add3A_1232 = arith.addf %add3A_1231, %unpack3A_1230 : vector<16xf32>
        %add3A_1233 = arith.constant 60 : i32
        %add3A_1234 = vector.broadcast %add3A_1233 : i32 to vector<16xi32>
        %add3A_1235 = arith.addi %iota3A, %add3A_1234 : vector<16xi32>
        %and3A_1236 = arith.constant 63 : i32
        %and3A_1237 = vector.broadcast %and3A_1236 : i32 to vector<16xi32>
        %and3A_1238 = arith.andi %add3A_1235, %and3A_1237 : vector<16xi32>
        %gather3A_1239 = tpu.vector_load_idx %arg7[%add3A_332, %and3A_1238] : memref<800x64xi32, #tpu.memory_space<vmem>>[vector<16xi32>, vector<16xi32>], vector<16xi32>,
        %gather3A_1240 = tpu.vector_load_idx %arg7[%add3A_335, %and3A_1238] : memref<800x64xi32, #tpu.memory_space<vmem>>[vector<16xi32>, vector<16xi32>], vector<16xi32>,
        %bitcast3A_1241 = vector.bitcast %gather3A_1239 : vector<16xi32> to vector<32xbf16>
        %bitcast3A_1242 = vector.bitcast %gather3A_1240 : vector<16xi32> to vector<32xbf16>
        %mul3A_1243 = arith.mulf %bitcast3A_1241, %bitcast3A_1242 : vector<32xbf16>
        %unpack3A_1244 = tpu.unpack_subelements %mul3A_1243, 0 {pack_format = #tpu.pack_format<interleaved>} : vector<32xbf16> -> vector<16xf32>
        %unpack3A_1245 = tpu.unpack_subelements %mul3A_1243, 1 {pack_format = #tpu.pack_format<interleaved>} : vector<32xbf16> -> vector<16xf32>
        %add3A_1246 = arith.addf %add3A_1232, %unpack3A_1244 : vector<16xf32>
        %add3A_1247 = arith.addf %add3A_1246, %unpack3A_1245 : vector<16xf32>
        %add3A_1248 = arith.constant 61 : i32
        %add3A_1249 = vector.broadcast %add3A_1248 : i32 to vector<16xi32>
        %add3A_1250 = arith.addi %iota3A, %add3A_1249 : vector<16xi32>
        %and3A_1251 = arith.constant 63 : i32
        %and3A_1252 = vector.broadcast %and3A_1251 : i32 to vector<16xi32>
        %and3A_1253 = arith.andi %add3A_1250, %and3A_1252 : vector<16xi32>
        %gather3A_1254 = tpu.vector_load_idx %arg7[%add3A_332, %and3A_1253] : memref<800x64xi32, #tpu.memory_space<vmem>>[vector<16xi32>, vector<16xi32>], vector<16xi32>,
        %gather3A_1255 = tpu.vector_load_idx %arg7[%add3A_335, %and3A_1253] : memref<800x64xi32, #tpu.memory_space<vmem>>[vector<16xi32>, vector<16xi32>], vector<16xi32>,
        %bitcast3A_1256 = vector.bitcast %gather3A_1254 : vector<16xi32> to vector<32xbf16>
        %bitcast3A_1257 = vector.bitcast %gather3A_1255 : vector<16xi32> to vector<32xbf16>
        %mul3A_1258 = arith.mulf %bitcast3A_1256, %bitcast3A_1257 : vector<32xbf16>
        %unpack3A_1259 = tpu.unpack_subelements %mul3A_1258, 0 {pack_format = #tpu.pack_format<interleaved>} : vector<32xbf16> -> vector<16xf32>
        %unpack3A_1260 = tpu.unpack_subelements %mul3A_1258, 1 {pack_format = #tpu.pack_format<interleaved>} : vector<32xbf16> -> vector<16xf32>
        %add3A_1261 = arith.addf %add3A_1247, %unpack3A_1259 : vector<16xf32>
        %add3A_1262 = arith.addf %add3A_1261, %unpack3A_1260 : vector<16xf32>
        %add3A_1263 = arith.constant 62 : i32
        %add3A_1264 = vector.broadcast %add3A_1263 : i32 to vector<16xi32>
        %add3A_1265 = arith.addi %iota3A, %add3A_1264 : vector<16xi32>
        %and3A_1266 = arith.constant 63 : i32
        %and3A_1267 = vector.broadcast %and3A_1266 : i32 to vector<16xi32>
        %and3A_1268 = arith.andi %add3A_1265, %and3A_1267 : vector<16xi32>
        %gather3A_1269 = tpu.vector_load_idx %arg7[%add3A_332, %and3A_1268] : memref<800x64xi32, #tpu.memory_space<vmem>>[vector<16xi32>, vector<16xi32>], vector<16xi32>,
        %gather3A_1270 = tpu.vector_load_idx %arg7[%add3A_335, %and3A_1268] : memref<800x64xi32, #tpu.memory_space<vmem>>[vector<16xi32>, vector<16xi32>], vector<16xi32>,
        %bitcast3A_1271 = vector.bitcast %gather3A_1269 : vector<16xi32> to vector<32xbf16>
        %bitcast3A_1272 = vector.bitcast %gather3A_1270 : vector<16xi32> to vector<32xbf16>
        %mul3A_1273 = arith.mulf %bitcast3A_1271, %bitcast3A_1272 : vector<32xbf16>
        %unpack3A_1274 = tpu.unpack_subelements %mul3A_1273, 0 {pack_format = #tpu.pack_format<interleaved>} : vector<32xbf16> -> vector<16xf32>
        %unpack3A_1275 = tpu.unpack_subelements %mul3A_1273, 1 {pack_format = #tpu.pack_format<interleaved>} : vector<32xbf16> -> vector<16xf32>
        %add3A_1276 = arith.addf %add3A_1262, %unpack3A_1274 : vector<16xf32>
        %add3A_1277 = arith.addf %add3A_1276, %unpack3A_1275 : vector<16xf32>
        %add3A_1278 = arith.constant 63 : i32
        %add3A_1279 = vector.broadcast %add3A_1278 : i32 to vector<16xi32>
        %add3A_1280 = arith.addi %iota3A, %add3A_1279 : vector<16xi32>
        %and3A_1281 = arith.constant 63 : i32
        %and3A_1282 = vector.broadcast %and3A_1281 : i32 to vector<16xi32>
        %and3A_1283 = arith.andi %add3A_1280, %and3A_1282 : vector<16xi32>
        %gather3A_1284 = tpu.vector_load_idx %arg7[%add3A_332, %and3A_1283] : memref<800x64xi32, #tpu.memory_space<vmem>>[vector<16xi32>, vector<16xi32>], vector<16xi32>,
        %gather3A_1285 = tpu.vector_load_idx %arg7[%add3A_335, %and3A_1283] : memref<800x64xi32, #tpu.memory_space<vmem>>[vector<16xi32>, vector<16xi32>], vector<16xi32>,
        %bitcast3A_1286 = vector.bitcast %gather3A_1284 : vector<16xi32> to vector<32xbf16>
        %bitcast3A_1287 = vector.bitcast %gather3A_1285 : vector<16xi32> to vector<32xbf16>
        %mul3A_1288 = arith.mulf %bitcast3A_1286, %bitcast3A_1287 : vector<32xbf16>
        %unpack3A_1289 = tpu.unpack_subelements %mul3A_1288, 0 {pack_format = #tpu.pack_format<interleaved>} : vector<32xbf16> -> vector<16xf32>
        %unpack3A_1290 = tpu.unpack_subelements %mul3A_1288, 1 {pack_format = #tpu.pack_format<interleaved>} : vector<32xbf16> -> vector<16xf32>
        %add3A_1291 = arith.addf %add3A_1277, %unpack3A_1289 : vector<16xf32>
        %add3A_1292 = arith.addf %add3A_1291, %unpack3A_1290 : vector<16xf32>
        %mul3A_1293 = arith.constant 400 : i32
        %mul3A_1294 = arith.muli %scan3A_11, %mul3A_1293 : i32
        %mul3A_1295 = arith.constant 16 : i32
        %mul3A_1296 = arith.muli %scan3A_327, %mul3A_1295 : i32
        %add3A_1297 = arith.addi %mul3A_1294, %mul3A_1296 : i32
        %swap3A_1298 = arith.index_cast %add3A_1297 : i32 to index
        %swap3A_1299 = tpu.vector_load %arg8[%swap3A_1298] {strides = array<i32>} : memref<10000xf32, #tpu.memory_space<vmem>>, vector<16xf32>,
        tpu.vector_store %arg8[%swap3A_1298], %add3A_1292 {strides = array<i32>} : memref<10000xf32, #tpu.memory_space<vmem>>, vector<16xf32>,
        %scan3A_1300 = arith.constant 0 : i32
        scf.yield %scan3A_1300 : i32
      }
      %scan3A_325 = arith.constant 25 : i32
      %scan3A_326 = arith.constant 0 : i32
      scf.yield %scan3A_326 : i32
    }
    %scan3A_8 = arith.constant 25 : i32
    %mul3A_9 = arith.constant 10000 : i32
    %mul3A_10 = arith.muli %add3A, %mul3A_9 : i32
    "tpu.region"() ({
      %run_scoped3A = tpu.sem_alloc : memref<!tpu.dma_semaphore, #tpu.memory_space<semaphore_mem>>
      %dma_start3A = tpu.memref_slice %arg4[%mul3A_10] : memref<320000xf32, #tpu.memory_space<hbm>> -> memref<10000xf32, #tpu.memory_space<hbm>>
      %dma_start3A_11 = tpu.memref_slice %arg4[%mul3A_10] : memref<320000xf32, #tpu.memory_space<hbm>> -> memref<10000xf32, #tpu.memory_space<hbm>>
      tpu.enqueue_dma source(%arg8 : memref<10000xf32, #tpu.memory_space<vmem>>) target(%dma_start3A_11 : memref<10000xf32, #tpu.memory_space<hbm>>) target_semaphore(%run_scoped3A : memref<!tpu.dma_semaphore, #tpu.memory_space<semaphore_mem>>)
      %dma_wait3A = tpu.memref_slice %arg4[%mul3A_10] : memref<320000xf32, #tpu.memory_space<hbm>> -> memref<10000xf32, #tpu.memory_space<hbm>>
      %dma_wait3A_12 = tpu.memref_slice %arg4[%mul3A_10] : memref<320000xf32, #tpu.memory_space<hbm>> -> memref<10000xf32, #tpu.memory_space<hbm>>
      tpu.wait_dma2 semaphore(%run_scoped3A : memref<!tpu.dma_semaphore, #tpu.memory_space<semaphore_mem>>) src(%arg8 : memref<10000xf32, #tpu.memory_space<vmem>>) dst(%dma_wait3A_12 : memref<10000xf32, #tpu.memory_space<hbm>>)
      tpu.yield
    }) : () -> ()
    return
  }
}

</mosaic_0001>

<sc_bundles>
// kernel: kernel.3.cloned.1.call-start
scs
__scs_entry_jumppad:
0x0: {  	(pc) =	sbr.rel $0x88, $3  }
0x1: {  	(tag) =	ssettag $0x0;
	lr =	simm.s32 $0x1  }
0x2: {  	[smem:$0x3F9E] =	sst lr;
	_ =	strace $0xD0000000  }
0x3: {  	_ = 	snop  }
0x4: {  	_ = 	snop  }
0x5: {  	_ = 	snop  }
0x6: {  	_ = 	snop  }
0x7: {  	_ = 	snop  }
__scs_overlays_trampoline_lowered:
0x8: {  	[smem:$0x3FAD] =	sst s0  }
0x9: {  	[smem:$0x3FAE] =	sst s1  }
0xa: {  	[smem:$0x3FAF] =	sst s2  }
0xb: {  	[smem:$0x3FB0] =	sst s3  }
0xc: {  	[smem:$0x3FB1] =	sst s4  }
0xd: {  	[smem:$0x3FB2] =	sst s5  }
0xe: {  	[smem:$0x3FB3] =	sst s6  }
0xf: {  	[smem:$0x3FB4] =	sst s7  }
0x10: {  	[smem:$0x3FB5] =	sst s8  }
0x11: {  	[smem:$0x3FB6] =	sst s9;
	s0 =	simm.s32 @!p0 $0x0  }
0x12: {  	s1 =	sld [smem:$0x3F9C];
	s0 =	simm.s32 @p0 $0x1  }
0x13: {  	[smem:$0x3FB7] =	sst s0;
	s0 =	simm.s32 @!p1 $0x0  }
0x14: {  	s2 =	sld [smem:$0x3F9B];
	s0 =	simm.s32 @p1 $0x1  }
0x15: {  	[smem:$0x3FB8] =	sst s0;
	s0 =	simm.s32 @!p2 $0x0  }
0x16: {  	s3 =	sld [smem:$0x3FDB];
	s0 =	simm.s32 @p2 $0x1  }
0x17: {  	s4 =	simm.s32 $0x1BF5;
	[smem:$0x3FBA] =	sst s0  }
0x18: {  	s0 =	sld [smem:$0x3F9D];
	_ =	swait.ge [sflag:s4], $0x0  }
0x19: {  	s7 =	sld [smem:$0x3F9E]  }
0x1a: {  	s8 =	sadd.s32 $0xFFFFE003, lr  }
0x1b: {  	s9 =	sadd.s32 $0xFFFFFEF7, lr;
	s5 =	simm.s32 $0xFFFFFFFF;
	p2 =	slt.u32 s8, $0xFFFFF086  }
0x1c: {  	p1 =	slt.u32 s9, $0xF7A;
	s5 =	simm.s32 @!p2 $0x0  }
0x1d: {  	s5 =	simm.s32 @p1 $0x1;
	p0 =	seq.s32 s7, s2  }
0x1e: {  	s7 =	smul.u32 @!p0 $0xF7A, s2;
	p2 =	seq.s32 @!p0 s5, $0x0  }
0x1f: {  	s9 =	smul.u32 $0xF7A, s1;
	s8 =	simm.s32 @!p0 $0x1BF5;
	p2 =	por !p2, p0  }
0x20: {  	[sflag:s8] =	ssyncset.s32 @!p0 $0xFFFFF086;
	s6 =	sadd.s32 @!p0 s3, s7;
	s7 =	simm.s32 @!p0 $0x108  }
0x21: {  	s3 =	sadd.s32 s3, s9;
	s6 =	sadd.s32 @!p0 $0x88, s6;
	s7 =	simm.s32 @p2 $0x1082  }
0x22: {  	[simem:s7], [sflag:s8] =	dma.local @!p0 [hbm:s6], $0xF7A  }
0x23: {  	s9 =	sor.u32 $0xD0000000, s2;
	s6 =	simm.s32 $0x108;
	_ =	swait.ge @!p0 [sflag:s8], $0x0  }
0x24: {  	s3 =	sadd.s32 $0x88, s3;
	s6 =	simm.s32 @!p1 $0x1082;
	[sflag:s4] =	ssyncset.s32 $0xFFFFF086  }
0x25: {  	[simem:s6], [sflag:s4] =	dma.local [hbm:s3], $0xF7A  }
0x26: {  	[smem:$0x3F9E] =	sst s1;
	(tag) =	ssettag s2;
	_ =	strace s9  }
0x27: {  	s1 =	sld [smem:$0x3FAE]  }
0x28: {  	s2 =	sld [smem:$0x3FAF]  }
0x29: {  	s4 =	sld [smem:$0x3FB1]  }
0x2a: {  	p0 =	seq.s32 s5, $0x0;
	s5 =	sld [smem:$0x3FB2]  }
0x2b: {  	s6 =	sld [smem:$0x3FB3]  }
0x2c: {  	s7 =	sld [smem:$0x3FB4]  }
0x2d: {  	s3 =	simm.s32 $0x108;
	s8 =	sld [smem:$0x3FB5]  }
0x2e: {  	s3 =	simm.s32 @!p0 $0x1082;
	s9 =	sld [smem:$0x3FB6]  }
0x2f: {  	lr =	sadd.s32 s0, s3;
	s0 =	sld [smem:$0x3FAD]  }
0x30: {  	s3 =	sld [smem:$0x3FB0]  }
0x31: {  	[smem:$0x3FB9] =	sst s10  }
0x32: {  	s10 =	sld [smem:$0x3FB7];
	_ =	sdelay $0x3  }
0x33: {  	p0 =	seq.s32 s10, $0x1;
	s10 =	sld [smem:$0x3FB9];
	_ =	sdelay $0x3  }
0x34: {  	[smem:$0x3FB9] =	sst s10  }
0x35: {  	s10 =	sld [smem:$0x3FB8];
	_ =	sdelay $0x3  }
0x36: {  	p1 =	seq.s32 s10, $0x1;
	s10 =	sld [smem:$0x3FB9];
	_ =	sdelay $0x3  }
0x37: {  	[smem:$0x3FB9] =	sst s10  }
0x38: {  	s10 =	sld [smem:$0x3FBA]  }
0x39: {  	_ = 	snop;
	(pc) =	sbr.ind lr, $3  }
0x3a: {  	_ = 	snop  }
0x3b: {  	_ = 	snop  }
0x3c: {  	p2 =	seq.s32 s10, $0x1;
	s10 =	sld [smem:$0x3FB9]  }
0x3d: {  	_ =	shalt  }
0x3e: {  	_ =	shalt  }
0x3f: {  	_ =	shalt  }
0x40: {  	_ =	shalt  }
0x41: {  	_ =	shalt  }
0x42: {  	_ =	shalt  }
0x43: {  	_ =	shalt  }
0x44: {  	_ =	shalt  }
0x45: {  	_ =	shalt  }
0x46: {  	_ =	shalt  }
0x47: {  	_ =	shalt  }
0x48: {  	_ =	shalt  }
0x49: {  	_ =	shalt  }
0x4a: {  	_ =	shalt  }
0x4b: {  	_ =	shalt  }
0x4c: {  	_ =	shalt  }
0x4d: {  	_ =	shalt  }
0x4e: {  	_ =	shalt  }
0x4f: {  	_ =	shalt  }
0x50: {  	_ =	shalt  }
0x51: {  	_ =	shalt  }
0x52: {  	_ =	shalt  }
0x53: {  	_ =	shalt  }
0x54: {  	_ =	shalt  }
0x55: {  	_ =	shalt  }
0x56: {  	_ =	shalt  }
0x57: {  	_ =	shalt  }
0x58: {  	_ =	shalt  }
0x59: {  	_ =	shalt  }
0x5a: {  	_ =	shalt  }
0x5b: {  	_ =	shalt  }
0x5c: {  	_ =	shalt  }
0x5d: {  	_ =	shalt  }
0x5e: {  	_ =	shalt  }
0x5f: {  	_ =	shalt  }
0x60: {  	_ =	shalt  }
0x61: {  	_ =	shalt  }
0x62: {  	_ =	shalt  }
0x63: {  	_ =	shalt  }
0x64: {  	_ =	shalt  }
0x65: {  	_ =	shalt  }
0x66: {  	_ =	shalt  }
0x67: {  	_ =	shalt  }
0x68: {  	_ =	shalt  }
0x69: {  	_ =	shalt  }
0x6a: {  	_ =	shalt  }
0x6b: {  	_ =	shalt  }
0x6c: {  	_ =	shalt  }
0x6d: {  	_ =	shalt  }
0x6e: {  	_ =	shalt  }
0x6f: {  	_ =	shalt  }
0x70: {  	_ =	shalt  }
0x71: {  	_ =	shalt  }
0x72: {  	_ =	shalt  }
0x73: {  	_ =	shalt  }
0x74: {  	_ =	shalt  }
0x75: {  	_ =	shalt  }
0x76: {  	_ =	shalt  }
0x77: {  	_ =	shalt  }
0x78: {  	_ =	shalt  }
0x79: {  	_ =	shalt  }
0x7a: {  	_ =	shalt  }
0x7b: {  	_ =	shalt  }
0x7c: {  	_ =	shalt  }
0x7d: {  	_ =	shalt  }
0x7e: {  	_ =	shalt  }
0x7f: {  	_ =	shalt  }
0x80: {  	_ =	shalt  }
0x81: {  	_ =	shalt  }
0x82: {  	_ =	shalt  }
0x83: {  	_ =	shalt  }
0x84: {  	_ =	shalt  }
0x85: {  	_ =	shalt  }
0x86: {  	_ =	shalt  }
0x87: {  	_ =	shalt  }
.Lfunc_end0:
.L_simem_size_0:
called_computation_lowered:
.L_overlay_start_0:
0x88: {  	s2 =	sld [smem:$0x3FD9]  }
0x89: {  	s3 =	sld [smem:$0x3FFE];
	_ =	sdelay $0x1  }
0x8a: {  	s1 =	srdreg.scid  }
0x8b: {  	s0 =	sand.u32 $0x1, s1  }
0x8c: {  	s17 =	sshll.u32 s0, $0xA;
	s2 =	sadd.s32 s3, s2  }
0x8d: {  	s2 =	sadd.s32 s2, s17  }
0x8e: {  	[smem:$0x3FC5] =	sst s2  }
0x8f: {  	_ = 	snop  }
0x90: {  	s2 =	sld [smem:$0x3FD0];
	(tm) =	ssettm $0x1  }
0x91: {  	s18 =	sld [smem:$0x3FFB];
	_ =	sdelay $0x3  }
0x92: {  	_ =	strace s18  }
0x93: {  	s3 =	sld [smem:$0x3FFC];
	_ =	sdelay $0x3  }
0x94: {  	_ =	strace s3  }
0x95: {  	s3 =	sld [smem:$0x3FFD];
	_ =	sdelay $0x3  }
0x96: {  	_ =	strace s3  }
0x97: {  	_ =	strace $0x8FFFFFFF  }
0x98: {  	s19 =	sld [smem:$0x3FDB];
	_ =	sdelay $0x1  }
0x99: {  	s4 =	simm.s32 $_scs_section_size  }
0x9a: {  	s5 =	simm.s32 $_size__tile_overlayer_lowered;
	s6 =	simm.s32 $_tile_overlayer_lowered  }
0x9b: {  	s22 =	simm.s32 $0x1BFF;
	s21 =	sshll.u32 s6, $0x1;
	s3 =	sadd.s32 s4, s19  }
0x9c: {  	s7 =	simm.s32 $0x0;
	s20 =	sshll.u32 s5, $0x1;
	s5 =	sadd.s32 s21, s3  }
0x9d: {  	[timem:s7], [sflag:s22] =	dma.local [hbm:s5], s20  }
0x9e: {  	_ =	swait.ge [sflag:s22], s20  }
0x9f: {  	s4 =	ssub.s32 $0x0, s20;
	[sflag:s22] =	ssyncset.done $0x0  }
0xa0: {  	[sflag:s22] =	ssyncadd.s32 s4;
	_ =	sdelay $0x1  }
0xa1: {  	s23 =	simm.s32 $0x1B8B  }
0xa2: {  	_ =	swait.ge [sflag:s23], $0x1  }
0xa3: {  	[sflag:s23] =	ssyncset.done $0x0  }
0xa4: {  	s25 =	simm.s32 $0x1B8E;
	s24 =	sld [smem:$0x3FFE];
	[sflag:s23] =	ssyncadd.s32 $0xFFFFFFFF  }
0xa5: {  	s26 =	simm.s32 $execute0_lowered;
	[smem:$0x3FD2] =	sst s25  }
0xa6: {  	s5 =	sshll.u32 s26, $0x1;
	_ =	strace $0x80000046;
	[dreg:$0x1] =	wrdreg $0xFFFFFFFF  }
0xa7: {  	s28 =	simm.s32 $_size_execute0_lowered;
	s3 =	sadd.s32 s3, s5;
	[dreg:$0x0] =	wrdreg $0x0  }
0xa8: {  	s5 =	sshll.u32 s28, $0x1;
	[dreg:$0x2] =	wrdreg s3  }
0xa9: {  	[dreg:$0x3] =	wrdreg s5  }
0xaa: {  	[dreg:$0x4] =	wrdreg $0xC0  }
0xab: {  	_ =	task [dreg:s7], $0x5FFFF  }
0xac: {  	[dreg:$0x1] =	wrdreg $0xFFFFFFFF  }
0xad: {  	[dreg:$0x0] =	wrdreg $0x60  }
0xae: {  	[dreg:$0x2] =	wrdreg s24  }
0xaf: {  	[dreg:$0x3] =	wrdreg s2  }
0xb0: {  	[dreg:$0x4] =	wrdreg $0x9  }
0xb1: {  	_ =	task.clear_ibuf [dreg:s7], $0x5FFFF;
	_ =	strace $0x90000046  }
0xb2: {  	s29 =	simm.s32 $0x9;
	_ =	strace $0x80000048  }
0xb3: {  	_ =	swait.ge [sflag:s29], $0x1  }
0xb4: {  	[sflag:s29] =	ssyncadd.s32 $0xFFFFFFFF  }
0xb5: {  	_ =	strace $0x90000048  }
0xb6: {  	_ =	sfence  }
0xb7: {  	s30 =	sld [smem:$0x0];
	_ =	sdelay $0x2  }
0xb8: {  	s31 =	sshll.u32 s1, $0xD;
	s1 =	sshrl.u32 s1, $0x2  }
0xb9: {  	s3 =	sand.u32 $0x4000, s31;
	s1 =	sadd.s32 s1, s30  }
0xba: {  	s0 =	sor.u32 s3, s0;
	s1 =	sshll.u32 s1, $0x11  }
0xbb: {  	s0 =	sor.u32 s1, s0  }
0xbc: {  	s0 =	sadd.s32 $0x8F2B, s0  }
0xbd: {  	[sflag:s0] =	ssyncadd.remote.s32 $0x1  }
0xbe: {  	_ =	sfence.sel $0xFFFF  }
0xbf: {  	[dreg:$0x0] =	wrdreg $0xFFFFFFFF;
	(pc) =	sbr.abs _section_cstart, $3  }
0xc0: {  	[dreg:$0x1] =	wrdreg $0xFFFFFFFF  }
0xc1: {  	_ =	task.clear_ibuf [dreg:s7], $0x2FFFF;
	_ =	strace $0x9FFFFFFF  }
0xc2: {  	(tm) =	ssettm $0x7FFFFFFF  }
0xc3: {  	_ =	shalt  }
tec
execute0_lowered:
.L_overlay_start_1:
0x0: {  	(tag) =	ssettag $0x1  }
0x1: {  	v8 =	vlaneseq.u32;
	v0 =	vimm.s32 $0x34333231  }
0x2: {  	v1 =	vimm.s32 $0x38373635;
	vm0 =	vcmask $0x1F10;
	v49 =	vimm.s32 $0x3C3B3A39  }
0x3: {  	v2 =	vimm.s32 $0x3F3E3D;
	v3 =	vimm.s32 $0x35343332;
	v52 =	vimm.s32 $0x39383736  }
0x4: {  	v4 =	vimm.s32 $0x3D3C3B3A;
	v5 =	vimm.s32 $0x1003F3E;
	v38 =	vimm.s32 $0x36353433  }
0x5: {  	v39 =	vimm.s32 $0x3A393837;
	v40 =	vimm.s32 $0x3020100;
	v61 =	vimm.s32 $0x3F3E3D3C  }
0x6: {  	v41 =	vimm.s32 $0x37363534;
	v44 =	vimm.s32 $0x3B3A3938;
	vm1 =	vcmask $0x2F10  }
0x7: {  	vm2 =	vcmask $0x3F30;
	v0 =	vunpack.c.0.s8.s32 v0;
	v32 =	vunpack.c.0.s8.s32 v1  }
0x8: {  	v33 =	vunpack.c.0.s8.s32 v49;
	v1 =	vunpack.c.0.s8.s32 v2;
	v50 =	vunpack.c.0.s8.s32 v3  }
0x9: {  	v34 =	vunpack.c.0.s8.s32 v52;
	v35 =	vunpack.c.0.s8.s32 v4;
	v3 =	vunpack.c.0.s8.s32 v5  }
0xa: {  	v4 =	vadd.s32 $0x25, v8;
	v38 =	vunpack.c.0.s8.s32 v38;
	v53 =	vunpack.c.0.s8.s32 v39  }
0xb: {  	v60 =	vunpack.c.0.s8.s32 v40;
	v62 =	vunpack.c.0.s8.s32 v41;
	v41 =	vimm.s32 $0x201003F;
	[tilespmem:$0x1FD70] =	vst v4  }
0xc: {  	v63 =	vunpack.c.0.s8.s32 v44;
	v49 =	vimm.s32 $0x87654321;
	v52 =	vimm.s32 $0x98765432;
	[tilespmem:$0x1FD80] =	vst v32  }
0xd: {  	v0 =	vsel vm0, v32, v0;
	[tilespmem:$0x1FD90] =	vst v33;
	v4 =	vsel vm0, v1, v33;
	v2 =	vsel vm0, v34, v50  }
0xe: {  	[tilespmem:$0x1FDA0] =	vst v34;
	v5 =	vsel vm0, v3, v35;
	v33 =	vunpack.c.0.s8.s32 v61;
	v38 =	vsel vm0, v53, v38  }
0xf: {  	[tilespmem:$0x1FDC0] =	vst v53;
	v46 =	vsel vm0, v63, v62;
	v32 =	vunpack.c.0.s8.s32 v41;
	v50 =	vimm.s32 $0x4030201  }
0x10: {  	v53 =	vimm.s32 $0x5040302;
	v34 =	vimm.s32 $0x43218765;
	v41 =	vimm.s32 $0x3E3D3C3B  }
0x11: {  	[tilespmem:$0x1FDB0] =	vst v35;
	v35 =	vcombine.low v0, v4;
	v44 =	vcombine.low v2, v5;
	v0 =	vunpack.c.l.s4.s8 v49  }
0x12: {  	[tilespmem:$0x1FDD0] =	vst v38;
	v2 =	vunpack.c.0.s8.s32 v50;
	v38 =	vunpack.c.l.s4.s8 v52;
	v39 =	vunpack.c.0.s8.s32 v53  }
0x13: {  	v50 =	vunpack.c.l.s4.s8 v34;
	v53 =	vimm.s32 $0xC0B0A09;
	v45 =	vsel vm0, v60, v33  }
0x14: {  	v60 =	vimm.s32 $0x32107654;
	v46 =	vcombine.low v46, v45;
	v0 =	vunpack.c.0.s8.s32 v0  }
0x15: {  	v2 =	vsel vm0, v2, v1;
	v61 =	vunpack.c.0.s8.s32 v38;
	v62 =	vunpack.c.l.s4.s8 v60  }
0x16: {  	[tilespmem:$0x1FDE0] =	vst v63;
	v63 =	vsel vm0, v39, v3;
	v39 =	vimm.s32 $0x6050403;
	v0 =	vand.u32 $0xF, v0  }
0x17: {  	[tilespmem:$0x1FDF0] =	vst v2;
	v2 =	vand.u32 $0xF, v61;
	v38 =	vunpack.c.0.s8.s32 v62;
	v49 =	vcombine.low v4, v0  }
0x18: {  	v45 =	vcombine.low v5, v2;
	v4 =	vimm.s32 $0xB0A0908;
	v0 =	vunpack.c.0.s8.s32 v50  }
0x19: {  	v5 =	vimm.s32 $0x54329876;
	v52 =	vand.u32 $0xF, v38;
	v4 =	vunpack.c.0.s8.s32 v4  }
0x1a: {  	v60 =	vimm.s32 $0xD0C0B0A;
	v5 =	vunpack.c.l.s4.s8 v5;
	v2 =	vsel vm1, v52, v33  }
0x1b: {  	v62 =	vimm.s32 $0x76543210;
	v0 =	vand.u32 $0xF, v0;
	v50 =	vsel vm2, v4, v2  }
0x1c: {  	v2 =	vunpack.c.0.s8.s32 v53;
	v4 =	vunpack.c.0.s8.s32 v5;
	v5 =	vimm.s32 $0x6543A987  }
0x1d: {  	[tilespmem:$0x1FE10] =	vst v33;
	v33 =	vimm.s32 $0xE0D0C0B;
	v0 =	vsel vm1, v0, v1;
	v5 =	vunpack.c.l.s4.s8 v5  }
0x1e: {  	v1 =	vunpack.c.0.s8.s32 v60;
	v52 =	vsel vm2, v2, v0;
	v61 =	vand.u32 $0xF, v4  }
0x1f: {  	[tilespmem:$0x1FE00] =	vst v63;
	v4 =	vimm.s32 $0xA9876543;
	v2 =	vunpack.c.l.s4.s8 v62;
	v63 =	vunpack.c.0.s8.s32 v5  }
0x20: {  	v0 =	vsel vm1, v61, v3;
	v34 =	vunpack.c.l.s4.s8 v4;
	v4 =	vunpack.c.0.s8.s32 v39  }
0x21: {  	v53 =	vsel vm2, v1, v0;
	v0 =	vunpack.c.0.s8.s32 v33;
	v3 =	vand.u32 $0xF, v63  }
0x22: {  	[tilespmem:$0x1FE30] =	vst v32;
	v61 =	vunpack.c.0.s8.s32 v2;
	v60 =	vsel vm0, v4, v32;
	v3 =	vsel vm1, v3, v32  }
0x23: {  	s1 =	rddreg [dreg:$0x0];
	v1 =	vunpack.c.0.s8.s32 v34;
	[tilespmem:$0x1FE40] =	vst v60;
	v40 =	vsel vm2, v0, v3;
	v0 =	vunpack.c.0.s8.s32 v41  }
0x24: {  	s5 =	rddreg [dreg:$0x1];
	s3 =	simm.s32 $0x0;
	[tilespmem:$0x1FE50] =	vst v61  }
0x25: {  	s2 =	srdreg.scid;
	[smem:$0x7FF] =	sst s3;
	v62 =	vand.u32 $0xF, v1;
	[tilespmem:$0x1FE20] =	vst v0  }
0x26: {  	s4 =	sand.u32 $0x1, s2;
	s2 =	rddreg [dreg:$0x2];
	v63 =	vadd.s32 $0x2C, v8;
	_ =	strace $0x80000047;
	[tilespmem:$0x1FE60] =	vst v62  }
0x27: {  	v60 =	vadd.s32 $0x2D, v8;
	[tilespmem:$0x1FE70] =	vst v63  }
0x28: {  	v61 =	vadd.s32 $0x2E, v8;
	[tilespmem:$0x1FE80] =	vst v60  }
0x29: {  	v33 =	vadd.s32 $0x2B, v8;
	[tilespmem:$0x1FE90] =	vst v61  }
0x2a: {  	v32 =	vadd.s32 $0x2A, v8;
	[tilespmem:$0x1FEC0] =	vst v33  }
0x2b: {  	v19 =	vadd.s32 $0x5, v8;
	[tilespmem:$0x1FED0] =	vst v32  }
0x2c: {  	v20 =	vadd.s32 $0x6, v8;
	[tilespmem:$0x1FEE0] =	vst v19  }
0x2d: {  	v16 =	vadd.s32 $0x7, v8;
	[tilespmem:$0x1FEF0] =	vst v20  }
0x2e: {  	v15 =	vadd.s32 $0x8, v8;
	[tilespmem:$0x1FF00] =	vst v16  }
0x2f: {  	v14 =	vadd.s32 $0x9, v8;
	[tilespmem:$0x1FF10] =	vst v15  }
0x30: {  	v13 =	vadd.s32 $0xA, v8;
	[tilespmem:$0x1FF20] =	vst v14  }
0x31: {  	v17 =	vadd.s32 $0xC, v8;
	[tilespmem:$0x1FF30] =	vst v13  }
0x32: {  	v24 =	vor.u32 $0x10, v8;
	[tilespmem:$0x1FF40] =	vst v17  }
0x33: {  	v36 =	vadd.s32 $0x24, v8;
	[tilespmem:$0x1FF50] =	vst v24  }
0x34: {  	v7 =	vmul.u32 $0x40, v8;
	v30 =	vadd.s32 $0x23, v8;
	[tilespmem:$0x1FF60] =	vst v36  }
0x35: {  	v9 =	vadd.s32 $0x1, v8;
	v10 =	vadd.s32 $0x2, v8;
	v18 =	vadd.s32 $0xB, v8;
	[tilespmem:$0x1FF70] =	vst v30  }
0x36: {  	v11 =	vadd.s32 $0x3, v8;
	v12 =	vadd.s32 $0x4, v8;
	v25 =	vadd.s32 $0x11, v8;
	[tilespmem:$0x1FF80] =	vst v18  }
0x37: {  	v21 =	vadd.s32 $0xD, v8;
	v22 =	vadd.s32 $0xE, v8;
	v26 =	vadd.s32 $0x12, v8;
	[tilespmem:$0x1FF90] =	vst v25  }
0x38: {  	s0 =	stileid.u32;
	v23 =	vadd.s32 $0xF, v8;
	v27 =	vadd.s32 $0x13, v8;
	v28 =	vadd.s32 $0x14, v8;
	[tilespmem:$0x1FFA0] =	vst v26  }
0x39: {  	v29 =	vadd.s32 $0x15, v8;
	v31 =	vadd.s32 $0x16, v8;
	v37 =	vadd.s32 $0x17, v8;
	s31 =	sshll.u32 s0, $0x1;
	[tilespmem:$0x1FFB0] =	vst v27  }
0x3a: {  	s9 =	simm.s32 $0x4E20;
	v42 =	vadd.s32 $0x18, v8;
	v43 =	vadd.s32 $0x19, v8;
	v47 =	vadd.s32 $0x1A, v8;
	s6 =	sor.u32 s4, s31;
	[tilespmem:$0x1FFC0] =	vst v28  }
0x3b: {  	s10 =	simm.s32 $0x5140;
	v48 =	vadd.s32 $0x1B, v8;
	v51 =	vadd.s32 $0x1C, v8;
	v54 =	vadd.s32 $0x1D, v8;
	s4 =	ssub.s32 $0x2, s4;
	s7 =	smul.u32 $0x9C4, s6;
	v39 =	vmovc v35;
	[tilespmem:$0x1FFD0] =	vst v29  }
0x3c: {  	s11 =	simm.s32 $0x1;
	v55 =	vadd.s32 $0x1E, v8;
	v56 =	vadd.s32 $0x1F, v8;
	v57 =	vor.u32 $0x20, v8;
	s8 =	sshrl.u32 s4, $0x1;
	s6 =	smul.u32 $0x4E2, s6;
	[tilespmem:$0x1FFE0] =	vst v39  }
0x3d: {  	s12 =	simm.s32 $0x11940;
	s13 =	simm.s32 $0x0;
	v58 =	vadd.s32 $0x21, v8;
	v59 =	vadd.s32 $0x22, v8;
	s8 =	ssub.s32 s4, s8;
	v62 =	vadd.s32 $0x2F, v8;
	[tilespmem:$0x1FFF0] =	vst v44  }
0x3e: {  	v6 =	vor.u32 $0x6400, v7;
	s7 =	sadd.s32 s7, s1;
	s5 =	sadd.s32 s5, s6;
	s6 =	smax.u32 s8, $0x1;
	v38 =	vadd.s32 $0x29, v8;
	v63 =	vor.u32 $0x30, v8;
	[tilespmem:$0x1FEA0] =	vst v62  }
0x3f: {  	s8 =	simm.s32 $0x320;
	s4 =	sadd.s32 $0x27200, s7;
	s7 =	simm.s32 $0x2;
	v35 =	vadd.s32 $0x27, v8;
	v34 =	vadd.s32 $0x26, v8;
	v41 =	vadd.s32 $0x28, v8;
	[tilespmem:$0x1FEB0] =	vst v63  }
.LBB2_1:
0x40: {  	[tilespmem:s3], [sflag:$0x2] =	stream.linear.gather [hbm4b:s4+s3], $0x4E20, $0x38;
	[tilespmem:$0x14050] =	vst v63  }
0x41: {  	_ =	swait.ge [sflag:s7], $0x4E20  }
0x42: {  	[sflag:s7] =	ssyncset.done $0x0  }
0x43: {  	s14 =	simm.s32 $0x11940;
	s15 =	simm.s32 $0x0;
	[sflag:s7] =	ssyncadd.s32 $0xFFFFB1E0  }
.LBB2_2:
0x44: {  	s16 =	smul.u32 $0xC80, s15;
	_ =	sdelay $0x1  }
0x45: {  	s16 =	sshra.s32 s16, $0x2  }
0x46: {  	v0 =	vld [tilespmem:s16+$0x0];
	_ =	sdelay $0x4  }
0x47: {  	[tilespmem:$0x4E20] =	vst v0  }
0x48: {  	v0 =	vld [tilespmem:s16+$0x10];
	_ =	sdelay $0x4  }
0x49: {  	[tilespmem:$0x4E30] =	vst v0  }
0x4a: {  	v0 =	vld [tilespmem:s16+$0x20];
	_ =	sdelay $0x4  }
0x4b: {  	[tilespmem:$0x4E40] =	vst v0  }
0x4c: {  	v0 =	vld [tilespmem:s16+$0x30];
	_ =	sdelay $0x4  }
0x4d: {  	[tilespmem:$0x4E50] =	vst v0  }
0x4e: {  	v0 =	vld [tilespmem:s16+$0x40];
	_ =	sdelay $0x4  }
0x4f: {  	[tilespmem:$0x4E60] =	vst v0  }
0x50: {  	v0 =	vld [tilespmem:s16+$0x50];
	_ =	sdelay $0x4  }
0x51: {  	[tilespmem:$0x4E70] =	vst v0  }
0x52: {  	v0 =	vld [tilespmem:s16+$0x60];
	_ =	sdelay $0x4  }
0x53: {  	[tilespmem:$0x4E80] =	vst v0  }
0x54: {  	v0 =	vld [tilespmem:s16+$0x70];
	_ =	sdelay $0x4  }
0x55: {  	[tilespmem:$0x4E90] =	vst v0  }
0x56: {  	v0 =	vld [tilespmem:s16+$0x80];
	_ =	sdelay $0x4  }
0x57: {  	[tilespmem:$0x4EA0] =	vst v0  }
0x58: {  	v0 =	vld [tilespmem:s16+$0x90];
	_ =	sdelay $0x4  }
0x59: {  	[tilespmem:$0x4EB0] =	vst v0  }
0x5a: {  	v0 =	vld [tilespmem:s16+$0xA0];
	_ =	sdelay $0x4  }
0x5b: {  	[tilespmem:$0x4EC0] =	vst v0  }
0x5c: {  	v0 =	vld [tilespmem:s16+$0xB0];
	_ =	sdelay $0x4  }
0x5d: {  	[tilespmem:$0x4ED0] =	vst v0  }
0x5e: {  	v0 =	vld [tilespmem:s16+$0xC0];
	_ =	sdelay $0x4  }
0x5f: {  	[tilespmem:$0x4EE0] =	vst v0  }
0x60: {  	v0 =	vld [tilespmem:s16+$0xD0];
	_ =	sdelay $0x4  }
0x61: {  	[tilespmem:$0x4EF0] =	vst v0  }
0x62: {  	v0 =	vld [tilespmem:s16+$0xE0];
	_ =	sdelay $0x4  }
0x63: {  	[tilespmem:$0x4F00] =	vst v0  }
0x64: {  	v0 =	vld [tilespmem:s16+$0xF0];
	_ =	sdelay $0x4  }
0x65: {  	[tilespmem:$0x4F10] =	vst v0  }
0x66: {  	v0 =	vld [tilespmem:s16+$0x100];
	_ =	sdelay $0x4  }
0x67: {  	[tilespmem:$0x4F20] =	vst v0  }
0x68: {  	v0 =	vld [tilespmem:s16+$0x110];
	_ =	sdelay $0x4  }
0x69: {  	[tilespmem:$0x4F30] =	vst v0  }
0x6a: {  	v0 =	vld [tilespmem:s16+$0x120];
	_ =	sdelay $0x4  }
0x6b: {  	[tilespmem:$0x4F40] =	vst v0  }
0x6c: {  	v0 =	vld [tilespmem:s16+$0x130];
	_ =	sdelay $0x4  }
0x6d: {  	[tilespmem:$0x4F50] =	vst v0  }
0x6e: {  	v0 =	vld [tilespmem:s16+$0x140];
	_ =	sdelay $0x4  }
0x6f: {  	[tilespmem:$0x4F60] =	vst v0  }
0x70: {  	v0 =	vld [tilespmem:s16+$0x150];
	_ =	sdelay $0x4  }
0x71: {  	[tilespmem:$0x4F70] =	vst v0  }
0x72: {  	v0 =	vld [tilespmem:s16+$0x160];
	_ =	sdelay $0x4  }
0x73: {  	[tilespmem:$0x4F80] =	vst v0  }
0x74: {  	v0 =	vld [tilespmem:s16+$0x170];
	_ =	sdelay $0x4  }
0x75: {  	[tilespmem:$0x4F90] =	vst v0  }
0x76: {  	v0 =	vld [tilespmem:s16+$0x180];
	_ =	sdelay $0x4  }
0x77: {  	[tilespmem:$0x4FA0] =	vst v0  }
0x78: {  	v0 =	vld [tilespmem:s16+$0x190];
	_ =	sdelay $0x4  }
0x79: {  	[tilespmem:$0x4FB0] =	vst v0  }
0x7a: {  	v0 =	vld [tilespmem:s16+$0x1A0];
	_ =	sdelay $0x4  }
0x7b: {  	[tilespmem:$0x4FC0] =	vst v0  }
0x7c: {  	v0 =	vld [tilespmem:s16+$0x1B0];
	_ =	sdelay $0x4  }
0x7d: {  	[tilespmem:$0x4FD0] =	vst v0  }
0x7e: {  	v0 =	vld [tilespmem:s16+$0x1C0];
	_ =	sdelay $0x4  }
0x7f: {  	[tilespmem:$0x4FE0] =	vst v0  }
0x80: {  	v0 =	vld [tilespmem:s16+$0x1D0];
	_ =	sdelay $0x4  }
0x81: {  	[tilespmem:$0x4FF0] =	vst v0  }
0x82: {  	v0 =	vld [tilespmem:s16+$0x1E0];
	_ =	sdelay $0x4  }
0x83: {  	[tilespmem:$0x5000] =	vst v0  }
0x84: {  	v0 =	vld [tilespmem:s16+$0x1F0];
	_ =	sdelay $0x4  }
0x85: {  	[tilespmem:$0x5010] =	vst v0  }
0x86: {  	v0 =	vld [tilespmem:s16+$0x200];
	_ =	sdelay $0x4  }
0x87: {  	[tilespmem:$0x5020] =	vst v0  }
0x88: {  	v0 =	vld [tilespmem:s16+$0x210];
	_ =	sdelay $0x4  }
0x89: {  	[tilespmem:$0x5030] =	vst v0  }
0x8a: {  	v0 =	vld [tilespmem:s16+$0x220];
	_ =	sdelay $0x4  }
0x8b: {  	[tilespmem:$0x5040] =	vst v0  }
0x8c: {  	v0 =	vld [tilespmem:s16+$0x230];
	_ =	sdelay $0x4  }
0x8d: {  	[tilespmem:$0x5050] =	vst v0  }
0x8e: {  	v0 =	vld [tilespmem:s16+$0x240];
	_ =	sdelay $0x4  }
0x8f: {  	[tilespmem:$0x5060] =	vst v0  }
0x90: {  	v0 =	vld [tilespmem:s16+$0x250];
	_ =	sdelay $0x4  }
0x91: {  	[tilespmem:$0x5070] =	vst v0  }
0x92: {  	v0 =	vld [tilespmem:s16+$0x260];
	_ =	sdelay $0x4  }
0x93: {  	[tilespmem:$0x5080] =	vst v0  }
0x94: {  	v0 =	vld [tilespmem:s16+$0x270];
	_ =	sdelay $0x4  }
0x95: {  	[tilespmem:$0x5090] =	vst v0  }
0x96: {  	v0 =	vld [tilespmem:s16+$0x280];
	_ =	sdelay $0x4  }
0x97: {  	[tilespmem:$0x50A0] =	vst v0  }
0x98: {  	v0 =	vld [tilespmem:s16+$0x290];
	_ =	sdelay $0x4  }
0x99: {  	[tilespmem:$0x50B0] =	vst v0  }
0x9a: {  	v0 =	vld [tilespmem:s16+$0x2A0];
	_ =	sdelay $0x4  }
0x9b: {  	[tilespmem:$0x50C0] =	vst v0  }
0x9c: {  	v0 =	vld [tilespmem:s16+$0x2B0];
	_ =	sdelay $0x4  }
0x9d: {  	[tilespmem:$0x50D0] =	vst v0  }
0x9e: {  	v0 =	vld [tilespmem:s16+$0x2C0];
	_ =	sdelay $0x4  }
0x9f: {  	[tilespmem:$0x50E0] =	vst v0  }
0xa0: {  	v0 =	vld [tilespmem:s16+$0x2D0];
	_ =	sdelay $0x4  }
0xa1: {  	[tilespmem:$0x50F0] =	vst v0  }
0xa2: {  	v0 =	vld [tilespmem:s16+$0x2E0];
	_ =	sdelay $0x4  }
0xa3: {  	[tilespmem:$0x5100] =	vst v0  }
0xa4: {  	v0 =	vld [tilespmem:s16+$0x2F0];
	_ =	sdelay $0x4  }
0xa5: {  	[tilespmem:$0x5110] =	vst v0  }
0xa6: {  	v0 =	vld [tilespmem:s16+$0x300];
	_ =	sdelay $0x4  }
0xa7: {  	[tilespmem:$0x5120] =	vst v0  }
0xa8: {  	v0 =	vld [tilespmem:s16+$0x310]  }
0xa9: {  	s29 =	simm.s32 $0x0  }
0xaa: {  	v1 =	vmov s29  }
0xab: {  	v1 =	vshll.u32 v1, $0x6  }
0xac: {  	v3 =	vadd.s32 v6, v1  }
0xad: {  	v2 =	vor.u32 v7, v1;
	[tilespmem:$0x5130] =	vst v0;
	v0 =	vor.u32 v8, v3  }
0xae: {  	v1 =	vor.u32 v8, v2;
	[tilespmem:s10], [sflag:$0x1] =	stream.indirect.gather [hbm4b:s1+s8], $0x40, s9, s8, $0xb8;
	[tilespmem:$0x14050] =	vst v63  }
0xaf: {  	_ =	swait.ge [sflag:s11], $0xC800  }
0xb0: {  	[sflag:s11] =	ssyncset.done $0x0  }
0xb1: {  	v4 =	vor.u32 v9, v3;
	[sflag:s11] =	ssyncadd.s32 $0xFFFF3800  }
0xb2: {  	v5 =	vor.u32 v9, v2;
	v0 =	vld.idx.msk [tilespmem:v0+s10+$0x0], $0xffff  }
0xb3: {  	v60 =	vor.u32 v10, v3;
	v1 =	vld.idx.msk [tilespmem:v1+s10+$0x0], $0xffff;
	_ =	sdelay $0x2  }
0xb4: {  	v4 =	vld.idx.msk [tilespmem:v4+s10+$0x0], $0xffff  }
0xb5: {  	v5 =	vld.idx.msk [tilespmem:v5+s10+$0x0], $0xffff  }
0xb6: {  	v0 =	vmul.bf16 v0, v1;
	v1 =	vld.idx.msk [tilespmem:v60+s10+$0x0], $0xffff  }
0xb7: {  	v61 =	vor.u32 v10, v2  }
0xb8: {  	v63 =	vunpack.i.l.bf16.f32 v0  }
0xb9: {  	v63 =	vadd.f32 $0.0e+00, v63  }
0xba: {  	v4 =	vmul.bf16 v4, v5;
	v5 =	vor.u32 v12, v3;
	v0 =	vunpack.i.u.bf16.f32 v0  }
0xbb: {  	[tilespmem:$0x1F750] =	vst v1;
	v1 =	vadd.f32 v63, v0  }
0xbc: {  	v61 =	vld.idx.msk [tilespmem:v61+s10+$0x0], $0xffff;
	v0 =	vunpack.i.l.bf16.f32 v4  }
0xbd: {  	v0 =	vadd.f32 v0, v1;
	v1 =	vunpack.i.u.bf16.f32 v4;
	v4 =	vld [tilespmem:$0x1F750];
	_ =	sdelay $0x1  }
0xbe: {  	v1 =	vadd.f32 v0, v1;
	v0 =	vld.idx.msk [tilespmem:v5+s10+$0x0], $0xffff;
	_ =	sdelay $0x1  }
0xbf: {  	v62 =	vor.u32 v11, v3  }
0xc0: {  	v4 =	vmul.bf16 v4, v61;
	v61 =	vor.u32 v19, v3  }
0xc1: {  	v60 =	vor.u32 v11, v2  }
0xc2: {  	[tilespmem:$0x1F760] =	vst v0;
	v0 =	vunpack.i.l.bf16.f32 v4  }
0xc3: {  	v0 =	vadd.f32 v0, v1  }
0xc4: {  	v62 =	vld.idx.msk [tilespmem:v62+s10+$0x0], $0xffff;
	v63 =	vor.u32 v12, v2;
	v1 =	vunpack.i.u.bf16.f32 v4  }
0xc5: {  	v0 =	vadd.f32 v0, v1;
	v1 =	vld.idx.msk [tilespmem:v61+s10+$0x0], $0xffff  }
0xc6: {  	v60 =	vld.idx.msk [tilespmem:v60+s10+$0x0], $0xffff;
	_ =	sdelay $0x2  }
0xc7: {  	v63 =	vld.idx.msk [tilespmem:v63+s10+$0x0], $0xffff  }
0xc8: {  	[tilespmem:$0x1F770] =	vst v1;
	v1 =	vld [tilespmem:$0x1F760]  }
0xc9: {  	v4 =	vmul.bf16 v62, v60  }
0xca: {  	v5 =	vor.u32 v19, v2  }
0xcb: {  	v62 =	vunpack.i.l.bf16.f32 v4  }
0xcc: {  	v0 =	vadd.f32 v62, v0  }
0xcd: {  	v4 =	vunpack.i.u.bf16.f32 v4;
	v62 =	vmul.bf16 v1, v63;
	v63 =	vor.u32 v16, v3  }
0xce: {  	v1 =	vadd.f32 v0, v4  }
0xcf: {  	v5 =	vld.idx.msk [tilespmem:v5+s10+$0x0], $0xffff;
	v0 =	vunpack.i.l.bf16.f32 v62  }
0xd0: {  	v0 =	vadd.f32 v0, v1;
	v1 =	vunpack.i.u.bf16.f32 v62;
	v62 =	vld [tilespmem:$0x1F770];
	_ =	sdelay $0x1  }
0xd1: {  	v1 =	vadd.f32 v0, v1;
	v0 =	vld.idx.msk [tilespmem:v63+s10+$0x0], $0xffff;
	_ =	sdelay $0x1  }
0xd2: {  	v60 =	vor.u32 v20, v3  }
0xd3: {  	v5 =	vmul.bf16 v62, v5;
	v62 =	vor.u32 v15, v3  }
0xd4: {  	v61 =	vor.u32 v20, v2  }
0xd5: {  	[tilespmem:$0x1F780] =	vst v0;
	v0 =	vunpack.i.l.bf16.f32 v5  }
0xd6: {  	v0 =	vadd.f32 v0, v1  }
0xd7: {  	v4 =	vld.idx.msk [tilespmem:v60+s10+$0x0], $0xffff;
	v60 =	vor.u32 v16, v2;
	v1 =	vunpack.i.u.bf16.f32 v5  }
0xd8: {  	v0 =	vadd.f32 v0, v1;
	v1 =	vld.idx.msk [tilespmem:v62+s10+$0x0], $0xffff  }
0xd9: {  	v61 =	vld.idx.msk [tilespmem:v61+s10+$0x0], $0xffff;
	_ =	sdelay $0x2  }
0xda: {  	v60 =	vld.idx.msk [tilespmem:v60+s10+$0x0], $0xffff  }
0xdb: {  	[tilespmem:$0x1F790] =	vst v1;
	v1 =	vld [tilespmem:$0x1F780]  }
0xdc: {  	v4 =	vmul.bf16 v4, v61  }
0xdd: {  	v63 =	vor.u32 v15, v2  }
0xde: {  	v62 =	vunpack.i.l.bf16.f32 v4  }
0xdf: {  	v0 =	vadd.f32 v62, v0  }
0xe0: {  	v4 =	vunpack.i.u.bf16.f32 v4;
	v62 =	vor.u32 v13, v3;
	v60 =	vmul.bf16 v1, v60  }
0xe1: {  	v1 =	vadd.f32 v0, v4  }
0xe2: {  	v63 =	vld.idx.msk [tilespmem:v63+s10+$0x0], $0xffff;
	v5 =	vor.u32 v14, v3;
	v0 =	vunpack.i.l.bf16.f32 v60  }
0xe3: {  	v0 =	vadd.f32 v0, v1;
	v1 =	vunpack.i.u.bf16.f32 v60;
	v60 =	vld [tilespmem:$0x1F790]  }
0xe4: {  	v61 =	vor.u32 v14, v2  }
0xe5: {  	v1 =	vadd.f32 v0, v1;
	v0 =	vld.idx.msk [tilespmem:v62+s10+$0x0], $0xffff;
	_ =	sdelay $0x1  }
0xe6: {  	v4 =	vld.idx.msk [tilespmem:v5+s10+$0x0], $0xffff;
	v5 =	vor.u32 v13, v2  }
0xe7: {  	v60 =	vmul.bf16 v60, v63  }
0xe8: {  	v61 =	vld.idx.msk [tilespmem:v61+s10+$0x0], $0xffff  }
0xe9: {  	[tilespmem:$0x1F7A0] =	vst v0;
	v0 =	vunpack.i.l.bf16.f32 v60  }
0xea: {  	v63 =	vor.u32 v18, v3;
	v0 =	vadd.f32 v0, v1  }
0xeb: {  	v62 =	vor.u32 v18, v2;
	v5 =	vld.idx.msk [tilespmem:v5+s10+$0x0], $0xffff;
	v1 =	vunpack.i.u.bf16.f32 v60  }
0xec: {  	v0 =	vadd.f32 v0, v1;
	v1 =	vld [tilespmem:$0x1F7A0]  }
0xed: {  	v4 =	vmul.bf16 v4, v61;
	_ =	sdelay $0x1  }
0xee: {  	v18 =	vld.idx.msk [tilespmem:v63+s10+$0x0], $0xffff;
	v63 =	vunpack.i.l.bf16.f32 v4  }
0xef: {  	v62 =	vld.idx.msk [tilespmem:v62+s10+$0x0], $0xffff;
	v0 =	vadd.f32 v63, v0  }
0xf0: {  	v60 =	vor.u32 v17, v3;
	v4 =	vunpack.i.u.bf16.f32 v4;
	v5 =	vmul.bf16 v1, v5  }
0xf1: {  	v1 =	vadd.f32 v0, v4  }
0xf2: {  	v61 =	vor.u32 v17, v2;
	v0 =	vunpack.i.l.bf16.f32 v5  }
0xf3: {  	v63 =	vor.u32 v21, v3;
	v0 =	vadd.f32 v0, v1  }
0xf4: {  	v1 =	vunpack.i.u.bf16.f32 v5;
	v5 =	vmul.bf16 v18, v62;
	v62 =	vor.u32 v22, v3  }
0xf5: {  	v4 =	vld.idx.msk [tilespmem:v60+s10+$0x0], $0xffff;
	v60 =	vor.u32 v21, v2;
	v1 =	vadd.f32 v0, v1  }
0xf6: {  	v0 =	vunpack.i.l.bf16.f32 v5  }
0xf7: {  	v61 =	vld.idx.msk [tilespmem:v61+s10+$0x0], $0xffff;
	v0 =	vadd.f32 v0, v1  }
0xf8: {  	v18 =	vld.idx.msk [tilespmem:v63+s10+$0x0], $0xffff;
	v1 =	vunpack.i.u.bf16.f32 v5  }
0xf9: {  	v63 =	vor.u32 v22, v2;
	v0 =	vadd.f32 v0, v1;
	v1 =	vld.idx.msk [tilespmem:v62+s10+$0x0], $0xffff  }
0xfa: {  	v60 =	vld.idx.msk [tilespmem:v60+s10+$0x0], $0xffff;
	_ =	sdelay $0x1  }
0xfb: {  	v4 =	vmul.bf16 v4, v61  }
0xfc: {  	v5 =	vor.u32 v23, v3  }
0xfd: {  	v61 =	vor.u32 v23, v2;
	v63 =	vld.idx.msk [tilespmem:v63+s10+$0x0], $0xffff;
	v62 =	vunpack.i.l.bf16.f32 v4;
	[tilespmem:$0x1F7B0] =	vst v1  }
0xfe: {  	v60 =	vmul.bf16 v18, v60;
	v0 =	vadd.f32 v62, v0;
	v18 =	vld [tilespmem:$0x1F7B0]  }
0xff: {  	v4 =	vunpack.i.u.bf16.f32 v4  }
0x100: {  	v62 =	vor.u32 v24, v3;
	v1 =	vadd.f32 v0, v4  }
0x101: {  	v4 =	vld.idx.msk [tilespmem:v5+s10+$0x0], $0xffff;
	v5 =	vor.u32 v24, v2;
	v0 =	vunpack.i.l.bf16.f32 v60  }
0x102: {  	v61 =	vld.idx.msk [tilespmem:v61+s10+$0x0], $0xffff;
	v0 =	vadd.f32 v0, v1  }
0x103: {  	v1 =	vunpack.i.u.bf16.f32 v60;
	v60 =	vmul.bf16 v18, v63  }
0x104: {  	v1 =	vadd.f32 v0, v1;
	v63 =	vor.u32 v25, v3  }
0x105: {  	v18 =	vld.idx.msk [tilespmem:v62+s10+$0x0], $0xffff;
	v62 =	vor.u32 v25, v2;
	v0 =	vunpack.i.l.bf16.f32 v60  }
0x106: {  	v5 =	vld.idx.msk [tilespmem:v5+s10+$0x0], $0xffff;
	v0 =	vadd.f32 v0, v1  }
0x107: {  	v4 =	vmul.bf16 v4, v61;
	v1 =	vunpack.i.u.bf16.f32 v60  }
0x108: {  	v60 =	vor.u32 v26, v3;
	v0 =	vadd.f32 v0, v1  }
0x109: {  	v61 =	vor.u32 v26, v2;
	v25 =	vld.idx.msk [tilespmem:v63+s10+$0x0], $0xffff;
	v63 =	vunpack.i.l.bf16.f32 v4  }
0x10a: {  	v62 =	vld.idx.msk [tilespmem:v62+s10+$0x0], $0xffff;
	v0 =	vadd.f32 v63, v0  }
0x10b: {  	v4 =	vunpack.i.u.bf16.f32 v4;
	v5 =	vmul.bf16 v18, v5  }
0x10c: {  	v63 =	vor.u32 v27, v3;
	v1 =	vadd.f32 v0, v4  }
0x10d: {  	v4 =	vld.idx.msk [tilespmem:v60+s10+$0x0], $0xffff;
	v60 =	vor.u32 v27, v2;
	v0 =	vunpack.i.l.bf16.f32 v5  }
0x10e: {  	v61 =	vld.idx.msk [tilespmem:v61+s10+$0x0], $0xffff;
	v0 =	vadd.f32 v0, v1  }
0x10f: {  	v1 =	vunpack.i.u.bf16.f32 v5;
	v5 =	vmul.bf16 v25, v62  }
0x110: {  	v62 =	vor.u32 v28, v3;
	v1 =	vadd.f32 v0, v1  }
0x111: {  	v18 =	vld.idx.msk [tilespmem:v63+s10+$0x0], $0xffff;
	v63 =	vor.u32 v28, v2;
	v0 =	vunpack.i.l.bf16.f32 v5  }
0x112: {  	v60 =	vld.idx.msk [tilespmem:v60+s10+$0x0], $0xffff;
	v0 =	vadd.f32 v0, v1  }
0x113: {  	v4 =	vmul.bf16 v4, v61;
	v1 =	vunpack.i.u.bf16.f32 v5  }
0x114: {  	v5 =	vor.u32 v29, v3;
	v0 =	vadd.f32 v0, v1  }
0x115: {  	v61 =	vor.u32 v29, v2;
	v25 =	vld.idx.msk [tilespmem:v62+s10+$0x0], $0xffff;
	v62 =	vunpack.i.l.bf16.f32 v4  }
0x116: {  	v63 =	vld.idx.msk [tilespmem:v63+s10+$0x0], $0xffff;
	v0 =	vadd.f32 v62, v0  }
0x117: {  	v4 =	vunpack.i.u.bf16.f32 v4;
	v60 =	vmul.bf16 v18, v60  }
0x118: {  	v62 =	vor.u32 v31, v3;
	v1 =	vadd.f32 v0, v4  }
0x119: {  	v4 =	vld.idx.msk [tilespmem:v5+s10+$0x0], $0xffff;
	v5 =	vor.u32 v31, v2;
	v0 =	vunpack.i.l.bf16.f32 v60  }
0x11a: {  	v61 =	vld.idx.msk [tilespmem:v61+s10+$0x0], $0xffff;
	v0 =	vadd.f32 v0, v1  }
0x11b: {  	v1 =	vunpack.i.u.bf16.f32 v60;
	v60 =	vmul.bf16 v25, v63  }
0x11c: {  	v63 =	vor.u32 v37, v3;
	v1 =	vadd.f32 v0, v1  }
0x11d: {  	v18 =	vld.idx.msk [tilespmem:v62+s10+$0x0], $0xffff;
	v62 =	vor.u32 v37, v2;
	v0 =	vunpack.i.l.bf16.f32 v60  }
0x11e: {  	v5 =	vld.idx.msk [tilespmem:v5+s10+$0x0], $0xffff;
	v0 =	vadd.f32 v0, v1  }
0x11f: {  	v4 =	vmul.bf16 v4, v61;
	v1 =	vunpack.i.u.bf16.f32 v60  }
0x120: {  	v60 =	vor.u32 v42, v3;
	v0 =	vadd.f32 v0, v1  }
0x121: {  	v61 =	vor.u32 v42, v2;
	v25 =	vld.idx.msk [tilespmem:v63+s10+$0x0], $0xffff;
	v63 =	vunpack.i.l.bf16.f32 v4  }
0x122: {  	v62 =	vld.idx.msk [tilespmem:v62+s10+$0x0], $0xffff;
	v0 =	vadd.f32 v63, v0  }
0x123: {  	v4 =	vunpack.i.u.bf16.f32 v4;
	v5 =	vmul.bf16 v18, v5  }
0x124: {  	v63 =	vor.u32 v43, v3;
	v1 =	vadd.f32 v0, v4  }
0x125: {  	v4 =	vld.idx.msk [tilespmem:v60+s10+$0x0], $0xffff;
	v60 =	vor.u32 v43, v2;
	v0 =	vunpack.i.l.bf16.f32 v5  }
0x126: {  	v61 =	vld.idx.msk [tilespmem:v61+s10+$0x0], $0xffff;
	v0 =	vadd.f32 v0, v1  }
0x127: {  	v1 =	vunpack.i.u.bf16.f32 v5;
	v5 =	vmul.bf16 v25, v62  }
0x128: {  	v62 =	vor.u32 v47, v3;
	v1 =	vadd.f32 v0, v1  }
0x129: {  	v18 =	vld.idx.msk [tilespmem:v63+s10+$0x0], $0xffff;
	v63 =	vor.u32 v47, v2;
	v0 =	vunpack.i.l.bf16.f32 v5  }
0x12a: {  	v60 =	vld.idx.msk [tilespmem:v60+s10+$0x0], $0xffff;
	v0 =	vadd.f32 v0, v1  }
0x12b: {  	v4 =	vmul.bf16 v4, v61;
	v1 =	vunpack.i.u.bf16.f32 v5  }
0x12c: {  	v5 =	vor.u32 v48, v3;
	v0 =	vadd.f32 v0, v1  }
0x12d: {  	v61 =	vor.u32 v48, v2;
	v25 =	vld.idx.msk [tilespmem:v62+s10+$0x0], $0xffff;
	v62 =	vunpack.i.l.bf16.f32 v4  }
0x12e: {  	v63 =	vld.idx.msk [tilespmem:v63+s10+$0x0], $0xffff;
	v0 =	vadd.f32 v62, v0  }
0x12f: {  	v4 =	vunpack.i.u.bf16.f32 v4;
	v60 =	vmul.bf16 v18, v60  }
0x130: {  	v62 =	vor.u32 v51, v3;
	v1 =	vadd.f32 v0, v4  }
0x131: {  	v4 =	vld.idx.msk [tilespmem:v5+s10+$0x0], $0xffff;
	v5 =	vor.u32 v51, v2;
	v0 =	vunpack.i.l.bf16.f32 v60  }
0x132: {  	v61 =	vld.idx.msk [tilespmem:v61+s10+$0x0], $0xffff;
	v0 =	vadd.f32 v0, v1  }
0x133: {  	v1 =	vunpack.i.u.bf16.f32 v60;
	v60 =	vmul.bf16 v25, v63  }
0x134: {  	v63 =	vor.u32 v54, v3;
	v1 =	vadd.f32 v0, v1  }
0x135: {  	v18 =	vld.idx.msk [tilespmem:v62+s10+$0x0], $0xffff;
	v62 =	vor.u32 v54, v2;
	v0 =	vunpack.i.l.bf16.f32 v60  }
0x136: {  	v5 =	vld.idx.msk [tilespmem:v5+s10+$0x0], $0xffff;
	v0 =	vadd.f32 v0, v1  }
0x137: {  	v4 =	vmul.bf16 v4, v61;
	v1 =	vunpack.i.u.bf16.f32 v60  }
0x138: {  	v61 =	vor.u32 v55, v2;
	v0 =	vadd.f32 v0, v1  }
0x139: {  	v60 =	vor.u32 v55, v3;
	v25 =	vld.idx.msk [tilespmem:v63+s10+$0x0], $0xffff;
	v63 =	vunpack.i.l.bf16.f32 v4  }
0x13a: {  	v62 =	vld.idx.msk [tilespmem:v62+s10+$0x0], $0xffff;
	v0 =	vadd.f32 v63, v0  }
0x13b: {  	v4 =	vunpack.i.u.bf16.f32 v4;
	v5 =	vmul.bf16 v18, v5  }
0x13c: {  	v1 =	vadd.f32 v0, v4  }
0x13d: {  	v61 =	vld.idx.msk [tilespmem:v61+s10+$0x0], $0xffff;
	v0 =	vunpack.i.l.bf16.f32 v5  }
0x13e: {  	v63 =	vor.u32 v56, v3;
	v4 =	vld.idx.msk [tilespmem:v60+s10+$0x0], $0xffff;
	v0 =	vadd.f32 v0, v1  }
0x13f: {  	v60 =	vor.u32 v56, v2;
	v1 =	vunpack.i.u.bf16.f32 v5;
	v5 =	vmul.bf16 v25, v62  }
0x140: {  	v62 =	vor.u32 v57, v3;
	v1 =	vadd.f32 v0, v1  }
0x141: {  	v0 =	vunpack.i.l.bf16.f32 v5  }
0x142: {  	v0 =	vadd.f32 v0, v1  }
0x143: {  	v18 =	vld.idx.msk [tilespmem:v63+s10+$0x0], $0xffff;
	v4 =	vmul.bf16 v4, v61;
	v1 =	vunpack.i.u.bf16.f32 v5;
	v5 =	vor.u32 v58, v3  }
0x144: {  	v63 =	vor.u32 v57, v2;
	v60 =	vld.idx.msk [tilespmem:v60+s10+$0x0], $0xffff;
	v0 =	vadd.f32 v0, v1  }
0x145: {  	v25 =	vld.idx.msk [tilespmem:v62+s10+$0x0], $0xffff;
	v62 =	vunpack.i.l.bf16.f32 v4  }
0x146: {  	v61 =	vor.u32 v58, v2;
	v0 =	vadd.f32 v62, v0  }
0x147: {  	v4 =	vunpack.i.u.bf16.f32 v4;
	v62 =	vor.u32 v59, v3  }
0x148: {  	v1 =	vadd.f32 v0, v4;
	v4 =	vld.idx.msk [tilespmem:v5+s10+$0x0], $0xffff;
	v5 =	vor.u32 v59, v2  }
0x149: {  	v63 =	vld.idx.msk [tilespmem:v63+s10+$0x0], $0xffff  }
0x14a: {  	v60 =	vmul.bf16 v18, v60  }
0x14b: {  	v61 =	vld.idx.msk [tilespmem:v61+s10+$0x0], $0xffff  }
0x14c: {  	v0 =	vunpack.i.l.bf16.f32 v60;
	v18 =	vld.idx.msk [tilespmem:v62+s10+$0x0], $0xffff  }
0x14d: {  	v0 =	vadd.f32 v0, v1;
	v5 =	vld.idx.msk [tilespmem:v5+s10+$0x0], $0xffff  }
0x14e: {  	v1 =	vunpack.i.u.bf16.f32 v60;
	v60 =	vmul.bf16 v25, v63  }
0x14f: {  	v63 =	vor.u32 v30, v3;
	v1 =	vadd.f32 v0, v1  }
0x150: {  	v62 =	vor.u32 v30, v2;
	v0 =	vunpack.i.l.bf16.f32 v60  }
0x151: {  	v0 =	vadd.f32 v0, v1  }
0x152: {  	v4 =	vmul.bf16 v4, v61;
	v1 =	vunpack.i.u.bf16.f32 v60;
	v5 =	vmul.bf16 v18, v5;
	v18 =	vld [tilespmem:$0x1FD70]  }
0x153: {  	v60 =	vor.u32 v36, v3;
	v0 =	vadd.f32 v0, v1  }
0x154: {  	v61 =	vor.u32 v36, v2;
	v25 =	vld.idx.msk [tilespmem:v63+s10+$0x0], $0xffff;
	v36 =	vunpack.i.l.bf16.f32 v4  }
0x155: {  	v62 =	vld.idx.msk [tilespmem:v62+s10+$0x0], $0xffff;
	v0 =	vadd.f32 v36, v0  }
0x156: {  	v4 =	vunpack.i.u.bf16.f32 v4  }
0x157: {  	v1 =	vadd.f32 v0, v4;
	v63 =	vor.u32 v18, v3  }
0x158: {  	v4 =	vld.idx.msk [tilespmem:v60+s10+$0x0], $0xffff;
	v0 =	vunpack.i.l.bf16.f32 v5;
	v60 =	vor.u32 v18, v2  }
0x159: {  	v61 =	vld.idx.msk [tilespmem:v61+s10+$0x0], $0xffff;
	v0 =	vadd.f32 v0, v1  }
0x15a: {  	v1 =	vunpack.i.u.bf16.f32 v5;
	v5 =	vmul.bf16 v25, v62  }
0x15b: {  	v36 =	vor.u32 v34, v3;
	v1 =	vadd.f32 v0, v1  }
0x15c: {  	v0 =	vunpack.i.l.bf16.f32 v5;
	v25 =	vld.idx.msk [tilespmem:v63+s10+$0x0], $0xffff;
	v63 =	vor.u32 v34, v2  }
0x15d: {  	v0 =	vadd.f32 v0, v1;
	v60 =	vld.idx.msk [tilespmem:v60+s10+$0x0], $0xffff  }
0x15e: {  	v4 =	vmul.bf16 v4, v61;
	v1 =	vunpack.i.u.bf16.f32 v5  }
0x15f: {  	v5 =	vor.u32 v35, v3;
	v0 =	vadd.f32 v0, v1  }
0x160: {  	v26 =	vld.idx.msk [tilespmem:v36+s10+$0x0], $0xffff;
	v61 =	vor.u32 v35, v2;
	v36 =	vunpack.i.l.bf16.f32 v4  }
0x161: {  	v0 =	vadd.f32 v36, v0;
	v63 =	vld.idx.msk [tilespmem:v63+s10+$0x0], $0xffff  }
0x162: {  	v4 =	vunpack.i.u.bf16.f32 v4;
	v60 =	vmul.bf16 v25, v60  }
0x163: {  	v62 =	vor.u32 v41, v3;
	v1 =	vadd.f32 v0, v4  }
0x164: {  	v4 =	vld.idx.msk [tilespmem:v5+s10+$0x0], $0xffff;
	v5 =	vor.u32 v41, v2;
	v0 =	vunpack.i.l.bf16.f32 v60  }
0x165: {  	v61 =	vld.idx.msk [tilespmem:v61+s10+$0x0], $0xffff;
	v0 =	vadd.f32 v0, v1  }
0x166: {  	v1 =	vunpack.i.u.bf16.f32 v60;
	v60 =	vmul.bf16 v26, v63  }
0x167: {  	v36 =	vor.u32 v38, v3;
	v1 =	vadd.f32 v0, v1  }
0x168: {  	v25 =	vld.idx.msk [tilespmem:v62+s10+$0x0], $0xffff;
	v62 =	vor.u32 v38, v2;
	v0 =	vunpack.i.l.bf16.f32 v60  }
0x169: {  	v5 =	vld.idx.msk [tilespmem:v5+s10+$0x0], $0xffff;
	v0 =	vadd.f32 v0, v1  }
0x16a: {  	v4 =	vmul.bf16 v4, v61;
	v1 =	vunpack.i.u.bf16.f32 v60  }
0x16b: {  	v60 =	vor.u32 v32, v3;
	v0 =	vadd.f32 v0, v1  }
0x16c: {  	v61 =	vor.u32 v32, v2;
	v26 =	vld.idx.msk [tilespmem:v36+s10+$0x0], $0xffff;
	v36 =	vunpack.i.l.bf16.f32 v4  }
0x16d: {  	v24 =	vmov v23;
	v62 =	vld.idx.msk [tilespmem:v62+s10+$0x0], $0xffff;
	v0 =	vadd.f32 v36, v0  }
0x16e: {  	v23 =	vmovc v22;
	v22 =	vmovc v21;
	v21 =	vmov v13;
	v13 =	vld [tilespmem:$0x1FE70];
	v4 =	vunpack.i.u.bf16.f32 v4;
	v5 =	vmul.bf16 v25, v5  }
0x16f: {  	v63 =	vor.u32 v33, v3;
	v1 =	vadd.f32 v0, v4  }
0x170: {  	v4 =	vld.idx.msk [tilespmem:v60+s10+$0x0], $0xffff;
	v60 =	vor.u32 v33, v2;
	v0 =	vunpack.i.l.bf16.f32 v5  }
0x171: {  	v61 =	vld.idx.msk [tilespmem:v61+s10+$0x0], $0xffff;
	v0 =	vadd.f32 v0, v1  }
0x172: {  	v1 =	vunpack.i.u.bf16.f32 v5;
	v5 =	vmul.bf16 v26, v62;
	v26 =	vmov v14;
	v14 =	vld [tilespmem:$0x1FE80]  }
0x173: {  	v36 =	vor.u32 v13, v3;
	v1 =	vadd.f32 v0, v1  }
0x174: {  	v27 =	vld.idx.msk [tilespmem:v63+s10+$0x0], $0xffff;
	v63 =	vor.u32 v13, v2;
	v0 =	vunpack.i.l.bf16.f32 v5  }
0x175: {  	v60 =	vld.idx.msk [tilespmem:v60+s10+$0x0], $0xffff;
	v0 =	vadd.f32 v0, v1  }
0x176: {  	v4 =	vmul.bf16 v4, v61;
	v1 =	vunpack.i.u.bf16.f32 v5  }
0x177: {  	v5 =	vor.u32 v14, v3;
	v0 =	vadd.f32 v0, v1  }
0x178: {  	v28 =	vld.idx.msk [tilespmem:v36+s10+$0x0], $0xffff;
	v61 =	vor.u32 v14, v2;
	v36 =	vunpack.i.l.bf16.f32 v4  }
0x179: {  	v63 =	vld.idx.msk [tilespmem:v63+s10+$0x0], $0xffff;
	v0 =	vadd.f32 v36, v0  }
0x17a: {  	v4 =	vunpack.i.u.bf16.f32 v4;
	v60 =	vmul.bf16 v27, v60;
	v27 =	vmov v15;
	v15 =	vld [tilespmem:$0x1FE90]  }
0x17b: {  	v29 =	vmov v17;
	v17 =	vld [tilespmem:$0x1FEB0];
	v1 =	vadd.f32 v0, v4  }
0x17c: {  	v4 =	vld.idx.msk [tilespmem:v5+s10+$0x0], $0xffff;
	v0 =	vunpack.i.l.bf16.f32 v60  }
0x17d: {  	v61 =	vld.idx.msk [tilespmem:v61+s10+$0x0], $0xffff;
	v0 =	vadd.f32 v0, v1  }
0x17e: {  	v1 =	vunpack.i.u.bf16.f32 v60;
	v60 =	vmul.bf16 v28, v63  }
0x17f: {  	v62 =	vor.u32 v15, v3;
	v1 =	vadd.f32 v0, v1  }
0x180: {  	v5 =	vor.u32 v15, v2;
	v0 =	vunpack.i.l.bf16.f32 v60  }
0x181: {  	v0 =	vadd.f32 v0, v1  }
0x182: {  	v4 =	vmul.bf16 v4, v61;
	v1 =	vunpack.i.u.bf16.f32 v60;
	v60 =	vor.u32 v17, v3  }
0x183: {  	v0 =	vadd.f32 v0, v1  }
0x184: {  	v63 =	vunpack.i.l.bf16.f32 v4;
	v30 =	vld.idx.msk [tilespmem:v62+s10+$0x0], $0xffff  }
0x185: {  	v5 =	vld.idx.msk [tilespmem:v5+s10+$0x0], $0xffff;
	v0 =	vadd.f32 v63, v0  }
0x186: {  	v28 =	vmov v16;
	v16 =	vld [tilespmem:$0x1FEA0];
	v4 =	vunpack.i.u.bf16.f32 v4  }
0x187: {  	v1 =	vadd.f32 v0, v4;
	v0 =	vld.idx.msk [tilespmem:v60+s10+$0x0], $0xffff;
	_ =	sdelay $0x2  }
0x188: {  	v63 =	vor.u32 v39, v3;
	v5 =	vmul.bf16 v30, v5  }
0x189: {  	v36 =	vor.u32 v16, v3  }
0x18a: {  	v61 =	vor.u32 v17, v2;
	[tilespmem:$0x1F7C0] =	vst v0;
	v0 =	vunpack.i.l.bf16.f32 v5  }
0x18b: {  	v62 =	vor.u32 v16, v2;
	v0 =	vadd.f32 v0, v1  }
0x18c: {  	v1 =	vunpack.i.u.bf16.f32 v5  }
0x18d: {  	v1 =	vadd.f32 v0, v1;
	v0 =	vld.idx.msk [tilespmem:v63+s10+$0x0], $0xffff  }
0x18e: {  	v36 =	vld.idx.msk [tilespmem:v36+s10+$0x0], $0xffff  }
0x18f: {  	v4 =	vld.idx.msk [tilespmem:v61+s10+$0x0], $0xffff  }
0x190: {  	v62 =	vld.idx.msk [tilespmem:v62+s10+$0x0], $0xffff  }
0x191: {  	v61 =	vmov v33;
	v33 =	vld [tilespmem:$0x1FE20]  }
0x192: {  	[tilespmem:$0x1F7D0] =	vst v0;
	v0 =	vld [tilespmem:$0x1FE30];
	_ =	sdelay $0x1  }
0x193: {  	v60 =	vor.u32 v39, v2  }
0x194: {  	v5 =	vmul.bf16 v36, v62  }
0x195: {  	v62 =	vor.u32 v44, v3  }
0x196: {  	v39 =	vsel vm0, v0, v33;
	v0 =	vunpack.i.l.bf16.f32 v5  }
0x197: {  	v63 =	vor.u32 v44, v2;
	v0 =	vadd.f32 v0, v1;
	v1 =	vunpack.i.u.bf16.f32 v5;
	v5 =	vld [tilespmem:$0x1F7C0]  }
0x198: {  	v30 =	vld.idx.msk [tilespmem:v60+s10+$0x0], $0xffff  }
0x199: {  	v60 =	vld [tilespmem:$0x1FDD0]  }
0x19a: {  	v1 =	vadd.f32 v0, v1;
	v0 =	vld.idx.msk [tilespmem:v62+s10+$0x0], $0xffff;
	_ =	sdelay $0x1  }
0x19b: {  	v4 =	vmul.bf16 v5, v4;
	v5 =	vld.idx.msk [tilespmem:v63+s10+$0x0], $0xffff;
	_ =	sdelay $0x2  }
0x19c: {  	v44 =	vmovc v31;
	v31 =	vmov v20;
	v20 =	vcombine.low v60, v39;
	[tilespmem:$0x1F7F0] =	vst v0;
	v0 =	vunpack.i.l.bf16.f32 v4  }
0x19d: {  	[tilespmem:$0x1F7E0] =	vst v30;
	v0 =	vadd.f32 v0, v1;
	v1 =	vunpack.i.u.bf16.f32 v4;
	v4 =	vld [tilespmem:$0x1F7D0]  }
0x19e: {  	v60 =	vor.u32 v20, v3;
	[tilespmem:$0x1F800] =	vst v5;
	v5 =	vld [tilespmem:$0x1F7E0]  }
0x19f: {  	v36 =	vmov v32;
	v32 =	vor.u32 v20, v2;
	_ =	sdelay $0x3  }
0x1a0: {  	v4 =	vmul.bf16 v4, v5;
	v5 =	vadd.f32 v0, v1;
	v0 =	vld.idx.msk [tilespmem:v60+s10+$0x0], $0xffff  }
0x1a1: {  	v62 =	vld.idx.msk [tilespmem:v32+s10+$0x0], $0xffff;
	_ =	sdelay $0x2  }
0x1a2: {  	v1 =	vld [tilespmem:$0x1FD90]  }
0x1a3: {  	[tilespmem:$0x1F810] =	vst v0;
	v0 =	vld [tilespmem:$0x1FD80]  }
0x1a4: {  	[tilespmem:$0x1F820] =	vst v62;
	v62 =	vld [tilespmem:$0x1FDF0];
	_ =	sdelay $0x1  }
0x1a5: {  	v63 =	vor.u32 v46, v3;
	_ =	sdelay $0x1  }
0x1a6: {  	v0 =	vsel vm0, v1, v0;
	v1 =	vunpack.i.l.bf16.f32 v4  }
0x1a7: {  	v62 =	vcombine.low v0, v62;
	v0 =	vadd.f32 v1, v5  }
0x1a8: {  	v1 =	vunpack.i.u.bf16.f32 v4  }
0x1a9: {  	v1 =	vadd.f32 v0, v1;
	v0 =	vld.idx.msk [tilespmem:v63+s10+$0x0], $0xffff;
	_ =	sdelay $0x2  }
0x1aa: {  	v4 =	vld [tilespmem:$0x1F7F0]  }
0x1ab: {  	v5 =	vld [tilespmem:$0x1F800]  }
0x1ac: {  	v63 =	vld [tilespmem:$0x1FDB0];
	[tilespmem:$0x1F840] =	vst v0;
	v0 =	vor.u32 v62, v2  }
0x1ad: {  	[tilespmem:$0x1F830] =	vst v0;
	v0 =	vld [tilespmem:$0x1FDA0];
	_ =	sdelay $0x1  }
0x1ae: {  	v60 =	vor.u32 v46, v2  }
0x1af: {  	v4 =	vmul.bf16 v4, v5;
	v5 =	vor.u32 v62, v3;
	_ =	sdelay $0x1  }
0x1b0: {  	v63 =	vsel vm0, v63, v0;
	v0 =	vunpack.i.l.bf16.f32 v4  }
0x1b1: {  	v0 =	vadd.f32 v0, v1  }
0x1b2: {  	v60 =	vld.idx.msk [tilespmem:v60+s10+$0x0], $0xffff;
	v1 =	vunpack.i.u.bf16.f32 v4  }
0x1b3: {  	v1 =	vadd.f32 v0, v1;
	v0 =	vld.idx.msk [tilespmem:v5+s10+$0x0], $0xffff  }
0x1b4: {  	v5 =	vld [tilespmem:$0x1F830];
	_ =	sdelay $0x3  }
0x1b5: {  	[tilespmem:$0x1F850] =	vst v60;
	v60 =	vld [tilespmem:$0x1FE00];
	_ =	sdelay $0x2  }
0x1b6: {  	v4 =	vld [tilespmem:$0x1F810]  }
0x1b7: {  	v5 =	vld.idx.msk [tilespmem:v5+s10+$0x0], $0xffff  }
0x1b8: {  	v63 =	vcombine.low v63, v60;
	v60 =	vld [tilespmem:$0x1F820];
	_ =	sdelay $0x1  }
0x1b9: {  	[tilespmem:$0x1F870] =	vst v0;
	v0 =	vld [tilespmem:$0x1FDC0];
	_ =	sdelay $0x1  }
0x1ba: {  	[tilespmem:$0x1F880] =	vst v5;
	v5 =	vld [tilespmem:$0x1FE40]  }
0x1bb: {  	v4 =	vmul.bf16 v4, v60;
	_ =	sdelay $0x1  }
0x1bc: {  	v33 =	vsel vm0, v33, v0;
	v0 =	vunpack.i.l.bf16.f32 v4  }
0x1bd: {  	v0 =	vadd.f32 v0, v1;
	v1 =	vunpack.i.u.bf16.f32 v4;
	v4 =	vld [tilespmem:$0x1F840]  }
0x1be: {  	v33 =	vcombine.low v33, v5;
	v5 =	vld [tilespmem:$0x1F850];
	_ =	sdelay $0x3  }
0x1bf: {  	v60 =	vor.u32 v63, v3  }
0x1c0: {  	[tilespmem:$0x1F860] =	vst v60;
	v4 =	vmul.bf16 v4, v5;
	v5 =	vor.u32 v33, v3  }
0x1c1: {  	[tilespmem:$0x1F890] =	vst v5;
	v5 =	vadd.f32 v0, v1;
	v0 =	vld [tilespmem:$0x1F860]  }
0x1c2: {  	v32 =	vor.u32 v63, v2;
	_ =	sdelay $0x4  }
0x1c3: {  	v32 =	vld.idx.msk [tilespmem:v32+s10+$0x0], $0xffff  }
0x1c4: {  	v1 =	vld [tilespmem:$0x1FDE0]  }
0x1c5: {  	v60 =	vld.idx.msk [tilespmem:v0+s10+$0x0], $0xffff;
	v0 =	vor.u32 v33, v2  }
0x1c6: {  	[tilespmem:$0x1F8A0] =	vst v0;
	v0 =	vld [tilespmem:$0x1FE10];
	_ =	sdelay $0x1  }
0x1c7: {  	[tilespmem:$0x1F8B0] =	vst v32;
	v32 =	vld [tilespmem:$0x1FE50];
	_ =	sdelay $0x2  }
0x1c8: {  	v0 =	vsel vm0, v0, v1;
	v1 =	vunpack.i.l.bf16.f32 v4  }
0x1c9: {  	v1 =	vadd.f32 v1, v5;
	v5 =	vld [tilespmem:$0x1F870]  }
0x1ca: {  	v0 =	vcombine.low v0, v32;
	v32 =	vld [tilespmem:$0x1F880];
	_ =	sdelay $0x1  }
0x1cb: {  	v4 =	vunpack.i.u.bf16.f32 v4  }
0x1cc: {  	v4 =	vadd.f32 v1, v4;
	v1 =	vld [tilespmem:$0x1F890];
	_ =	sdelay $0x1  }
0x1cd: {  	v5 =	vmul.bf16 v5, v32;
	v32 =	vld [tilespmem:$0x1F8A0];
	_ =	sdelay $0x5  }
0x1ce: {  	v1 =	vld.idx.msk [tilespmem:v1+s10+$0x0], $0xffff;
	_ =	sdelay $0x1  }
0x1cf: {  	v25 =	vor.u32 v0, v3;
	v32 =	vld.idx.msk [tilespmem:v32+s10+$0x0], $0xffff;
	_ =	sdelay $0x2  }
0x1d0: {  	[tilespmem:$0x1F8D0] =	vst v1;
	v1 =	vor.u32 v0, v2  }
0x1d1: {  	[tilespmem:$0x1F8C0] =	vst v1  }
0x1d2: {  	[tilespmem:$0x1F8E0] =	vst v32;
	v32 =	vld.idx.msk [tilespmem:v25+s10+$0x0], $0xffff  }
0x1d3: {  	v1 =	vunpack.i.l.bf16.f32 v5;
	v25 =	vld [tilespmem:$0x1F8C0]  }
0x1d4: {  	v1 =	vadd.f32 v1, v4;
	v4 =	vunpack.i.u.bf16.f32 v5;
	v5 =	vld [tilespmem:$0x1F8B0];
	_ =	sdelay $0x4  }
0x1d5: {  	v4 =	vadd.f32 v1, v4;
	v1 =	vor.u32 v49, v2;
	v5 =	vmul.bf16 v60, v5  }
0x1d6: {  	[tilespmem:$0x1F900] =	vst v1;
	v60 =	vor.u32 v49, v3  }
0x1d7: {  	[tilespmem:$0x1F8F0] =	vst v60;
	v1 =	vunpack.i.l.bf16.f32 v5;
	v60 =	vld.idx.msk [tilespmem:v25+s10+$0x0], $0xffff  }
0x1d8: {  	v1 =	vadd.f32 v1, v4  }
0x1d9: {  	v4 =	vunpack.i.u.bf16.f32 v5  }
0x1da: {  	v25 =	vadd.f32 v1, v4;
	v1 =	vld [tilespmem:$0x1F8F0]  }
0x1db: {  	v5 =	vld [tilespmem:$0x1F8D0]  }
0x1dc: {  	[tilespmem:$0x1F910] =	vst v60;
	v60 =	vld [tilespmem:$0x1F8E0];
	_ =	sdelay $0x4  }
0x1dd: {  	v5 =	vmul.bf16 v5, v60;
	v60 =	vor.u32 v45, v3  }
0x1de: {  	[tilespmem:$0x1F920] =	vst v60;
	v60 =	vld.idx.msk [tilespmem:v1+s10+$0x0], $0xffff;
	v1 =	vor.u32 v45, v2  }
0x1df: {  	[tilespmem:$0x1F930] =	vst v1;
	v1 =	vld [tilespmem:$0x1F900];
	_ =	sdelay $0x7  }
0x1e0: {  	v1 =	vld.idx.msk [tilespmem:v1+s10+$0x0], $0xffff;
	_ =	sdelay $0x4  }
0x1e1: {  	[tilespmem:$0x1F950] =	vst v1;
	v1 =	vld [tilespmem:$0x1FE60];
	_ =	sdelay $0x4  }
0x1e2: {  	v1 =	vcombine.low v39, v1;
	v39 =	vld [tilespmem:$0x1F930];
	_ =	sdelay $0x1  }
0x1e3: {  	v4 =	vunpack.i.l.bf16.f32 v5  }
0x1e4: {  	v30 =	vadd.f32 v4, v25  }
0x1e5: {  	v5 =	vunpack.i.u.bf16.f32 v5  }
0x1e6: {  	v5 =	vadd.f32 v30, v5;
	_ =	sdelay $0x1  }
0x1e7: {  	[tilespmem:$0x1F940] =	vst v5;
	v5 =	vld [tilespmem:$0x1F920]  }
0x1e8: {  	v39 =	vld.idx.msk [tilespmem:v39+s10+$0x0], $0xffff;
	_ =	sdelay $0x1  }
0x1e9: {  	v4 =	vld [tilespmem:$0x1F910];
	_ =	sdelay $0x2  }
0x1ea: {  	v25 =	vor.u32 v1, v3;
	[tilespmem:$0x1F980] =	vst v39;
	v39 =	vld [tilespmem:$0x1F940];
	_ =	sdelay $0x1  }
0x1eb: {  	v4 =	vmul.bf16 v32, v4  }
0x1ec: {  	v32 =	vld.idx.msk [tilespmem:v5+s10+$0x0], $0xffff;
	v5 =	vor.u32 v1, v2  }
0x1ed: {  	[tilespmem:$0x1F960] =	vst v5;
	v5 =	vunpack.i.l.bf16.f32 v4  }
0x1ee: {  	v30 =	vadd.f32 v5, v39;
	v39 =	vld.idx.msk [tilespmem:v25+s10+$0x0], $0xffff  }
0x1ef: {  	v25 =	vld [tilespmem:$0x1F960];
	_ =	sdelay $0x1  }
0x1f0: {  	v5 =	vunpack.i.u.bf16.f32 v4;
	v4 =	vld [tilespmem:$0x1F950];
	_ =	sdelay $0x2  }
0x1f1: {  	v5 =	vadd.f32 v30, v5;
	_ =	sdelay $0x1  }
0x1f2: {  	[tilespmem:$0x1F970] =	vst v5;
	v4 =	vmul.bf16 v60, v4;
	v60 =	vor.u32 v50, v3  }
0x1f3: {  	[tilespmem:$0x1F990] =	vst v60;
	v60 =	vld.idx.msk [tilespmem:v25+s10+$0x0], $0xffff  }
0x1f4: {  	v25 =	vld [tilespmem:$0x1F970];
	_ =	sdelay $0x2  }
0x1f5: {  	v5 =	vor.u32 v50, v2  }
0x1f6: {  	[tilespmem:$0x1F9A0] =	vst v5;
	v5 =	vunpack.i.l.bf16.f32 v4  }
0x1f7: {  	v30 =	vadd.f32 v5, v25;
	v25 =	vor.u32 v52, v3  }
0x1f8: {  	[tilespmem:$0x1F9C0] =	vst v25;
	v25 =	vld [tilespmem:$0x1F9A0];
	_ =	sdelay $0x3  }
0x1f9: {  	v5 =	vunpack.i.u.bf16.f32 v4  }
0x1fa: {  	v5 =	vadd.f32 v30, v5;
	_ =	sdelay $0x1  }
0x1fb: {  	[tilespmem:$0x1F9B0] =	vst v5;
	v5 =	vld [tilespmem:$0x1F990]  }
0x1fc: {  	v25 =	vld.idx.msk [tilespmem:v25+s10+$0x0], $0xffff;
	_ =	sdelay $0x1  }
0x1fd: {  	v4 =	vld [tilespmem:$0x1F980];
	_ =	sdelay $0x2  }
0x1fe: {  	[tilespmem:$0x1F9F0] =	vst v25;
	v25 =	vld [tilespmem:$0x1F9B0];
	_ =	sdelay $0x1  }
0x1ff: {  	v4 =	vmul.bf16 v32, v4  }
0x200: {  	v32 =	vld.idx.msk [tilespmem:v5+s10+$0x0], $0xffff;
	v5 =	vor.u32 v52, v2  }
0x201: {  	[tilespmem:$0x1F9D0] =	vst v5;
	v5 =	vunpack.i.l.bf16.f32 v4  }
0x202: {  	v25 =	vadd.f32 v5, v25  }
0x203: {  	v5 =	vunpack.i.u.bf16.f32 v4  }
0x204: {  	v5 =	vadd.f32 v25, v5;
	_ =	sdelay $0x1  }
0x205: {  	[tilespmem:$0x1F9E0] =	vst v5;
	v5 =	vld [tilespmem:$0x1F9C0];
	_ =	sdelay $0x4  }
0x206: {  	v30 =	vld [tilespmem:$0x1F9E0];
	_ =	sdelay $0x1  }
0x207: {  	v4 =	vmul.bf16 v39, v60  }
0x208: {  	v39 =	vld.idx.msk [tilespmem:v5+s10+$0x0], $0xffff;
	v5 =	vor.u32 v53, v2  }
0x209: {  	v60 =	vor.u32 v53, v3;
	v25 =	vld [tilespmem:$0x1F9D0];
	[tilespmem:$0x1FA00] =	vst v5;
	v5 =	vunpack.i.l.bf16.f32 v4  }
0x20a: {  	v3 =	vor.u32 v40, v3;
	v30 =	vadd.f32 v5, v30;
	v5 =	vunpack.i.u.bf16.f32 v4;
	v4 =	vld [tilespmem:$0x1F9F0]  }
0x20b: {  	[tilespmem:$0x1FA10] =	vst v3;
	v3 =	vld [tilespmem:$0x1FA00];
	_ =	sdelay $0x3  }
0x20c: {  	v4 =	vmul.bf16 v32, v4  }
0x20d: {  	v2 =	vor.u32 v40, v2;
	v5 =	vadd.f32 v30, v5  }
0x20e: {  	v25 =	vld.idx.msk [tilespmem:v25+s10+$0x0], $0xffff;
	[tilespmem:$0x1FA20] =	vst v2;
	v2 =	vunpack.i.l.bf16.f32 v4  }
0x20f: {  	v32 =	vld.idx.msk [tilespmem:v60+s10+$0x0], $0xffff;
	v2 =	vadd.f32 v2, v5  }
0x210: {  	v4 =	vunpack.i.u.bf16.f32 v4;
	v60 =	vld.idx.msk [tilespmem:v3+s10+$0x0], $0xffff  }
0x211: {  	v3 =	vadd.f32 v2, v4;
	v2 =	vld [tilespmem:$0x1FA10]  }
0x212: {  	v4 =	vld [tilespmem:$0x1FA20];
	_ =	sdelay $0x4  }
0x213: {  	v5 =	vmul.bf16 v39, v25;
	_ =	sdelay $0x1  }
0x214: {  	v25 =	vld.idx.msk [tilespmem:v2+s10+$0x0], $0xffff;
	v2 =	vunpack.i.l.bf16.f32 v5  }
0x215: {  	v4 =	vld.idx.msk [tilespmem:v4+s10+$0x0], $0xffff;
	v2 =	vadd.f32 v2, v3  }
0x216: {  	v3 =	vunpack.i.u.bf16.f32 v5;
	v5 =	vmul.bf16 v32, v60  }
0x217: {  	v2 =	vadd.f32 v2, v3  }
0x218: {  	v3 =	vunpack.i.l.bf16.f32 v5  }
0x219: {  	v30 =	vadd.f32 v3, v2  }
0x21a: {  	v5 =	vunpack.i.u.bf16.f32 v5;
	v4 =	vmul.bf16 v25, v4  }
0x21b: {  	s30 =	simm.s32 $0x10;
	v30 =	vadd.f32 v30, v5  }
0x21c: {  	v3 =	vmov s30;
	v5 =	vunpack.i.l.bf16.f32 v4  }
0x21d: {  	v2 =	vshll.u32 v3, $0x6;
	v5 =	vadd.f32 v5, v30  }
0x21e: {  	v3 =	vadd.s32 v6, v2;
	v4 =	vunpack.i.u.bf16.f32 v4  }
0x21f: {  	v2 =	vor.u32 v7, v2;
	v25 =	vor.u32 v8, v3;
	v4 =	vadd.f32 v5, v4  }
0x220: {  	v60 =	vor.u32 v8, v2  }
0x221: {  	[tilespmem:s14+$0x0] =	vst v4;
	v4 =	vor.u32 v9, v2;
	_ =	sdelay $0x2  }
0x222: {  	v25 =	vld.idx.msk [tilespmem:v25+s10+$0x0], $0xffff  }
0x223: {  	v5 =	vld.idx.msk [tilespmem:v60+s10+$0x0], $0xffff  }
0x224: {  	v4 =	vld.idx.msk [tilespmem:v4+s10+$0x0], $0xffff;
	_ =	sdelay $0x3  }
0x225: {  	v5 =	vmul.bf16 v25, v5  }
0x226: {  	v39 =	vor.u32 v9, v3;
	[tilespmem:$0x1FA40] =	vst v4;
	v4 =	vor.u32 v11, v3  }
0x227: {  	[tilespmem:$0x1FA50] =	vst v4;
	v4 =	vunpack.i.l.bf16.f32 v5  }
0x228: {  	v30 =	vadd.f32 $0.0e+00, v4  }
0x229: {  	v5 =	vunpack.i.u.bf16.f32 v5  }
0x22a: {  	v30 =	vadd.f32 v30, v5;
	v5 =	vld [tilespmem:$0x1FA50]  }
0x22b: {  	v39 =	vld.idx.msk [tilespmem:v39+s10+$0x0], $0xffff  }
0x22c: {  	v4 =	vld [tilespmem:$0x1FA40];
	_ =	sdelay $0x2  }
0x22d: {  	v32 =	vor.u32 v10, v2  }
0x22e: {  	[tilespmem:$0x1FA30] =	vst v32  }
0x22f: {  	v25 =	vld [tilespmem:$0x1FA30];
	v4 =	vmul.bf16 v39, v4;
	v39 =	vor.u32 v12, v3  }
0x230: {  	[tilespmem:$0x1FA60] =	vst v39;
	v39 =	vld.idx.msk [tilespmem:v5+s10+$0x0], $0xffff;
	v5 =	vor.u32 v12, v2  }
0x231: {  	v60 =	vor.u32 v10, v3;
	[tilespmem:$0x1FA70] =	vst v5;
	v5 =	vunpack.i.l.bf16.f32 v4  }
0x232: {  	v30 =	vadd.f32 v5, v30  }
0x233: {  	v5 =	vunpack.i.u.bf16.f32 v4  }
0x234: {  	v30 =	vadd.f32 v30, v5;
	v5 =	vld [tilespmem:$0x1FA60];
	_ =	sdelay $0x1  }
0x235: {  	v32 =	vld.idx.msk [tilespmem:v60+s10+$0x0], $0xffff  }
0x236: {  	v25 =	vld.idx.msk [tilespmem:v25+s10+$0x0], $0xffff;
	_ =	sdelay $0x4  }
0x237: {  	v4 =	vmul.bf16 v32, v25;
	v32 =	vld.idx.msk [tilespmem:v5+s10+$0x0], $0xffff  }
0x238: {  	v25 =	vor.u32 v19, v3;
	v5 =	vor.u32 v19, v2;
	v19 =	vld [tilespmem:$0x1FA70];
	_ =	sdelay $0x6  }
0x239: {  	[tilespmem:$0x1FA90] =	vst v5;
	v5 =	vunpack.i.l.bf16.f32 v4  }
0x23a: {  	[tilespmem:$0x1FA80] =	vst v25;
	v25 =	vld.idx.msk [tilespmem:v19+s10+$0x0], $0xffff;
	v19 =	vadd.f32 v5, v30  }
0x23b: {  	v60 =	vor.u32 v11, v2;
	v5 =	vunpack.i.u.bf16.f32 v4  }
0x23c: {  	v30 =	vadd.f32 v19, v5;
	v5 =	vld [tilespmem:$0x1FA80];
	_ =	sdelay $0x3  }
0x23d: {  	v60 =	vld.idx.msk [tilespmem:v60+s10+$0x0], $0xffff;
	_ =	sdelay $0x3  }
0x23e: {  	v19 =	vld.idx.msk [tilespmem:v5+s10+$0x0], $0xffff  }
0x23f: {  	v4 =	vmul.bf16 v39, v60;
	v60 =	vor.u32 v31, v3;
	v5 =	vor.u32 v31, v2;
	v31 =	vld [tilespmem:$0x1FA90];
	_ =	sdelay $0x2  }
0x240: {  	[tilespmem:$0x1FAA0] =	vst v5;
	v5 =	vunpack.i.l.bf16.f32 v4  }
0x241: {  	v30 =	vadd.f32 v5, v30;
	v5 =	vunpack.i.u.bf16.f32 v4;
	v4 =	vmul.bf16 v32, v25;
	v25 =	vld [tilespmem:$0x1FAA0];
	_ =	sdelay $0x3  }
0x242: {  	v39 =	vld.idx.msk [tilespmem:v31+s10+$0x0], $0xffff;
	_ =	sdelay $0x1  }
0x243: {  	v32 =	vor.u32 v28, v3;
	v28 =	vor.u32 v28, v2;
	v30 =	vadd.f32 v30, v5  }
0x244: {  	v5 =	vunpack.i.l.bf16.f32 v4;
	v31 =	vld.idx.msk [tilespmem:v60+s10+$0x0], $0xffff  }
0x245: {  	v30 =	vadd.f32 v5, v30;
	v25 =	vld.idx.msk [tilespmem:v25+s10+$0x0], $0xffff  }
0x246: {  	v5 =	vunpack.i.u.bf16.f32 v4;
	v4 =	vmul.bf16 v19, v39  }
0x247: {  	v30 =	vadd.f32 v30, v5;
	v60 =	vor.u32 v27, v2  }
0x248: {  	v28 =	vld.idx.msk [tilespmem:v28+s10+$0x0], $0xffff;
	v39 =	vor.u32 v27, v3;
	v5 =	vunpack.i.l.bf16.f32 v4  }
0x249: {  	v19 =	vld.idx.msk [tilespmem:v32+s10+$0x0], $0xffff;
	v27 =	vadd.f32 v5, v30  }
0x24a: {  	v5 =	vunpack.i.u.bf16.f32 v4;
	v4 =	vmul.bf16 v31, v25  }
0x24b: {  	v31 =	vor.u32 v26, v3;
	v30 =	vadd.f32 v27, v5  }
0x24c: {  	v26 =	vor.u32 v26, v2;
	v25 =	vld.idx.msk [tilespmem:v60+s10+$0x0], $0xffff;
	v5 =	vunpack.i.l.bf16.f32 v4  }
0x24d: {  	v27 =	vld.idx.msk [tilespmem:v39+s10+$0x0], $0xffff;
	v30 =	vadd.f32 v5, v30  }
0x24e: {  	v32 =	vld [tilespmem:$0x1FF80];
	v5 =	vunpack.i.u.bf16.f32 v4;
	v4 =	vmul.bf16 v19, v28  }
0x24f: {  	v28 =	vor.u32 v21, v3;
	v30 =	vadd.f32 v30, v5  }
0x250: {  	v19 =	vld.idx.msk [tilespmem:v31+s10+$0x0], $0xffff;
	v31 =	vor.u32 v21, v2;
	v5 =	vunpack.i.l.bf16.f32 v4  }
0x251: {  	v26 =	vld.idx.msk [tilespmem:v26+s10+$0x0], $0xffff;
	v21 =	vadd.f32 v5, v30  }
0x252: {  	v5 =	vunpack.i.u.bf16.f32 v4;
	v4 =	vmul.bf16 v27, v25  }
0x253: {  	v27 =	vor.u32 v32, v3;
	v30 =	vadd.f32 v21, v5  }
0x254: {  	v21 =	vld.idx.msk [tilespmem:v28+s10+$0x0], $0xffff;
	v28 =	vor.u32 v32, v2;
	v5 =	vunpack.i.l.bf16.f32 v4  }
0x255: {  	v25 =	vld.idx.msk [tilespmem:v31+s10+$0x0], $0xffff;
	v30 =	vadd.f32 v5, v30  }
0x256: {  	v5 =	vunpack.i.u.bf16.f32 v4;
	v4 =	vmul.bf16 v19, v26  }
0x257: {  	v26 =	vor.u32 v29, v3;
	v30 =	vadd.f32 v30, v5  }
0x258: {  	v29 =	vor.u32 v29, v2;
	v19 =	vld.idx.msk [tilespmem:v27+s10+$0x0], $0xffff;
	v5 =	vunpack.i.l.bf16.f32 v4  }
0x259: {  	v27 =	vld.idx.msk [tilespmem:v28+s10+$0x0], $0xffff;
	v30 =	vadd.f32 v5, v30  }
0x25a: {  	v5 =	vunpack.i.u.bf16.f32 v4;
	v4 =	vmul.bf16 v21, v25  }
0x25b: {  	v30 =	vadd.f32 v30, v5  }
0x25c: {  	v28 =	vor.u32 v22, v3;
	v26 =	vld.idx.msk [tilespmem:v26+s10+$0x0], $0xffff;
	v5 =	vunpack.i.l.bf16.f32 v4  }
0x25d: {  	v31 =	vor.u32 v22, v2;
	v21 =	vmov v22;
	v25 =	vld.idx.msk [tilespmem:v29+s10+$0x0], $0xffff;
	v22 =	vadd.f32 v5, v30  }
0x25e: {  	v5 =	vunpack.i.u.bf16.f32 v4;
	v4 =	vmul.bf16 v19, v27  }
0x25f: {  	v30 =	vadd.f32 v22, v5  }
0x260: {  	v29 =	vor.u32 v23, v3;
	v5 =	vunpack.i.l.bf16.f32 v4  }
0x261: {  	v19 =	vld.idx.msk [tilespmem:v28+s10+$0x0], $0xffff;
	v28 =	vor.u32 v23, v2;
	v22 =	vmov v23;
	v23 =	vadd.f32 v5, v30  }
0x262: {  	v5 =	vunpack.i.u.bf16.f32 v4;
	v4 =	vmul.bf16 v26, v25  }
0x263: {  	v27 =	vld.idx.msk [tilespmem:v31+s10+$0x0], $0xffff;
	v25 =	vadd.f32 v23, v5  }
0x264: {  	v31 =	vor.u32 v24, v3;
	v5 =	vunpack.i.l.bf16.f32 v4  }
0x265: {  	v30 =	vadd.f32 v5, v25;
	v25 =	vld [tilespmem:$0x1FF50]  }
0x266: {  	v26 =	vld.idx.msk [tilespmem:v29+s10+$0x0], $0xffff;
	v29 =	vor.u32 v24, v2  }
0x267: {  	v23 =	vmov v24;
	v24 =	vld.idx.msk [tilespmem:v28+s10+$0x0], $0xffff  }
0x268: {  	v5 =	vunpack.i.u.bf16.f32 v4;
	v4 =	vmul.bf16 v19, v27  }
0x269: {  	v19 =	vld.idx.msk [tilespmem:v31+s10+$0x0], $0xffff;
	v30 =	vadd.f32 v30, v5  }
0x26a: {  	v5 =	vunpack.i.l.bf16.f32 v4;
	v28 =	vor.u32 v25, v3;
	v31 =	vor.u32 v25, v2;
	v25 =	vld [tilespmem:$0x1FF90]  }
0x26b: {  	v27 =	vld.idx.msk [tilespmem:v29+s10+$0x0], $0xffff;
	v30 =	vadd.f32 v5, v30  }
0x26c: {  	v5 =	vunpack.i.u.bf16.f32 v4;
	v4 =	vmul.bf16 v26, v24  }
0x26d: {  	v26 =	vadd.f32 v30, v5  }
0x26e: {  	v5 =	vunpack.i.l.bf16.f32 v4  }
0x26f: {  	v30 =	vadd.f32 v5, v26;
	v29 =	vor.u32 v25, v3  }
0x270: {  	v5 =	vunpack.i.u.bf16.f32 v4;
	v4 =	vmul.bf16 v19, v27;
	v26 =	vld [tilespmem:$0x1FFA0];
	v39 =	vor.u32 v25, v2  }
0x271: {  	v24 =	vld.idx.msk [tilespmem:v28+s10+$0x0], $0xffff;
	v27 =	vadd.f32 v30, v5  }
0x272: {  	v28 =	vld.idx.msk [tilespmem:v31+s10+$0x0], $0xffff;
	v5 =	vunpack.i.l.bf16.f32 v4  }
0x273: {  	v30 =	vadd.f32 v5, v27;
	v27 =	vld [tilespmem:$0x1FFB0]  }
0x274: {  	v19 =	vld.idx.msk [tilespmem:v29+s10+$0x0], $0xffff  }
0x275: {  	v29 =	vld.idx.msk [tilespmem:v39+s10+$0x0], $0xffff;
	_ =	sdelay $0x1  }
0x276: {  	v5 =	vunpack.i.u.bf16.f32 v4;
	v4 =	vmul.bf16 v24, v28  }
0x277: {  	v28 =	vadd.f32 v30, v5;
	v5 =	vor.u32 v27, v2  }
0x278: {  	v31 =	vor.u32 v26, v3;
	v60 =	vor.u32 v26, v2;
	[tilespmem:$0x1FAB0] =	vst v5;
	v5 =	vunpack.i.l.bf16.f32 v4  }
0x279: {  	v30 =	vadd.f32 v5, v28;
	v5 =	vunpack.i.u.bf16.f32 v4;
	v4 =	vmul.bf16 v19, v29;
	v29 =	vld [tilespmem:$0x1FAB0];
	_ =	sdelay $0x1  }
0x27a: {  	v39 =	vor.u32 v27, v3;
	_ =	sdelay $0x1  }
0x27b: {  	v24 =	vld.idx.msk [tilespmem:v31+s10+$0x0], $0xffff  }
0x27c: {  	v31 =	vld.idx.msk [tilespmem:v60+s10+$0x0], $0xffff  }
0x27d: {  	v28 =	vld [tilespmem:$0x1FFC0]  }
0x27e: {  	v19 =	vld.idx.msk [tilespmem:v39+s10+$0x0], $0xffff  }
0x27f: {  	v39 =	vld.idx.msk [tilespmem:v29+s10+$0x0], $0xffff  }
0x280: {  	v29 =	vld [tilespmem:$0x1FFD0];
	_ =	sdelay $0x1  }
0x281: {  	v30 =	vadd.f32 v30, v5;
	v5 =	vor.u32 v28, v2  }
0x282: {  	[tilespmem:$0x1FAC0] =	vst v5;
	v5 =	vunpack.i.l.bf16.f32 v4  }
0x283: {  	v30 =	vadd.f32 v5, v30  }
0x284: {  	v5 =	vunpack.i.u.bf16.f32 v4;
	v4 =	vmul.bf16 v24, v31;
	v24 =	vor.u32 v29, v3  }
0x285: {  	[tilespmem:$0x1FAD0] =	vst v24;
	v24 =	vld [tilespmem:$0x1FAC0];
	_ =	sdelay $0x1  }
0x286: {  	v60 =	vor.u32 v28, v3;
	_ =	sdelay $0x3  }
0x287: {  	v30 =	vadd.f32 v30, v5;
	v5 =	vor.u32 v29, v2  }
0x288: {  	v31 =	vld.idx.msk [tilespmem:v60+s10+$0x0], $0xffff;
	[tilespmem:$0x1FAE0] =	vst v5;
	v5 =	vunpack.i.l.bf16.f32 v4  }
0x289: {  	v60 =	vld.idx.msk [tilespmem:v24+s10+$0x0], $0xffff;
	v24 =	vadd.f32 v5, v30  }
0x28a: {  	v5 =	vunpack.i.u.bf16.f32 v4  }
0x28b: {  	v4 =	vmul.bf16 v19, v39;
	v30 =	vmovc v44;
	v19 =	vor.u32 v44, v3;
	v44 =	vadd.f32 v24, v5;
	v5 =	vld [tilespmem:$0x1FAD0];
	_ =	sdelay $0x7  }
0x28c: {  	[tilespmem:$0x1FAF0] =	vst v19;
	v19 =	vld.idx.msk [tilespmem:v5+s10+$0x0], $0xffff  }
0x28d: {  	v24 =	vmov v30;
	v5 =	vor.u32 v30, v2;
	v30 =	vld [tilespmem:$0x1FAE0];
	_ =	sdelay $0x6  }
0x28e: {  	[tilespmem:$0x1FB00] =	vst v5;
	v5 =	vunpack.i.l.bf16.f32 v4  }
0x28f: {  	v39 =	vld.idx.msk [tilespmem:v30+s10+$0x0], $0xffff;
	v30 =	vadd.f32 v5, v44  }
0x290: {  	v5 =	vunpack.i.u.bf16.f32 v4  }
0x291: {  	v44 =	vadd.f32 v30, v5;
	v5 =	vld [tilespmem:$0x1FAF0];
	_ =	sdelay $0x6  }
0x292: {  	v4 =	vmul.bf16 v31, v60  }
0x293: {  	v30 =	vld.idx.msk [tilespmem:v5+s10+$0x0], $0xffff;
	v5 =	vor.u32 v37, v2  }
0x294: {  	[tilespmem:$0x1FB10] =	vst v5;
	v5 =	vunpack.i.l.bf16.f32 v4  }
0x295: {  	v31 =	vld [tilespmem:$0x1FB00];
	v44 =	vadd.f32 v5, v44  }
0x296: {  	v5 =	vunpack.i.u.bf16.f32 v4;
	v4 =	vmul.bf16 v19, v39  }
0x297: {  	v44 =	vadd.f32 v44, v5  }
0x298: {  	v5 =	vunpack.i.l.bf16.f32 v4  }
0x299: {  	v19 =	vor.u32 v42, v3;
	v44 =	vadd.f32 v5, v44  }
0x29a: {  	[tilespmem:$0x1FB20] =	vst v19;
	v5 =	vunpack.i.u.bf16.f32 v4  }
0x29b: {  	v44 =	vadd.f32 v44, v5;
	v5 =	vld [tilespmem:$0x1FB20];
	_ =	sdelay $0x1  }
0x29c: {  	v31 =	vld.idx.msk [tilespmem:v31+s10+$0x0], $0xffff;
	_ =	sdelay $0x3  }
0x29d: {  	v39 =	vld [tilespmem:$0x1FB10]  }
0x29e: {  	v4 =	vmul.bf16 v30, v31;
	v30 =	vor.u32 v43, v3  }
0x29f: {  	v60 =	vor.u32 v37, v3;
	[tilespmem:$0x1FB30] =	vst v30;
	v30 =	vld.idx.msk [tilespmem:v5+s10+$0x0], $0xffff;
	v5 =	vor.u32 v43, v2  }
0x2a0: {  	[tilespmem:$0x1FB40] =	vst v5;
	v5 =	vunpack.i.l.bf16.f32 v4  }
0x2a1: {  	v44 =	vadd.f32 v5, v44  }
0x2a2: {  	v5 =	vunpack.i.u.bf16.f32 v4  }
0x2a3: {  	v44 =	vadd.f32 v44, v5;
	v5 =	vld [tilespmem:$0x1FB30]  }
0x2a4: {  	v19 =	vld.idx.msk [tilespmem:v60+s10+$0x0], $0xffff;
	v60 =	vor.u32 v42, v2  }
0x2a5: {  	v39 =	vld.idx.msk [tilespmem:v39+s10+$0x0], $0xffff;
	_ =	sdelay $0x3  }
0x2a6: {  	v31 =	vld.idx.msk [tilespmem:v60+s10+$0x0], $0xffff  }
0x2a7: {  	v4 =	vmul.bf16 v19, v39  }
0x2a8: {  	v19 =	vld.idx.msk [tilespmem:v5+s10+$0x0], $0xffff;
	v5 =	vor.u32 v47, v2  }
0x2a9: {  	[tilespmem:$0x1FB50] =	vst v5;
	v5 =	vunpack.i.l.bf16.f32 v4  }
0x2aa: {  	v39 =	vld [tilespmem:$0x1FB40];
	v44 =	vadd.f32 v5, v44  }
0x2ab: {  	v5 =	vunpack.i.u.bf16.f32 v4;
	v4 =	vmul.bf16 v30, v31  }
0x2ac: {  	v44 =	vadd.f32 v44, v5  }
0x2ad: {  	v5 =	vunpack.i.l.bf16.f32 v4  }
0x2ae: {  	v30 =	vor.u32 v48, v3;
	v44 =	vadd.f32 v5, v44  }
0x2af: {  	[tilespmem:$0x1FB60] =	vst v30;
	v5 =	vunpack.i.u.bf16.f32 v4  }
0x2b0: {  	v44 =	vadd.f32 v44, v5;
	v5 =	vld [tilespmem:$0x1FB60];
	_ =	sdelay $0x1  }
0x2b1: {  	v39 =	vld.idx.msk [tilespmem:v39+s10+$0x0], $0xffff;
	_ =	sdelay $0x3  }
0x2b2: {  	v31 =	vld [tilespmem:$0x1FB50]  }
0x2b3: {  	v4 =	vmul.bf16 v19, v39;
	v19 =	vor.u32 v51, v3  }
0x2b4: {  	v60 =	vor.u32 v47, v3;
	[tilespmem:$0x1FB70] =	vst v19;
	v19 =	vld.idx.msk [tilespmem:v5+s10+$0x0], $0xffff;
	v5 =	vor.u32 v51, v2  }
0x2b5: {  	[tilespmem:$0x1FB80] =	vst v5;
	v5 =	vunpack.i.l.bf16.f32 v4  }
0x2b6: {  	v44 =	vadd.f32 v5, v44  }
0x2b7: {  	v5 =	vunpack.i.u.bf16.f32 v4  }
0x2b8: {  	v44 =	vadd.f32 v44, v5;
	v5 =	vld [tilespmem:$0x1FB70]  }
0x2b9: {  	v30 =	vld.idx.msk [tilespmem:v60+s10+$0x0], $0xffff;
	v60 =	vor.u32 v48, v2  }
0x2ba: {  	v31 =	vld.idx.msk [tilespmem:v31+s10+$0x0], $0xffff;
	_ =	sdelay $0x3  }
0x2bb: {  	v39 =	vld.idx.msk [tilespmem:v60+s10+$0x0], $0xffff  }
0x2bc: {  	v4 =	vmul.bf16 v30, v31  }
0x2bd: {  	v30 =	vld.idx.msk [tilespmem:v5+s10+$0x0], $0xffff;
	v5 =	vor.u32 v54, v2  }
0x2be: {  	[tilespmem:$0x1FB90] =	vst v5;
	v5 =	vunpack.i.l.bf16.f32 v4  }
0x2bf: {  	v31 =	vld [tilespmem:$0x1FB80];
	v44 =	vadd.f32 v5, v44  }
0x2c0: {  	v5 =	vunpack.i.u.bf16.f32 v4;
	v4 =	vmul.bf16 v19, v39  }
0x2c1: {  	v44 =	vadd.f32 v44, v5  }
0x2c2: {  	v5 =	vunpack.i.l.bf16.f32 v4  }
0x2c3: {  	v19 =	vor.u32 v55, v3;
	v44 =	vadd.f32 v5, v44  }
0x2c4: {  	[tilespmem:$0x1FBA0] =	vst v19;
	v5 =	vunpack.i.u.bf16.f32 v4  }
0x2c5: {  	v44 =	vadd.f32 v44, v5;
	v5 =	vld [tilespmem:$0x1FBA0];
	_ =	sdelay $0x1  }
0x2c6: {  	v31 =	vld.idx.msk [tilespmem:v31+s10+$0x0], $0xffff;
	_ =	sdelay $0x3  }
0x2c7: {  	v60 =	vor.u32 v54, v3;
	v39 =	vld [tilespmem:$0x1FB90]  }
0x2c8: {  	v4 =	vmul.bf16 v30, v31;
	v30 =	vor.u32 v56, v3  }
0x2c9: {  	[tilespmem:$0x1FBB0] =	vst v30;
	v30 =	vld.idx.msk [tilespmem:v5+s10+$0x0], $0xffff;
	v5 =	vor.u32 v56, v2  }
0x2ca: {  	[tilespmem:$0x1FBC0] =	vst v5;
	v5 =	vunpack.i.l.bf16.f32 v4  }
0x2cb: {  	v44 =	vadd.f32 v5, v44  }
0x2cc: {  	v19 =	vld.idx.msk [tilespmem:v60+s10+$0x0], $0xffff;
	v5 =	vunpack.i.u.bf16.f32 v4  }
0x2cd: {  	v60 =	vor.u32 v55, v2;
	v44 =	vadd.f32 v44, v5;
	v5 =	vld [tilespmem:$0x1FBB0];
	_ =	sdelay $0x1  }
0x2ce: {  	v39 =	vld.idx.msk [tilespmem:v39+s10+$0x0], $0xffff;
	_ =	sdelay $0x2  }
0x2cf: {  	v31 =	vld.idx.msk [tilespmem:v60+s10+$0x0], $0xffff;
	_ =	sdelay $0x1  }
0x2d0: {  	v4 =	vmul.bf16 v19, v39  }
0x2d1: {  	v19 =	vld.idx.msk [tilespmem:v5+s10+$0x0], $0xffff;
	v5 =	vor.u32 v57, v2  }
0x2d2: {  	[tilespmem:$0x1FBD0] =	vst v5;
	v5 =	vunpack.i.l.bf16.f32 v4  }
0x2d3: {  	v44 =	vadd.f32 v5, v44;
	v5 =	vunpack.i.u.bf16.f32 v4;
	v4 =	vmul.bf16 v30, v31;
	v31 =	vld [tilespmem:$0x1FBD0]  }
0x2d4: {  	v39 =	vld [tilespmem:$0x1FBC0]  }
0x2d5: {  	v60 =	vor.u32 v57, v3;
	_ =	sdelay $0x2  }
0x2d6: {  	v30 =	vor.u32 v58, v3  }
0x2d7: {  	[tilespmem:$0x1FBE0] =	vst v30;
	v44 =	vadd.f32 v44, v5;
	v5 =	vor.u32 v58, v2  }
0x2d8: {  	v30 =	vld.idx.msk [tilespmem:v60+s10+$0x0], $0xffff;
	[tilespmem:$0x1FBF0] =	vst v5;
	v5 =	vunpack.i.l.bf16.f32 v4  }
0x2d9: {  	v60 =	vld.idx.msk [tilespmem:v31+s10+$0x0], $0xffff;
	v31 =	vadd.f32 v5, v44  }
0x2da: {  	v39 =	vld.idx.msk [tilespmem:v39+s10+$0x0], $0xffff;
	v5 =	vunpack.i.u.bf16.f32 v4  }
0x2db: {  	v44 =	vadd.f32 v31, v5;
	v5 =	vld [tilespmem:$0x1FBE0];
	_ =	sdelay $0x3  }
0x2dc: {  	v4 =	vmul.bf16 v19, v39;
	v19 =	vor.u32 v59, v3  }
0x2dd: {  	[tilespmem:$0x1FC00] =	vst v19;
	v19 =	vld [tilespmem:$0x1FBF0];
	_ =	sdelay $0x2  }
0x2de: {  	v31 =	vld.idx.msk [tilespmem:v5+s10+$0x0], $0xffff;
	v5 =	vor.u32 v59, v2  }
0x2df: {  	[tilespmem:$0x1FC10] =	vst v5;
	v5 =	vunpack.i.l.bf16.f32 v4  }
0x2e0: {  	v44 =	vadd.f32 v5, v44  }
0x2e1: {  	v5 =	vunpack.i.u.bf16.f32 v4  }
0x2e2: {  	v44 =	vadd.f32 v44, v5;
	v5 =	vld [tilespmem:$0x1FC00]  }
0x2e3: {  	v39 =	vld.idx.msk [tilespmem:v19+s10+$0x0], $0xffff  }
0x2e4: {  	v19 =	vld [tilespmem:$0x1FF70];
	_ =	sdelay $0x4  }
0x2e5: {  	v4 =	vmul.bf16 v30, v60;
	v30 =	vor.u32 v19, v3  }
0x2e6: {  	[tilespmem:$0x1FC20] =	vst v30;
	v30 =	vld.idx.msk [tilespmem:v5+s10+$0x0], $0xffff;
	v5 =	vor.u32 v19, v2  }
0x2e7: {  	[tilespmem:$0x1FC30] =	vst v5;
	v5 =	vunpack.i.l.bf16.f32 v4  }
0x2e8: {  	v44 =	vadd.f32 v5, v44  }
0x2e9: {  	v60 =	vld [tilespmem:$0x1FC10];
	v5 =	vunpack.i.u.bf16.f32 v4  }
0x2ea: {  	v44 =	vadd.f32 v44, v5;
	v5 =	vld [tilespmem:$0x1FC20];
	_ =	sdelay $0x1  }
0x2eb: {  	v4 =	vmul.bf16 v31, v39;
	v39 =	vld [tilespmem:$0x1FF60];
	_ =	sdelay $0x4  }
0x2ec: {  	v60 =	vld.idx.msk [tilespmem:v60+s10+$0x0], $0xffff;
	v31 =	vor.u32 v39, v3  }
0x2ed: {  	[tilespmem:$0x1FC50] =	vst v31;
	v31 =	vld.idx.msk [tilespmem:v5+s10+$0x0], $0xffff;
	v5 =	vor.u32 v39, v2  }
0x2ee: {  	[tilespmem:$0x1FC60] =	vst v5;
	v5 =	vunpack.i.l.bf16.f32 v4  }
0x2ef: {  	v44 =	vadd.f32 v5, v44  }
0x2f0: {  	v5 =	vunpack.i.u.bf16.f32 v4  }
0x2f1: {  	v44 =	vadd.f32 v44, v5;
	v5 =	vld [tilespmem:$0x1FC50]  }
0x2f2: {  	[tilespmem:$0x1FC40] =	vst v60  }
0x2f3: {  	v4 =	vld [tilespmem:$0x1FC40];
	_ =	sdelay $0x4  }
0x2f4: {  	v4 =	vmul.bf16 v30, v4;
	v30 =	vor.u32 v18, v3  }
0x2f5: {  	[tilespmem:$0x1FC70] =	vst v30;
	v30 =	vld.idx.msk [tilespmem:v5+s10+$0x0], $0xffff  }
0x2f6: {  	v5 =	vor.u32 v18, v2;
	v18 =	vld [tilespmem:$0x1FC60];
	_ =	sdelay $0x7  }
0x2f7: {  	v18 =	vld.idx.msk [tilespmem:v18+s10+$0x0], $0xffff  }
0x2f8: {  	v60 =	vmov v41;
	v41 =	vld [tilespmem:$0x1FC30];
	_ =	sdelay $0x2  }
0x2f9: {  	[tilespmem:$0x1FC80] =	vst v5;
	v5 =	vunpack.i.l.bf16.f32 v4  }
0x2fa: {  	[tilespmem:$0x1FC90] =	vst v18;
	v18 =	vadd.f32 v5, v44  }
0x2fb: {  	v5 =	vunpack.i.u.bf16.f32 v4  }
0x2fc: {  	v44 =	vadd.f32 v18, v5;
	v5 =	vld [tilespmem:$0x1FC70];
	_ =	sdelay $0x1  }
0x2fd: {  	v41 =	vld.idx.msk [tilespmem:v41+s10+$0x0], $0xffff;
	_ =	sdelay $0x4  }
0x2fe: {  	v4 =	vmul.bf16 v31, v41  }
0x2ff: {  	v18 =	vld.idx.msk [tilespmem:v5+s10+$0x0], $0xffff;
	v5 =	vor.u32 v34, v2  }
0x300: {  	[tilespmem:$0x1FCA0] =	vst v5;
	v5 =	vunpack.i.l.bf16.f32 v4  }
0x301: {  	v44 =	vadd.f32 v5, v44;
	v5 =	vunpack.i.u.bf16.f32 v4;
	v4 =	vld [tilespmem:$0x1FC90];
	_ =	sdelay $0x3  }
0x302: {  	v31 =	vld [tilespmem:$0x1FC80]  }
0x303: {  	v4 =	vmul.bf16 v30, v4  }
0x304: {  	v44 =	vadd.f32 v44, v5;
	v5 =	vor.u32 v35, v2  }
0x305: {  	[tilespmem:$0x1FCC0] =	vst v5;
	v5 =	vunpack.i.l.bf16.f32 v4  }
0x306: {  	v30 =	vor.u32 v35, v3;
	v44 =	vadd.f32 v5, v44  }
0x307: {  	[tilespmem:$0x1FCB0] =	vst v30;
	v5 =	vunpack.i.u.bf16.f32 v4  }
0x308: {  	v41 =	vor.u32 v34, v3;
	v44 =	vadd.f32 v44, v5;
	v5 =	vld [tilespmem:$0x1FCB0];
	_ =	sdelay $0x1  }
0x309: {  	v31 =	vld.idx.msk [tilespmem:v31+s10+$0x0], $0xffff;
	_ =	sdelay $0x2  }
0x30a: {  	v30 =	vld.idx.msk [tilespmem:v41+s10+$0x0], $0xffff  }
0x30b: {  	v41 =	vld [tilespmem:$0x1FCA0]  }
0x30c: {  	v4 =	vmul.bf16 v18, v31;
	v18 =	vor.u32 v60, v3  }
0x30d: {  	[tilespmem:$0x1FCD0] =	vst v18;
	v18 =	vld.idx.msk [tilespmem:v5+s10+$0x0], $0xffff;
	v5 =	vor.u32 v60, v2  }
0x30e: {  	[tilespmem:$0x1FCE0] =	vst v5;
	v5 =	vunpack.i.l.bf16.f32 v4  }
0x30f: {  	v44 =	vadd.f32 v5, v44  }
0x310: {  	v5 =	vunpack.i.u.bf16.f32 v4  }
0x311: {  	v44 =	vadd.f32 v44, v5;
	v5 =	vld [tilespmem:$0x1FCD0];
	_ =	sdelay $0x1  }
0x312: {  	v41 =	vld.idx.msk [tilespmem:v41+s10+$0x0], $0xffff;
	_ =	sdelay $0x2  }
0x313: {  	v31 =	vld [tilespmem:$0x1FCC0];
	_ =	sdelay $0x1  }
0x314: {  	v4 =	vmul.bf16 v30, v41;
	v30 =	vor.u32 v38, v3  }
0x315: {  	[tilespmem:$0x1FCF0] =	vst v30;
	v30 =	vld.idx.msk [tilespmem:v5+s10+$0x0], $0xffff;
	v5 =	vor.u32 v38, v2  }
0x316: {  	[tilespmem:$0x1FD00] =	vst v5;
	v5 =	vunpack.i.l.bf16.f32 v4  }
0x317: {  	v44 =	vadd.f32 v5, v44  }
0x318: {  	v5 =	vunpack.i.u.bf16.f32 v4  }
0x319: {  	v44 =	vadd.f32 v44, v5;
	v5 =	vld [tilespmem:$0x1FCF0]  }
0x31a: {  	v31 =	vld.idx.msk [tilespmem:v31+s10+$0x0], $0xffff;
	_ =	sdelay $0x2  }
0x31b: {  	v41 =	vld [tilespmem:$0x1FCE0];
	_ =	sdelay $0x1  }
0x31c: {  	v4 =	vmul.bf16 v18, v31  }
0x31d: {  	v18 =	vor.u32 v36, v3;
	v31 =	vld [tilespmem:$0x1FD00]  }
0x31e: {  	[tilespmem:$0x1FD10] =	vst v18;
	v18 =	vld.idx.msk [tilespmem:v5+s10+$0x0], $0xffff;
	v5 =	vunpack.i.l.bf16.f32 v4  }
0x31f: {  	v44 =	vadd.f32 v5, v44  }
0x320: {  	v5 =	vunpack.i.u.bf16.f32 v4  }
0x321: {  	v44 =	vadd.f32 v44, v5;
	v5 =	vld [tilespmem:$0x1FD10]  }
0x322: {  	v41 =	vld.idx.msk [tilespmem:v41+s10+$0x0], $0xffff;
	_ =	sdelay $0x3  }
0x323: {  	v31 =	vld.idx.msk [tilespmem:v31+s10+$0x0], $0xffff  }
0x324: {  	v4 =	vmul.bf16 v30, v41;
	_ =	sdelay $0x1  }
0x325: {  	v41 =	vor.u32 v61, v3;
	v30 =	vld.idx.msk [tilespmem:v5+s10+$0x0], $0xffff;
	v5 =	vunpack.i.l.bf16.f32 v4  }
0x326: {  	v44 =	vadd.f32 v5, v44  }
0x327: {  	v5 =	vunpack.i.u.bf16.f32 v4;
	v4 =	vmul.bf16 v18, v31  }
0x328: {  	v36 =	vor.u32 v36, v2;
	v44 =	vadd.f32 v44, v5  }
0x329: {  	v18 =	vor.u32 v13, v3;
	v5 =	vunpack.i.l.bf16.f32 v4  }
0x32a: {  	[tilespmem:$0x1FD20] =	vst v18;
	v18 =	vld.idx.msk [tilespmem:v41+s10+$0x0], $0xffff;
	v41 =	vor.u32 v13, v2;
	v13 =	vadd.f32 v5, v44  }
0x32b: {  	v5 =	vunpack.i.u.bf16.f32 v4  }
0x32c: {  	v61 =	vor.u32 v61, v2;
	v44 =	vadd.f32 v13, v5;
	v5 =	vld [tilespmem:$0x1FD20]  }
0x32d: {  	v36 =	vld.idx.msk [tilespmem:v36+s10+$0x0], $0xffff;
	_ =	sdelay $0x3  }
0x32e: {  	v31 =	vld.idx.msk [tilespmem:v61+s10+$0x0], $0xffff  }
0x32f: {  	v4 =	vmul.bf16 v30, v36  }
0x330: {  	v61 =	vor.u32 v14, v2  }
0x331: {  	v36 =	vor.u32 v14, v3;
	v13 =	vld.idx.msk [tilespmem:v5+s10+$0x0], $0xffff;
	v5 =	vunpack.i.l.bf16.f32 v4  }
0x332: {  	v30 =	vld.idx.msk [tilespmem:v41+s10+$0x0], $0xffff;
	v14 =	vadd.f32 v5, v44  }
0x333: {  	v5 =	vunpack.i.u.bf16.f32 v4;
	v4 =	vmul.bf16 v18, v31  }
0x334: {  	v18 =	vor.u32 v15, v3;
	v44 =	vadd.f32 v14, v5  }
0x335: {  	v31 =	vor.u32 v15, v2;
	v15 =	vld.idx.msk [tilespmem:v61+s10+$0x0], $0xffff;
	v5 =	vunpack.i.l.bf16.f32 v4  }
0x336: {  	v14 =	vld.idx.msk [tilespmem:v36+s10+$0x0], $0xffff;
	v61 =	vadd.f32 v5, v44  }
0x337: {  	v5 =	vunpack.i.u.bf16.f32 v4;
	v4 =	vmul.bf16 v13, v30  }
0x338: {  	v30 =	vor.u32 v16, v3;
	v36 =	vadd.f32 v61, v5  }
0x339: {  	v13 =	vld.idx.msk [tilespmem:v18+s10+$0x0], $0xffff;
	v18 =	vor.u32 v16, v2;
	v5 =	vunpack.i.l.bf16.f32 v4  }
0x33a: {  	v16 =	vld.idx.msk [tilespmem:v31+s10+$0x0], $0xffff;
	v36 =	vadd.f32 v5, v36  }
0x33b: {  	v41 =	vld [tilespmem:$0x1FFE0];
	v5 =	vunpack.i.u.bf16.f32 v4;
	v4 =	vmul.bf16 v14, v15  }
0x33c: {  	v31 =	vor.u32 v17, v3;
	v36 =	vadd.f32 v36, v5  }
0x33d: {  	v17 =	vor.u32 v17, v2;
	v14 =	vld.idx.msk [tilespmem:v30+s10+$0x0], $0xffff;
	v5 =	vunpack.i.l.bf16.f32 v4  }
0x33e: {  	v15 =	vld.idx.msk [tilespmem:v18+s10+$0x0], $0xffff;
	v30 =	vadd.f32 v5, v36  }
0x33f: {  	v44 =	vld [tilespmem:$0x1FFF0];
	v5 =	vunpack.i.u.bf16.f32 v4;
	v4 =	vmul.bf16 v13, v16  }
0x340: {  	v18 =	vor.u32 v41, v3;
	v36 =	vadd.f32 v30, v5  }
0x341: {  	v13 =	vld.idx.msk [tilespmem:v31+s10+$0x0], $0xffff;
	v30 =	vor.u32 v41, v2;
	v5 =	vunpack.i.l.bf16.f32 v4  }
0x342: {  	v16 =	vld.idx.msk [tilespmem:v17+s10+$0x0], $0xffff;
	v31 =	vadd.f32 v5, v36  }
0x343: {  	v5 =	vunpack.i.u.bf16.f32 v4;
	v4 =	vmul.bf16 v14, v15  }
0x344: {  	v17 =	vor.u32 v44, v3;
	v31 =	vadd.f32 v31, v5  }
0x345: {  	v14 =	vld.idx.msk [tilespmem:v18+s10+$0x0], $0xffff;
	v18 =	vor.u32 v44, v2;
	v5 =	vunpack.i.l.bf16.f32 v4  }
0x346: {  	v15 =	vld.idx.msk [tilespmem:v30+s10+$0x0], $0xffff;
	v31 =	vadd.f32 v5, v31  }
0x347: {  	v5 =	vunpack.i.u.bf16.f32 v4;
	v4 =	vmul.bf16 v13, v16  }
0x348: {  	v30 =	vor.u32 v20, v3;
	v31 =	vadd.f32 v31, v5  }
0x349: {  	v13 =	vld.idx.msk [tilespmem:v17+s10+$0x0], $0xffff;
	v17 =	vor.u32 v20, v2;
	v5 =	vunpack.i.l.bf16.f32 v4  }
0x34a: {  	[tilespmem:$0x1FD30] =	vst v20;
	v16 =	vld.idx.msk [tilespmem:v18+s10+$0x0], $0xffff;
	v20 =	vadd.f32 v5, v31  }
0x34b: {  	v5 =	vunpack.i.u.bf16.f32 v4;
	v4 =	vmul.bf16 v14, v15  }
0x34c: {  	v18 =	vor.u32 v46, v3;
	v31 =	vadd.f32 v20, v5  }
0x34d: {  	v14 =	vld.idx.msk [tilespmem:v30+s10+$0x0], $0xffff;
	v20 =	vor.u32 v46, v2;
	v5 =	vunpack.i.l.bf16.f32 v4  }
0x34e: {  	v15 =	vld.idx.msk [tilespmem:v17+s10+$0x0], $0xffff;
	v30 =	vadd.f32 v5, v31  }
0x34f: {  	v5 =	vunpack.i.u.bf16.f32 v4;
	v4 =	vmul.bf16 v13, v16  }
0x350: {  	v17 =	vor.u32 v62, v3;
	v30 =	vadd.f32 v30, v5  }
0x351: {  	v13 =	vld.idx.msk [tilespmem:v18+s10+$0x0], $0xffff;
	v18 =	vor.u32 v62, v2;
	v5 =	vunpack.i.l.bf16.f32 v4  }
0x352: {  	v16 =	vld.idx.msk [tilespmem:v20+s10+$0x0], $0xffff;
	v30 =	vadd.f32 v5, v30  }
0x353: {  	v5 =	vunpack.i.u.bf16.f32 v4;
	v4 =	vmul.bf16 v14, v15  }
0x354: {  	v20 =	vor.u32 v63, v3;
	v30 =	vadd.f32 v30, v5  }
0x355: {  	v14 =	vld.idx.msk [tilespmem:v17+s10+$0x0], $0xffff;
	v17 =	vor.u32 v63, v2;
	v5 =	vunpack.i.l.bf16.f32 v4  }
0x356: {  	v15 =	vld.idx.msk [tilespmem:v18+s10+$0x0], $0xffff;
	v30 =	vadd.f32 v5, v30  }
0x357: {  	v5 =	vunpack.i.u.bf16.f32 v4;
	v4 =	vmul.bf16 v13, v16  }
0x358: {  	v18 =	vor.u32 v33, v3;
	v30 =	vadd.f32 v30, v5  }
0x359: {  	v13 =	vld.idx.msk [tilespmem:v20+s10+$0x0], $0xffff;
	v20 =	vor.u32 v33, v2;
	v5 =	vunpack.i.l.bf16.f32 v4  }
0x35a: {  	v16 =	vld.idx.msk [tilespmem:v17+s10+$0x0], $0xffff;
	v30 =	vadd.f32 v5, v30  }
0x35b: {  	v5 =	vunpack.i.u.bf16.f32 v4;
	v4 =	vmul.bf16 v14, v15  }
0x35c: {  	v17 =	vor.u32 v0, v3;
	v30 =	vadd.f32 v30, v5  }
0x35d: {  	v14 =	vld.idx.msk [tilespmem:v18+s10+$0x0], $0xffff;
	v18 =	vor.u32 v0, v2;
	v5 =	vunpack.i.l.bf16.f32 v4  }
0x35e: {  	v15 =	vld.idx.msk [tilespmem:v20+s10+$0x0], $0xffff;
	v30 =	vadd.f32 v5, v30  }
0x35f: {  	v5 =	vunpack.i.u.bf16.f32 v4;
	v4 =	vmul.bf16 v13, v16  }
0x360: {  	v20 =	vor.u32 v49, v3;
	v30 =	vadd.f32 v30, v5  }
0x361: {  	v13 =	vld.idx.msk [tilespmem:v17+s10+$0x0], $0xffff;
	v17 =	vor.u32 v49, v2;
	v5 =	vunpack.i.l.bf16.f32 v4  }
0x362: {  	v16 =	vld.idx.msk [tilespmem:v18+s10+$0x0], $0xffff;
	v30 =	vadd.f32 v5, v30  }
0x363: {  	v5 =	vunpack.i.u.bf16.f32 v4;
	v4 =	vmul.bf16 v14, v15  }
0x364: {  	v18 =	vor.u32 v45, v3;
	v30 =	vadd.f32 v30, v5  }
0x365: {  	v14 =	vld.idx.msk [tilespmem:v20+s10+$0x0], $0xffff;
	v20 =	vor.u32 v45, v2;
	v5 =	vunpack.i.l.bf16.f32 v4  }
0x366: {  	v15 =	vld.idx.msk [tilespmem:v17+s10+$0x0], $0xffff;
	v30 =	vadd.f32 v5, v30  }
0x367: {  	v5 =	vunpack.i.u.bf16.f32 v4;
	v4 =	vmul.bf16 v13, v16  }
0x368: {  	v17 =	vor.u32 v1, v3;
	v30 =	vadd.f32 v30, v5  }
0x369: {  	v13 =	vld.idx.msk [tilespmem:v18+s10+$0x0], $0xffff;
	v18 =	vor.u32 v1, v2;
	v5 =	vunpack.i.l.bf16.f32 v4  }
0x36a: {  	v16 =	vld.idx.msk [tilespmem:v20+s10+$0x0], $0xffff;
	v30 =	vadd.f32 v5, v30  }
0x36b: {  	v5 =	vunpack.i.u.bf16.f32 v4;
	v4 =	vmul.bf16 v14, v15  }
0x36c: {  	v20 =	vor.u32 v50, v3;
	v30 =	vadd.f32 v30, v5  }
0x36d: {  	v14 =	vld.idx.msk [tilespmem:v17+s10+$0x0], $0xffff;
	v17 =	vor.u32 v50, v2;
	v5 =	vunpack.i.l.bf16.f32 v4  }
0x36e: {  	v15 =	vld.idx.msk [tilespmem:v18+s10+$0x0], $0xffff;
	v30 =	vadd.f32 v5, v30  }
0x36f: {  	v5 =	vunpack.i.u.bf16.f32 v4;
	v4 =	vmul.bf16 v13, v16  }
0x370: {  	v18 =	vor.u32 v52, v3;
	v30 =	vadd.f32 v30, v5  }
0x371: {  	v13 =	vld.idx.msk [tilespmem:v20+s10+$0x0], $0xffff;
	v16 =	vor.u32 v52, v2;
	v5 =	vunpack.i.l.bf16.f32 v4  }
0x372: {  	v17 =	vld.idx.msk [tilespmem:v17+s10+$0x0], $0xffff;
	v30 =	vadd.f32 v5, v30  }
0x373: {  	v5 =	vunpack.i.u.bf16.f32 v4;
	v4 =	vmul.bf16 v14, v15  }
0x374: {  	v20 =	vor.u32 v53, v3;
	v30 =	vadd.f32 v30, v5  }
0x375: {  	v14 =	vld.idx.msk [tilespmem:v18+s10+$0x0], $0xffff;
	v15 =	vor.u32 v53, v2;
	v5 =	vunpack.i.l.bf16.f32 v4  }
0x376: {  	v18 =	vld.idx.msk [tilespmem:v16+s10+$0x0], $0xffff;
	v30 =	vadd.f32 v5, v30  }
0x377: {  	v4 =	vunpack.i.u.bf16.f32 v4;
	v5 =	vmul.bf16 v13, v17  }
0x378: {  	v4 =	vadd.f32 v30, v4  }
0x379: {  	v16 =	vld.idx.msk [tilespmem:v20+s10+$0x0], $0xffff;
	v13 =	vor.u32 v40, v3;
	v3 =	vunpack.i.l.bf16.f32 v5  }
0x37a: {  	v17 =	vor.u32 v40, v2;
	v3 =	vadd.f32 v3, v4;
	v4 =	vld.idx.msk [tilespmem:v15+s10+$0x0], $0xffff  }
0x37b: {  	v61 =	vmovc v34;
	v34 =	vmovc v28;
	v28 =	vmov v22;
	v22 =	vld [tilespmem:$0x1FF10];
	v2 =	vmul.bf16 v14, v18;
	v5 =	vunpack.i.u.bf16.f32 v5  }
0x37c: {  	v36 =	vld [tilespmem:$0x1FF50];
	v3 =	vadd.f32 v3, v5  }
0x37d: {  	[tilespmem:$0x1FD40] =	vst v62;
	v62 =	vmovc v35;
	v35 =	vmov v29;
	v29 =	vmov v23;
	v23 =	vld [tilespmem:$0x1FF20];
	v5 =	vunpack.i.l.bf16.f32 v2  }
0x37e: {  	v13 =	vld.idx.msk [tilespmem:v13+s10+$0x0], $0xffff;
	v3 =	vadd.f32 v5, v3  }
0x37f: {  	v14 =	vld.idx.msk [tilespmem:v17+s10+$0x0], $0xffff;
	v2 =	vunpack.i.u.bf16.f32 v2;
	v4 =	vmul.bf16 v16, v4  }
0x380: {  	v31 =	vmovc v25;
	v25 =	vmov v32;
	v32 =	vmov v26;
	v26 =	vld [tilespmem:$0x1FF40];
	v2 =	vadd.f32 v3, v2  }
0x381: {  	[tilespmem:$0x1FD50] =	vst v63;
	v63 =	vmov v38;
	v38 =	vmov v19;
	v19 =	vld [tilespmem:$0x1FEE0];
	v3 =	vunpack.i.l.bf16.f32 v4  }
0x382: {  	s31 =	simm.s32 $0x20;
	[tilespmem:$0x1FD60] =	vst v33;
	v33 =	vmov v27;
	v27 =	vmov v21;
	v21 =	vld [tilespmem:$0x1FF00];
	v5 =	vadd.f32 v3, v2  }
0x383: {  	v20 =	vld [tilespmem:$0x1FEF0];
	v3 =	vmov s31;
	v2 =	vunpack.i.u.bf16.f32 v4  }
0x384: {  	s17 =	simm.s32 $0x30;
	s16 =	smov.u32 s14;
	v30 =	vmovc v24;
	v24 =	vld [tilespmem:$0x1FF30];
	v4 =	vmul.bf16 v13, v14;
	v5 =	vadd.f32 v5, v2;
	v2 =	vshll.u32 v3, $0x6  }
.LBB2_3:
0x385: {  	_ = 	snop  }
0x386: {  	v3 =	vadd.s32 v6, v2;
	v14 =	vmov v6;
	v6 =	vunpack.i.l.bf16.f32 v4  }
0x387: {  	v2 =	vor.u32 v7, v2;
	v13 =	vmovc v7;
	v7 =	vor.u32 v8, v3;
	v5 =	vadd.f32 v6, v5  }
0x388: {  	v4 =	vunpack.i.u.bf16.f32 v4;
	v6 =	vor.u32 v8, v2  }
0x389: {  	v4 =	vadd.f32 v5, v4  }
0x38a: {  	s16 =	sadd.s32 $0x10, s16  }
0x38b: {  	v5 =	vor.u32 v9, v3;
	[tilespmem:s16+$0x0] =	vst v4  }
0x38c: {  	v4 =	vld.idx.msk [tilespmem:v7+s10+$0x0], $0xffff;
	v7 =	vor.u32 v9, v2  }
0x38d: {  	v6 =	vld.idx.msk [tilespmem:v6+s10+$0x0], $0xffff;
	_ =	sdelay $0x1  }
0x38e: {  	v8 =	vor.u32 v10, v3  }
0x38f: {  	v15 =	vmov v9;
	v9 =	vor.u32 v10, v2;
	v5 =	vld.idx.msk [tilespmem:v5+s10+$0x0], $0xffff  }
0x390: {  	v7 =	vld.idx.msk [tilespmem:v7+s10+$0x0], $0xffff  }
0x391: {  	v4 =	vmul.bf16 v4, v6  }
0x392: {  	v16 =	vmov v10;
	v10 =	vor.u32 v11, v2  }
0x393: {  	v17 =	vmov v11;
	v8 =	vld.idx.msk [tilespmem:v8+s10+$0x0], $0xffff;
	v6 =	vor.u32 v11, v3;
	v11 =	vunpack.i.l.bf16.f32 v4  }
0x394: {  	v9 =	vld.idx.msk [tilespmem:v9+s10+$0x0], $0xffff;
	v11 =	vadd.f32 $0.0e+00, v11  }
0x395: {  	v4 =	vunpack.i.u.bf16.f32 v4;
	v5 =	vmul.bf16 v5, v7  }
0x396: {  	v7 =	vor.u32 v12, v3;
	v4 =	vadd.f32 v11, v4  }
0x397: {  	v18 =	vmov v12;
	v10 =	vld.idx.msk [tilespmem:v10+s10+$0x0], $0xffff;
	v11 =	vor.u32 v12, v2;
	v12 =	vunpack.i.l.bf16.f32 v5  }
0x398: {  	v6 =	vld.idx.msk [tilespmem:v6+s10+$0x0], $0xffff;
	v4 =	vadd.f32 v12, v4  }
0x399: {  	v8 =	vmul.bf16 v8, v9;
	v5 =	vunpack.i.u.bf16.f32 v5  }
0x39a: {  	v9 =	vor.u32 v19, v3;
	v4 =	vadd.f32 v4, v5  }
0x39b: {  	v12 =	vunpack.i.l.bf16.f32 v8;
	v5 =	vld.idx.msk [tilespmem:v7+s10+$0x0], $0xffff;
	v7 =	vor.u32 v19, v2  }
0x39c: {  	v11 =	vld.idx.msk [tilespmem:v11+s10+$0x0], $0xffff;
	v4 =	vadd.f32 v12, v4  }
0x39d: {  	v8 =	vunpack.i.u.bf16.f32 v8;
	v6 =	vmul.bf16 v6, v10  }
0x39e: {  	v10 =	vor.u32 v20, v3;
	v4 =	vadd.f32 v4, v8  }
0x39f: {  	v12 =	vunpack.i.l.bf16.f32 v6;
	v8 =	vld.idx.msk [tilespmem:v9+s10+$0x0], $0xffff;
	v9 =	vor.u32 v20, v2  }
0x3a0: {  	v7 =	vld.idx.msk [tilespmem:v7+s10+$0x0], $0xffff;
	v4 =	vadd.f32 v12, v4  }
0x3a1: {  	v6 =	vunpack.i.u.bf16.f32 v6;
	v5 =	vmul.bf16 v5, v11  }
0x3a2: {  	v11 =	vor.u32 v21, v3;
	v4 =	vadd.f32 v4, v6  }
0x3a3: {  	v12 =	vunpack.i.l.bf16.f32 v5;
	v6 =	vld.idx.msk [tilespmem:v10+s10+$0x0], $0xffff;
	v10 =	vor.u32 v21, v2  }
0x3a4: {  	v9 =	vld.idx.msk [tilespmem:v9+s10+$0x0], $0xffff;
	v4 =	vadd.f32 v12, v4  }
0x3a5: {  	v5 =	vunpack.i.u.bf16.f32 v5;
	v7 =	vmul.bf16 v8, v7  }
0x3a6: {  	v8 =	vor.u32 v22, v3;
	v4 =	vadd.f32 v4, v5  }
0x3a7: {  	v5 =	vld.idx.msk [tilespmem:v11+s10+$0x0], $0xffff;
	v11 =	vor.u32 v22, v2;
	v12 =	vunpack.i.l.bf16.f32 v7  }
0x3a8: {  	v10 =	vld.idx.msk [tilespmem:v10+s10+$0x0], $0xffff;
	v4 =	vadd.f32 v12, v4  }
0x3a9: {  	v7 =	vunpack.i.u.bf16.f32 v7;
	v6 =	vmul.bf16 v6, v9  }
0x3aa: {  	v9 =	vor.u32 v23, v3;
	v4 =	vadd.f32 v4, v7  }
0x3ab: {  	v7 =	vld.idx.msk [tilespmem:v8+s10+$0x0], $0xffff;
	v8 =	vor.u32 v23, v2;
	v12 =	vunpack.i.l.bf16.f32 v6  }
0x3ac: {  	v11 =	vld.idx.msk [tilespmem:v11+s10+$0x0], $0xffff;
	v4 =	vadd.f32 v12, v4  }
0x3ad: {  	v6 =	vunpack.i.u.bf16.f32 v6;
	v5 =	vmul.bf16 v5, v10  }
0x3ae: {  	v10 =	vor.u32 v24, v3;
	v4 =	vadd.f32 v4, v6  }
0x3af: {  	v6 =	vld.idx.msk [tilespmem:v9+s10+$0x0], $0xffff;
	v9 =	vor.u32 v24, v2;
	v12 =	vunpack.i.l.bf16.f32 v5  }
0x3b0: {  	v8 =	vld.idx.msk [tilespmem:v8+s10+$0x0], $0xffff;
	v4 =	vadd.f32 v12, v4  }
0x3b1: {  	v5 =	vunpack.i.u.bf16.f32 v5;
	v7 =	vmul.bf16 v7, v11  }
0x3b2: {  	v11 =	vor.u32 v25, v3;
	v4 =	vadd.f32 v4, v5  }
0x3b3: {  	v5 =	vld.idx.msk [tilespmem:v10+s10+$0x0], $0xffff;
	v10 =	vor.u32 v25, v2;
	v12 =	vunpack.i.l.bf16.f32 v7  }
0x3b4: {  	v9 =	vld.idx.msk [tilespmem:v9+s10+$0x0], $0xffff;
	v4 =	vadd.f32 v12, v4  }
0x3b5: {  	v7 =	vunpack.i.u.bf16.f32 v7;
	v6 =	vmul.bf16 v6, v8  }
0x3b6: {  	v8 =	vor.u32 v26, v3;
	v4 =	vadd.f32 v4, v7  }
0x3b7: {  	v7 =	vld.idx.msk [tilespmem:v11+s10+$0x0], $0xffff;
	v11 =	vor.u32 v26, v2;
	v12 =	vunpack.i.l.bf16.f32 v6  }
0x3b8: {  	v10 =	vld.idx.msk [tilespmem:v10+s10+$0x0], $0xffff;
	v4 =	vadd.f32 v12, v4  }
0x3b9: {  	v6 =	vunpack.i.u.bf16.f32 v6;
	v5 =	vmul.bf16 v5, v9  }
0x3ba: {  	v9 =	vor.u32 v27, v3;
	v4 =	vadd.f32 v4, v6  }
0x3bb: {  	v6 =	vld.idx.msk [tilespmem:v8+s10+$0x0], $0xffff;
	v8 =	vor.u32 v27, v2;
	v12 =	vunpack.i.l.bf16.f32 v5  }
0x3bc: {  	v11 =	vld.idx.msk [tilespmem:v11+s10+$0x0], $0xffff;
	v4 =	vadd.f32 v12, v4  }
0x3bd: {  	v5 =	vunpack.i.u.bf16.f32 v5;
	v7 =	vmul.bf16 v7, v10  }
0x3be: {  	v10 =	vor.u32 v28, v3;
	v4 =	vadd.f32 v4, v5  }
0x3bf: {  	v5 =	vld.idx.msk [tilespmem:v9+s10+$0x0], $0xffff;
	v9 =	vor.u32 v28, v2;
	v12 =	vunpack.i.l.bf16.f32 v7  }
0x3c0: {  	v8 =	vld.idx.msk [tilespmem:v8+s10+$0x0], $0xffff;
	v4 =	vadd.f32 v12, v4  }
0x3c1: {  	v7 =	vunpack.i.u.bf16.f32 v7;
	v6 =	vmul.bf16 v6, v11  }
0x3c2: {  	v11 =	vor.u32 v29, v3;
	v4 =	vadd.f32 v4, v7  }
0x3c3: {  	v7 =	vld.idx.msk [tilespmem:v10+s10+$0x0], $0xffff;
	v10 =	vor.u32 v29, v2;
	v12 =	vunpack.i.l.bf16.f32 v6  }
0x3c4: {  	v9 =	vld.idx.msk [tilespmem:v9+s10+$0x0], $0xffff;
	v4 =	vadd.f32 v12, v4  }
0x3c5: {  	v6 =	vunpack.i.u.bf16.f32 v6;
	v5 =	vmul.bf16 v5, v8  }
0x3c6: {  	v8 =	vor.u32 v36, v3;
	v4 =	vadd.f32 v4, v6  }
0x3c7: {  	v6 =	vld.idx.msk [tilespmem:v11+s10+$0x0], $0xffff;
	v11 =	vor.u32 v36, v2;
	v12 =	vunpack.i.l.bf16.f32 v5  }
0x3c8: {  	v10 =	vld.idx.msk [tilespmem:v10+s10+$0x0], $0xffff;
	v4 =	vadd.f32 v12, v4  }
0x3c9: {  	v5 =	vunpack.i.u.bf16.f32 v5;
	v7 =	vmul.bf16 v7, v9  }
0x3ca: {  	v9 =	vor.u32 v31, v3;
	v4 =	vadd.f32 v4, v5  }
0x3cb: {  	v5 =	vld.idx.msk [tilespmem:v8+s10+$0x0], $0xffff;
	v8 =	vor.u32 v31, v2;
	v12 =	vunpack.i.l.bf16.f32 v7  }
0x3cc: {  	v11 =	vld.idx.msk [tilespmem:v11+s10+$0x0], $0xffff;
	v4 =	vadd.f32 v12, v4  }
0x3cd: {  	v7 =	vunpack.i.u.bf16.f32 v7;
	v6 =	vmul.bf16 v6, v10  }
0x3ce: {  	v10 =	vor.u32 v32, v3;
	v4 =	vadd.f32 v4, v7  }
0x3cf: {  	v7 =	vld.idx.msk [tilespmem:v9+s10+$0x0], $0xffff;
	v9 =	vor.u32 v32, v2;
	v12 =	vunpack.i.l.bf16.f32 v6  }
0x3d0: {  	v8 =	vld.idx.msk [tilespmem:v8+s10+$0x0], $0xffff;
	v4 =	vadd.f32 v12, v4  }
0x3d1: {  	v6 =	vunpack.i.u.bf16.f32 v6;
	v5 =	vmul.bf16 v5, v11  }
0x3d2: {  	v11 =	vor.u32 v33, v3;
	v4 =	vadd.f32 v4, v6  }
0x3d3: {  	v6 =	vld.idx.msk [tilespmem:v10+s10+$0x0], $0xffff;
	v10 =	vor.u32 v33, v2;
	v12 =	vunpack.i.l.bf16.f32 v5  }
0x3d4: {  	v9 =	vld.idx.msk [tilespmem:v9+s10+$0x0], $0xffff;
	v4 =	vadd.f32 v12, v4  }
0x3d5: {  	v5 =	vunpack.i.u.bf16.f32 v5;
	v7 =	vmul.bf16 v7, v8  }
0x3d6: {  	v8 =	vor.u32 v34, v3;
	v4 =	vadd.f32 v4, v5  }
0x3d7: {  	v5 =	vld.idx.msk [tilespmem:v11+s10+$0x0], $0xffff;
	v11 =	vor.u32 v34, v2;
	v12 =	vunpack.i.l.bf16.f32 v7  }
0x3d8: {  	v10 =	vld.idx.msk [tilespmem:v10+s10+$0x0], $0xffff;
	v4 =	vadd.f32 v12, v4  }
0x3d9: {  	v7 =	vunpack.i.u.bf16.f32 v7;
	v6 =	vmul.bf16 v6, v9  }
0x3da: {  	v9 =	vor.u32 v35, v3;
	v4 =	vadd.f32 v4, v7  }
0x3db: {  	v7 =	vld.idx.msk [tilespmem:v8+s10+$0x0], $0xffff;
	v8 =	vor.u32 v35, v2;
	v12 =	vunpack.i.l.bf16.f32 v6  }
0x3dc: {  	v11 =	vld.idx.msk [tilespmem:v11+s10+$0x0], $0xffff;
	v4 =	vadd.f32 v12, v4  }
0x3dd: {  	v6 =	vunpack.i.u.bf16.f32 v6;
	v5 =	vmul.bf16 v5, v10  }
0x3de: {  	v10 =	vor.u32 v30, v3;
	v4 =	vadd.f32 v4, v6  }
0x3df: {  	v6 =	vld.idx.msk [tilespmem:v9+s10+$0x0], $0xffff;
	v9 =	vor.u32 v30, v2;
	v12 =	vunpack.i.l.bf16.f32 v5  }
0x3e0: {  	v8 =	vld.idx.msk [tilespmem:v8+s10+$0x0], $0xffff;
	v4 =	vadd.f32 v12, v4  }
0x3e1: {  	v5 =	vunpack.i.u.bf16.f32 v5;
	v7 =	vmul.bf16 v7, v11  }
0x3e2: {  	v11 =	vor.u32 v37, v3;
	v4 =	vadd.f32 v4, v5  }
0x3e3: {  	v5 =	vld.idx.msk [tilespmem:v10+s10+$0x0], $0xffff;
	v10 =	vor.u32 v37, v2;
	v12 =	vunpack.i.l.bf16.f32 v7  }
0x3e4: {  	v9 =	vld.idx.msk [tilespmem:v9+s10+$0x0], $0xffff;
	v4 =	vadd.f32 v12, v4  }
0x3e5: {  	v7 =	vunpack.i.u.bf16.f32 v7;
	v6 =	vmul.bf16 v6, v8  }
0x3e6: {  	v8 =	vor.u32 v42, v3;
	v4 =	vadd.f32 v4, v7  }
0x3e7: {  	v7 =	vld.idx.msk [tilespmem:v11+s10+$0x0], $0xffff;
	v11 =	vor.u32 v42, v2;
	v12 =	vunpack.i.l.bf16.f32 v6  }
0x3e8: {  	v10 =	vld.idx.msk [tilespmem:v10+s10+$0x0], $0xffff;
	v4 =	vadd.f32 v12, v4  }
0x3e9: {  	v6 =	vunpack.i.u.bf16.f32 v6;
	v5 =	vmul.bf16 v5, v9  }
0x3ea: {  	v9 =	vor.u32 v43, v3;
	v4 =	vadd.f32 v4, v6  }
0x3eb: {  	v6 =	vld.idx.msk [tilespmem:v8+s10+$0x0], $0xffff;
	v8 =	vor.u32 v43, v2;
	v12 =	vunpack.i.l.bf16.f32 v5  }
0x3ec: {  	v11 =	vld.idx.msk [tilespmem:v11+s10+$0x0], $0xffff;
	v4 =	vadd.f32 v12, v4  }
0x3ed: {  	v5 =	vunpack.i.u.bf16.f32 v5;
	v7 =	vmul.bf16 v7, v10  }
0x3ee: {  	v10 =	vor.u32 v47, v3;
	v4 =	vadd.f32 v4, v5  }
0x3ef: {  	v5 =	vld.idx.msk [tilespmem:v9+s10+$0x0], $0xffff;
	v9 =	vor.u32 v47, v2;
	v12 =	vunpack.i.l.bf16.f32 v7  }
0x3f0: {  	v8 =	vld.idx.msk [tilespmem:v8+s10+$0x0], $0xffff;
	v4 =	vadd.f32 v12, v4  }
0x3f1: {  	v7 =	vunpack.i.u.bf16.f32 v7;
	v6 =	vmul.bf16 v6, v11  }
0x3f2: {  	v11 =	vor.u32 v48, v3;
	v4 =	vadd.f32 v4, v7  }
0x3f3: {  	v7 =	vld.idx.msk [tilespmem:v10+s10+$0x0], $0xffff;
	v10 =	vor.u32 v48, v2;
	v12 =	vunpack.i.l.bf16.f32 v6  }
0x3f4: {  	v9 =	vld.idx.msk [tilespmem:v9+s10+$0x0], $0xffff;
	v4 =	vadd.f32 v12, v4  }
0x3f5: {  	v6 =	vunpack.i.u.bf16.f32 v6;
	v5 =	vmul.bf16 v5, v8  }
0x3f6: {  	v8 =	vor.u32 v51, v3;
	v4 =	vadd.f32 v4, v6  }
0x3f7: {  	v6 =	vld.idx.msk [tilespmem:v11+s10+$0x0], $0xffff;
	v11 =	vor.u32 v51, v2;
	v12 =	vunpack.i.l.bf16.f32 v5  }
0x3f8: {  	v10 =	vld.idx.msk [tilespmem:v10+s10+$0x0], $0xffff;
	v4 =	vadd.f32 v12, v4  }
0x3f9: {  	v5 =	vunpack.i.u.bf16.f32 v5;
	v7 =	vmul.bf16 v7, v9  }
0x3fa: {  	v9 =	vor.u32 v54, v3;
	v4 =	vadd.f32 v4, v5  }
0x3fb: {  	v5 =	vld.idx.msk [tilespmem:v8+s10+$0x0], $0xffff;
	v8 =	vor.u32 v54, v2;
	v12 =	vunpack.i.l.bf16.f32 v7  }
0x3fc: {  	v11 =	vld.idx.msk [tilespmem:v11+s10+$0x0], $0xffff;
	v4 =	vadd.f32 v12, v4  }
0x3fd: {  	v7 =	vunpack.i.u.bf16.f32 v7;
	v6 =	vmul.bf16 v6, v10  }
0x3fe: {  	v10 =	vor.u32 v55, v3;
	v4 =	vadd.f32 v4, v7  }
0x3ff: {  	v7 =	vld.idx.msk [tilespmem:v9+s10+$0x0], $0xffff;
	v9 =	vor.u32 v55, v2;
	v12 =	vunpack.i.l.bf16.f32 v6  }
0x400: {  	v8 =	vld.idx.msk [tilespmem:v8+s10+$0x0], $0xffff;
	v4 =	vadd.f32 v12, v4  }
0x401: {  	v6 =	vunpack.i.u.bf16.f32 v6;
	v5 =	vmul.bf16 v5, v11  }
0x402: {  	v11 =	vor.u32 v56, v3;
	v4 =	vadd.f32 v4, v6  }
0x403: {  	v6 =	vld.idx.msk [tilespmem:v10+s10+$0x0], $0xffff;
	v10 =	vor.u32 v56, v2;
	v12 =	vunpack.i.l.bf16.f32 v5  }
0x404: {  	v9 =	vld.idx.msk [tilespmem:v9+s10+$0x0], $0xffff;
	v4 =	vadd.f32 v12, v4  }
0x405: {  	v5 =	vunpack.i.u.bf16.f32 v5;
	v7 =	vmul.bf16 v7, v8  }
0x406: {  	v8 =	vor.u32 v57, v3;
	v4 =	vadd.f32 v4, v5  }
0x407: {  	v5 =	vld.idx.msk [tilespmem:v11+s10+$0x0], $0xffff;
	v11 =	vor.u32 v57, v2;
	v12 =	vunpack.i.l.bf16.f32 v7  }
0x408: {  	v10 =	vld.idx.msk [tilespmem:v10+s10+$0x0], $0xffff;
	v4 =	vadd.f32 v12, v4  }
0x409: {  	v7 =	vunpack.i.u.bf16.f32 v7;
	v6 =	vmul.bf16 v6, v9  }
0x40a: {  	v9 =	vor.u32 v58, v3;
	v4 =	vadd.f32 v4, v7  }
0x40b: {  	v7 =	vld.idx.msk [tilespmem:v8+s10+$0x0], $0xffff;
	v8 =	vor.u32 v58, v2;
	v12 =	vunpack.i.l.bf16.f32 v6  }
0x40c: {  	v11 =	vld.idx.msk [tilespmem:v11+s10+$0x0], $0xffff;
	v4 =	vadd.f32 v12, v4  }
0x40d: {  	v6 =	vunpack.i.u.bf16.f32 v6;
	v5 =	vmul.bf16 v5, v10  }
0x40e: {  	v4 =	vadd.f32 v4, v6  }
0x40f: {  	v6 =	vld.idx.msk [tilespmem:v9+s10+$0x0], $0xffff;
	v12 =	vunpack.i.l.bf16.f32 v5  }
0x410: {  	v8 =	vld.idx.msk [tilespmem:v8+s10+$0x0], $0xffff;
	v4 =	vadd.f32 v12, v4  }
0x411: {  	v10 =	vor.u32 v59, v3;
	v5 =	vunpack.i.u.bf16.f32 v5;
	v7 =	vmul.bf16 v7, v11  }
0x412: {  	v9 =	vor.u32 v59, v2;
	v4 =	vadd.f32 v4, v5  }
0x413: {  	v12 =	vunpack.i.l.bf16.f32 v7  }
0x414: {  	v4 =	vadd.f32 v12, v4  }
0x415: {  	v11 =	vor.u32 v38, v3;
	v7 =	vunpack.i.u.bf16.f32 v7;
	v6 =	vmul.bf16 v6, v8  }
0x416: {  	v5 =	vld.idx.msk [tilespmem:v10+s10+$0x0], $0xffff;
	v10 =	vor.u32 v38, v2;
	v4 =	vadd.f32 v4, v7  }
0x417: {  	v9 =	vld.idx.msk [tilespmem:v9+s10+$0x0], $0xffff;
	v12 =	vunpack.i.l.bf16.f32 v6  }
0x418: {  	v4 =	vadd.f32 v12, v4;
	v12 =	vld [tilespmem:$0x1FD70]  }
0x419: {  	v8 =	vor.u32 v39, v3  }
0x41a: {  	v7 =	vld.idx.msk [tilespmem:v11+s10+$0x0], $0xffff;
	v11 =	vor.u32 v39, v2  }
0x41b: {  	v10 =	vld.idx.msk [tilespmem:v10+s10+$0x0], $0xffff  }
0x41c: {  	v6 =	vunpack.i.u.bf16.f32 v6;
	v5 =	vmul.bf16 v5, v9  }
0x41d: {  	v4 =	vadd.f32 v4, v6;
	v9 =	vor.u32 v12, v3  }
0x41e: {  	v6 =	vld.idx.msk [tilespmem:v8+s10+$0x0], $0xffff;
	v8 =	vor.u32 v12, v2;
	v12 =	vunpack.i.l.bf16.f32 v5  }
0x41f: {  	v11 =	vld.idx.msk [tilespmem:v11+s10+$0x0], $0xffff;
	v4 =	vadd.f32 v12, v4  }
0x420: {  	v7 =	vmul.bf16 v7, v10;
	v5 =	vunpack.i.u.bf16.f32 v5  }
0x421: {  	v10 =	vor.u32 v61, v3;
	v4 =	vadd.f32 v4, v5  }
0x422: {  	v12 =	vunpack.i.l.bf16.f32 v7;
	v5 =	vld.idx.msk [tilespmem:v9+s10+$0x0], $0xffff;
	v9 =	vor.u32 v61, v2  }
0x423: {  	v8 =	vld.idx.msk [tilespmem:v8+s10+$0x0], $0xffff;
	v4 =	vadd.f32 v12, v4  }
0x424: {  	v7 =	vunpack.i.u.bf16.f32 v7;
	v6 =	vmul.bf16 v6, v11  }
0x425: {  	v4 =	vadd.f32 v4, v7  }
0x426: {  	v12 =	vunpack.i.l.bf16.f32 v6;
	v7 =	vld.idx.msk [tilespmem:v10+s10+$0x0], $0xffff  }
0x427: {  	v11 =	vor.u32 v62, v3;
	v4 =	vadd.f32 v12, v4;
	v9 =	vld.idx.msk [tilespmem:v9+s10+$0x0], $0xffff  }
0x428: {  	v6 =	vunpack.i.u.bf16.f32 v6;
	v10 =	vor.u32 v62, v2;
	v5 =	vmul.bf16 v5, v8  }
0x429: {  	v4 =	vadd.f32 v4, v6  }
0x42a: {  	v12 =	vunpack.i.l.bf16.f32 v5  }
0x42b: {  	v4 =	vadd.f32 v12, v4  }
0x42c: {  	v6 =	vld.idx.msk [tilespmem:v11+s10+$0x0], $0xffff;
	v5 =	vunpack.i.u.bf16.f32 v5;
	v7 =	vmul.bf16 v7, v9  }
0x42d: {  	v8 =	vor.u32 v60, v3;
	v10 =	vld.idx.msk [tilespmem:v10+s10+$0x0], $0xffff;
	v4 =	vadd.f32 v4, v5  }
0x42e: {  	v11 =	vor.u32 v60, v2;
	v12 =	vunpack.i.l.bf16.f32 v7  }
0x42f: {  	v9 =	vor.u32 v63, v3;
	v4 =	vadd.f32 v12, v4;
	v12 =	vld [tilespmem:$0x1FED0];
	_ =	sdelay $0x2  }
0x430: {  	v5 =	vld.idx.msk [tilespmem:v8+s10+$0x0], $0xffff;
	v7 =	vunpack.i.u.bf16.f32 v7;
	v6 =	vmul.bf16 v6, v10  }
0x431: {  	v8 =	vor.u32 v63, v2;
	v11 =	vld.idx.msk [tilespmem:v11+s10+$0x0], $0xffff;
	v4 =	vadd.f32 v4, v7  }
0x432: {  	v7 =	vld.idx.msk [tilespmem:v9+s10+$0x0], $0xffff;
	v10 =	vor.u32 v12, v3;
	v9 =	vor.u32 v12, v2;
	v12 =	vunpack.i.l.bf16.f32 v6  }
0x433: {  	v4 =	vadd.f32 v12, v4;
	v12 =	vld [tilespmem:$0x1FEC0];
	_ =	sdelay $0x2  }
0x434: {  	v5 =	vmul.bf16 v5, v11;
	v6 =	vunpack.i.u.bf16.f32 v6  }
0x435: {  	v8 =	vld.idx.msk [tilespmem:v8+s10+$0x0], $0xffff;
	v4 =	vadd.f32 v4, v6  }
0x436: {  	v6 =	vld.idx.msk [tilespmem:v10+s10+$0x0], $0xffff;
	v11 =	vor.u32 v12, v3;
	v10 =	vor.u32 v12, v2;
	v12 =	vunpack.i.l.bf16.f32 v5  }
0x437: {  	v4 =	vadd.f32 v12, v4;
	v12 =	vld [tilespmem:$0x1FE70];
	_ =	sdelay $0x2  }
0x438: {  	v7 =	vmul.bf16 v7, v8;
	v5 =	vunpack.i.u.bf16.f32 v5  }
0x439: {  	v9 =	vld.idx.msk [tilespmem:v9+s10+$0x0], $0xffff;
	v4 =	vadd.f32 v4, v5  }
0x43a: {  	v5 =	vld.idx.msk [tilespmem:v11+s10+$0x0], $0xffff;
	v8 =	vor.u32 v12, v3;
	v11 =	vor.u32 v12, v2;
	v12 =	vunpack.i.l.bf16.f32 v7  }
0x43b: {  	v4 =	vadd.f32 v12, v4;
	v12 =	vld [tilespmem:$0x1FE80];
	_ =	sdelay $0x2  }
0x43c: {  	v6 =	vmul.bf16 v6, v9;
	v7 =	vunpack.i.u.bf16.f32 v7  }
0x43d: {  	v10 =	vld.idx.msk [tilespmem:v10+s10+$0x0], $0xffff;
	v4 =	vadd.f32 v4, v7  }
0x43e: {  	v7 =	vld.idx.msk [tilespmem:v8+s10+$0x0], $0xffff;
	v9 =	vor.u32 v12, v3;
	v8 =	vor.u32 v12, v2;
	v12 =	vunpack.i.l.bf16.f32 v6  }
0x43f: {  	v4 =	vadd.f32 v12, v4;
	v12 =	vld [tilespmem:$0x1FE90];
	_ =	sdelay $0x2  }
0x440: {  	v5 =	vmul.bf16 v5, v10;
	v6 =	vunpack.i.u.bf16.f32 v6  }
0x441: {  	v11 =	vld.idx.msk [tilespmem:v11+s10+$0x0], $0xffff;
	v4 =	vadd.f32 v4, v6  }
0x442: {  	v6 =	vld.idx.msk [tilespmem:v9+s10+$0x0], $0xffff;
	v10 =	vor.u32 v12, v3;
	v9 =	vor.u32 v12, v2;
	v12 =	vunpack.i.l.bf16.f32 v5  }
0x443: {  	v4 =	vadd.f32 v12, v4;
	v12 =	vld [tilespmem:$0x1FEA0];
	_ =	sdelay $0x2  }
0x444: {  	v7 =	vmul.bf16 v7, v11;
	v5 =	vunpack.i.u.bf16.f32 v5  }
0x445: {  	v8 =	vld.idx.msk [tilespmem:v8+s10+$0x0], $0xffff;
	v4 =	vadd.f32 v4, v5  }
0x446: {  	v5 =	vld.idx.msk [tilespmem:v10+s10+$0x0], $0xffff;
	v11 =	vor.u32 v12, v3;
	v10 =	vor.u32 v12, v2;
	v12 =	vunpack.i.l.bf16.f32 v7  }
0x447: {  	v4 =	vadd.f32 v12, v4;
	v12 =	vld [tilespmem:$0x1FEB0];
	_ =	sdelay $0x1  }
0x448: {  	v9 =	vld.idx.msk [tilespmem:v9+s10+$0x0], $0xffff  }
0x449: {  	v6 =	vmul.bf16 v6, v8;
	v7 =	vunpack.i.u.bf16.f32 v7  }
0x44a: {  	v4 =	vadd.f32 v4, v7  }
0x44b: {  	v7 =	vld.idx.msk [tilespmem:v11+s10+$0x0], $0xffff;
	v8 =	vor.u32 v12, v3;
	v11 =	vor.u32 v12, v2;
	v12 =	vunpack.i.l.bf16.f32 v6  }
0x44c: {  	v10 =	vld.idx.msk [tilespmem:v10+s10+$0x0], $0xffff;
	v4 =	vadd.f32 v12, v4  }
0x44d: {  	v5 =	vmul.bf16 v5, v9;
	v6 =	vunpack.i.u.bf16.f32 v6  }
0x44e: {  	v4 =	vadd.f32 v4, v6  }
0x44f: {  	v12 =	vunpack.i.l.bf16.f32 v5  }
0x450: {  	v9 =	vor.u32 v41, v3;
	v4 =	vadd.f32 v12, v4  }
0x451: {  	v5 =	vunpack.i.u.bf16.f32 v5;
	v7 =	vmul.bf16 v7, v10;
	v6 =	vld.idx.msk [tilespmem:v8+s10+$0x0], $0xffff;
	v8 =	vor.u32 v41, v2  }
0x452: {  	v11 =	vld.idx.msk [tilespmem:v11+s10+$0x0], $0xffff;
	v4 =	vadd.f32 v4, v5  }
0x453: {  	v12 =	vunpack.i.l.bf16.f32 v7  }
0x454: {  	v10 =	vor.u32 v44, v3;
	v4 =	vadd.f32 v12, v4;
	v12 =	vld [tilespmem:$0x1FD30]  }
0x455: {  	v5 =	vld.idx.msk [tilespmem:v9+s10+$0x0], $0xffff  }
0x456: {  	v8 =	vld.idx.msk [tilespmem:v8+s10+$0x0], $0xffff  }
0x457: {  	v7 =	vunpack.i.u.bf16.f32 v7;
	v9 =	vor.u32 v44, v2;
	v6 =	vmul.bf16 v6, v11  }
0x458: {  	v4 =	vadd.f32 v4, v7  }
0x459: {  	v7 =	vld.idx.msk [tilespmem:v10+s10+$0x0], $0xffff;
	v11 =	vor.u32 v12, v3;
	v10 =	vor.u32 v12, v2;
	v12 =	vunpack.i.l.bf16.f32 v6  }
0x45a: {  	v4 =	vadd.f32 v12, v4  }
0x45b: {  	v6 =	vunpack.i.u.bf16.f32 v6;
	v5 =	vmul.bf16 v5, v8  }
0x45c: {  	v9 =	vld.idx.msk [tilespmem:v9+s10+$0x0], $0xffff;
	v4 =	vadd.f32 v4, v6  }
0x45d: {  	v12 =	vunpack.i.l.bf16.f32 v5  }
0x45e: {  	v8 =	vor.u32 v46, v3;
	v4 =	vadd.f32 v12, v4;
	v12 =	vld [tilespmem:$0x1FD40];
	_ =	sdelay $0x2  }
0x45f: {  	v5 =	vunpack.i.u.bf16.f32 v5;
	v7 =	vmul.bf16 v7, v9;
	v6 =	vld.idx.msk [tilespmem:v11+s10+$0x0], $0xffff  }
0x460: {  	v11 =	vor.u32 v46, v2;
	v10 =	vld.idx.msk [tilespmem:v10+s10+$0x0], $0xffff;
	v4 =	vadd.f32 v4, v5  }
0x461: {  	v5 =	vld.idx.msk [tilespmem:v8+s10+$0x0], $0xffff;
	v9 =	vor.u32 v12, v3;
	v8 =	vor.u32 v12, v2;
	v12 =	vunpack.i.l.bf16.f32 v7  }
0x462: {  	v4 =	vadd.f32 v12, v4;
	v12 =	vld [tilespmem:$0x1FD50];
	_ =	sdelay $0x2  }
0x463: {  	v7 =	vunpack.i.u.bf16.f32 v7;
	v6 =	vmul.bf16 v6, v10  }
0x464: {  	v11 =	vld.idx.msk [tilespmem:v11+s10+$0x0], $0xffff;
	v4 =	vadd.f32 v4, v7  }
0x465: {  	v7 =	vld.idx.msk [tilespmem:v9+s10+$0x0], $0xffff;
	v10 =	vor.u32 v12, v3;
	v9 =	vor.u32 v12, v2;
	v12 =	vunpack.i.l.bf16.f32 v6  }
0x466: {  	v4 =	vadd.f32 v12, v4;
	v12 =	vld [tilespmem:$0x1FD60];
	_ =	sdelay $0x2  }
0x467: {  	v8 =	vld.idx.msk [tilespmem:v8+s10+$0x0], $0xffff  }
0x468: {  	v5 =	vmul.bf16 v5, v11;
	v6 =	vunpack.i.u.bf16.f32 v6  }
0x469: {  	v4 =	vadd.f32 v4, v6;
	v11 =	vor.u32 v12, v3  }
0x46a: {  	v6 =	vld.idx.msk [tilespmem:v10+s10+$0x0], $0xffff;
	v10 =	vor.u32 v12, v2;
	v12 =	vunpack.i.l.bf16.f32 v5  }
0x46b: {  	v9 =	vld.idx.msk [tilespmem:v9+s10+$0x0], $0xffff;
	v4 =	vadd.f32 v12, v4  }
0x46c: {  	v7 =	vmul.bf16 v7, v8;
	v5 =	vunpack.i.u.bf16.f32 v5  }
0x46d: {  	v8 =	vor.u32 v0, v3;
	v4 =	vadd.f32 v4, v5  }
0x46e: {  	v12 =	vunpack.i.l.bf16.f32 v7;
	v5 =	vld.idx.msk [tilespmem:v11+s10+$0x0], $0xffff;
	v11 =	vor.u32 v0, v2  }
0x46f: {  	v10 =	vld.idx.msk [tilespmem:v10+s10+$0x0], $0xffff;
	v4 =	vadd.f32 v12, v4  }
0x470: {  	v7 =	vunpack.i.u.bf16.f32 v7;
	v6 =	vmul.bf16 v6, v9  }
0x471: {  	v9 =	vor.u32 v49, v3;
	v4 =	vadd.f32 v4, v7  }
0x472: {  	v12 =	vunpack.i.l.bf16.f32 v6;
	v7 =	vld.idx.msk [tilespmem:v8+s10+$0x0], $0xffff;
	v8 =	vor.u32 v49, v2  }
0x473: {  	v4 =	vadd.f32 v12, v4;
	v11 =	vld.idx.msk [tilespmem:v11+s10+$0x0], $0xffff  }
0x474: {  	v6 =	vunpack.i.u.bf16.f32 v6;
	v5 =	vmul.bf16 v5, v10  }
0x475: {  	v10 =	vor.u32 v45, v3;
	v4 =	vadd.f32 v4, v6  }
0x476: {  	v6 =	vld.idx.msk [tilespmem:v9+s10+$0x0], $0xffff;
	v9 =	vor.u32 v45, v2;
	v12 =	vunpack.i.l.bf16.f32 v5  }
0x477: {  	v8 =	vld.idx.msk [tilespmem:v8+s10+$0x0], $0xffff;
	v4 =	vadd.f32 v12, v4  }
0x478: {  	v5 =	vunpack.i.u.bf16.f32 v5;
	v7 =	vmul.bf16 v7, v11  }
0x479: {  	v11 =	vor.u32 v1, v3;
	v4 =	vadd.f32 v4, v5  }
0x47a: {  	v5 =	vld.idx.msk [tilespmem:v10+s10+$0x0], $0xffff;
	v10 =	vor.u32 v1, v2;
	v12 =	vunpack.i.l.bf16.f32 v7  }
0x47b: {  	v9 =	vld.idx.msk [tilespmem:v9+s10+$0x0], $0xffff;
	v4 =	vadd.f32 v12, v4  }
0x47c: {  	v7 =	vunpack.i.u.bf16.f32 v7;
	v6 =	vmul.bf16 v6, v8  }
0x47d: {  	v8 =	vor.u32 v50, v3;
	v4 =	vadd.f32 v4, v7  }
0x47e: {  	v12 =	vunpack.i.l.bf16.f32 v6;
	v7 =	vld.idx.msk [tilespmem:v11+s10+$0x0], $0xffff;
	v11 =	vor.u32 v50, v2  }
0x47f: {  	v10 =	vld.idx.msk [tilespmem:v10+s10+$0x0], $0xffff;
	v4 =	vadd.f32 v12, v4  }
0x480: {  	v6 =	vunpack.i.u.bf16.f32 v6;
	v5 =	vmul.bf16 v5, v9  }
0x481: {  	v9 =	vor.u32 v52, v3;
	v4 =	vadd.f32 v4, v6  }
0x482: {  	v12 =	vunpack.i.l.bf16.f32 v5;
	v6 =	vld.idx.msk [tilespmem:v8+s10+$0x0], $0xffff;
	v8 =	vor.u32 v52, v2  }
0x483: {  	v11 =	vld.idx.msk [tilespmem:v11+s10+$0x0], $0xffff;
	v4 =	vadd.f32 v12, v4  }
0x484: {  	v5 =	vunpack.i.u.bf16.f32 v5;
	v7 =	vmul.bf16 v7, v10  }
0x485: {  	v10 =	vor.u32 v53, v3;
	v4 =	vadd.f32 v4, v5  }
0x486: {  	v12 =	vunpack.i.l.bf16.f32 v7;
	v5 =	vld.idx.msk [tilespmem:v9+s10+$0x0], $0xffff;
	v9 =	vor.u32 v53, v2  }
0x487: {  	v8 =	vld.idx.msk [tilespmem:v8+s10+$0x0], $0xffff;
	v4 =	vadd.f32 v12, v4  }
0x488: {  	v7 =	vunpack.i.u.bf16.f32 v7;
	v6 =	vmul.bf16 v6, v11  }
0x489: {  	v4 =	vadd.f32 v4, v7  }
0x48a: {  	v3 =	vor.u32 v40, v3;
	v7 =	vld.idx.msk [tilespmem:v10+s10+$0x0], $0xffff;
	v10 =	vunpack.i.l.bf16.f32 v6  }
0x48b: {  	v2 =	vor.u32 v40, v2;
	v9 =	vld.idx.msk [tilespmem:v9+s10+$0x0], $0xffff;
	v4 =	vadd.f32 v10, v4  }
0x48c: {  	v6 =	vunpack.i.u.bf16.f32 v6;
	v5 =	vmul.bf16 v5, v8  }
0x48d: {  	v4 =	vadd.f32 v4, v6  }
0x48e: {  	v6 =	vunpack.i.l.bf16.f32 v5  }
0x48f: {  	v3 =	vld.idx.msk [tilespmem:v3+s10+$0x0], $0xffff;
	v4 =	vadd.f32 v6, v4  }
0x490: {  	p0 =	sne.s32 s17, $0x180;
	v2 =	vld.idx.msk [tilespmem:v2+s10+$0x0], $0xffff;
	v5 =	vunpack.i.u.bf16.f32 v5;
	v6 =	vmul.bf16 v7, v9  }
.Ltmp0:
0x491: {  	v4 =	vadd.f32 v4, v5;
	(pc) =	sbr.rel @p0 .LBB2_3-.Ltmp0, $4  }
0x492: {  	v7 =	vmov s17;
	v5 =	vunpack.i.l.bf16.f32 v6;
	v6 =	vunpack.i.u.bf16.f32 v6  }
0x493: {  	v5 =	vadd.f32 v5, v4  }
0x494: {  	v12 =	vmovc v18;
	v11 =	vmovc v17;
	v8 =	vlaneseq.u32;
	v10 =	vmov v16;
	v9 =	vmov v15  }
0x495: {  	s17 =	sadd.s32 $0x10, s17;
	v4 =	vmul.bf16 v3, v2;
	v2 =	vshll.u32 v7, $0x6;
	v7 =	vmovc v13;
	v5 =	vadd.f32 v5, v6;
	v6 =	vmovc v14  }
0x496: {  	_ = 	snop  }
0x497: {  	v3 =	vadd.s32 v6, v2;
	v6 =	vunpack.i.l.bf16.f32 v4  }
0x498: {  	v2 =	vor.u32 v7, v2;
	v7 =	vor.u32 v8, v3;
	v5 =	vadd.f32 v6, v5  }
0x499: {  	v4 =	vunpack.i.u.bf16.f32 v4;
	v6 =	vor.u32 v8, v2  }
0x49a: {  	v4 =	vadd.f32 v5, v4  }
0x49b: {  	s16 =	sadd.s32 $0x10, s16  }
0x49c: {  	v5 =	vor.u32 v9, v3;
	[tilespmem:s16+$0x0] =	vst v4  }
0x49d: {  	v4 =	vld.idx.msk [tilespmem:v7+s10+$0x0], $0xffff;
	v7 =	vor.u32 v9, v2  }
0x49e: {  	v6 =	vld.idx.msk [tilespmem:v6+s10+$0x0], $0xffff;
	_ =	sdelay $0x1  }
0x49f: {  	v8 =	vor.u32 v10, v3  }
0x4a0: {  	v9 =	vor.u32 v10, v2;
	v5 =	vld.idx.msk [tilespmem:v5+s10+$0x0], $0xffff  }
0x4a1: {  	v7 =	vld.idx.msk [tilespmem:v7+s10+$0x0], $0xffff  }
0x4a2: {  	v4 =	vmul.bf16 v4, v6  }
0x4a3: {  	v10 =	vor.u32 v11, v2  }
0x4a4: {  	v8 =	vld.idx.msk [tilespmem:v8+s10+$0x0], $0xffff;
	v6 =	vor.u32 v11, v3;
	v11 =	vunpack.i.l.bf16.f32 v4  }
0x4a5: {  	v9 =	vld.idx.msk [tilespmem:v9+s10+$0x0], $0xffff;
	v11 =	vadd.f32 $0.0e+00, v11  }
0x4a6: {  	v4 =	vunpack.i.u.bf16.f32 v4;
	v5 =	vmul.bf16 v5, v7  }
0x4a7: {  	v7 =	vor.u32 v12, v3;
	v4 =	vadd.f32 v11, v4  }
0x4a8: {  	v10 =	vld.idx.msk [tilespmem:v10+s10+$0x0], $0xffff;
	v11 =	vor.u32 v12, v2;
	v12 =	vunpack.i.l.bf16.f32 v5  }
0x4a9: {  	v6 =	vld.idx.msk [tilespmem:v6+s10+$0x0], $0xffff;
	v4 =	vadd.f32 v12, v4  }
0x4aa: {  	v8 =	vmul.bf16 v8, v9;
	v5 =	vunpack.i.u.bf16.f32 v5  }
0x4ab: {  	v9 =	vor.u32 v19, v3;
	v4 =	vadd.f32 v4, v5  }
0x4ac: {  	v12 =	vunpack.i.l.bf16.f32 v8;
	v5 =	vld.idx.msk [tilespmem:v7+s10+$0x0], $0xffff;
	v7 =	vor.u32 v19, v2  }
0x4ad: {  	v11 =	vld.idx.msk [tilespmem:v11+s10+$0x0], $0xffff;
	v4 =	vadd.f32 v12, v4  }
0x4ae: {  	v8 =	vunpack.i.u.bf16.f32 v8;
	v6 =	vmul.bf16 v6, v10  }
0x4af: {  	v10 =	vor.u32 v20, v3;
	v4 =	vadd.f32 v4, v8  }
0x4b0: {  	v12 =	vunpack.i.l.bf16.f32 v6;
	v8 =	vld.idx.msk [tilespmem:v9+s10+$0x0], $0xffff;
	v9 =	vor.u32 v20, v2  }
0x4b1: {  	v7 =	vld.idx.msk [tilespmem:v7+s10+$0x0], $0xffff;
	v4 =	vadd.f32 v12, v4  }
0x4b2: {  	v6 =	vunpack.i.u.bf16.f32 v6;
	v5 =	vmul.bf16 v5, v11  }
0x4b3: {  	v11 =	vor.u32 v21, v3;
	v4 =	vadd.f32 v4, v6  }
0x4b4: {  	v12 =	vunpack.i.l.bf16.f32 v5;
	v6 =	vld.idx.msk [tilespmem:v10+s10+$0x0], $0xffff;
	v10 =	vor.u32 v21, v2  }
0x4b5: {  	v9 =	vld.idx.msk [tilespmem:v9+s10+$0x0], $0xffff;
	v4 =	vadd.f32 v12, v4  }
0x4b6: {  	v5 =	vunpack.i.u.bf16.f32 v5;
	v7 =	vmul.bf16 v8, v7  }
0x4b7: {  	v8 =	vor.u32 v22, v3;
	v4 =	vadd.f32 v4, v5  }
0x4b8: {  	v5 =	vld.idx.msk [tilespmem:v11+s10+$0x0], $0xffff;
	v11 =	vor.u32 v22, v2;
	v12 =	vunpack.i.l.bf16.f32 v7  }
0x4b9: {  	v10 =	vld.idx.msk [tilespmem:v10+s10+$0x0], $0xffff;
	v4 =	vadd.f32 v12, v4  }
0x4ba: {  	v7 =	vunpack.i.u.bf16.f32 v7;
	v6 =	vmul.bf16 v6, v9  }
0x4bb: {  	v9 =	vor.u32 v23, v3;
	v4 =	vadd.f32 v4, v7  }
0x4bc: {  	v7 =	vld.idx.msk [tilespmem:v8+s10+$0x0], $0xffff;
	v8 =	vor.u32 v23, v2;
	v12 =	vunpack.i.l.bf16.f32 v6  }
0x4bd: {  	v11 =	vld.idx.msk [tilespmem:v11+s10+$0x0], $0xffff;
	v4 =	vadd.f32 v12, v4  }
0x4be: {  	v6 =	vunpack.i.u.bf16.f32 v6;
	v5 =	vmul.bf16 v5, v10  }
0x4bf: {  	v10 =	vor.u32 v24, v3;
	v4 =	vadd.f32 v4, v6  }
0x4c0: {  	v6 =	vld.idx.msk [tilespmem:v9+s10+$0x0], $0xffff;
	v9 =	vor.u32 v24, v2;
	v12 =	vunpack.i.l.bf16.f32 v5  }
0x4c1: {  	v8 =	vld.idx.msk [tilespmem:v8+s10+$0x0], $0xffff;
	v4 =	vadd.f32 v12, v4  }
0x4c2: {  	v5 =	vunpack.i.u.bf16.f32 v5;
	v7 =	vmul.bf16 v7, v11  }
0x4c3: {  	v11 =	vor.u32 v25, v3;
	v4 =	vadd.f32 v4, v5  }
0x4c4: {  	v5 =	vld.idx.msk [tilespmem:v10+s10+$0x0], $0xffff;
	v10 =	vor.u32 v25, v2;
	v12 =	vunpack.i.l.bf16.f32 v7  }
0x4c5: {  	v9 =	vld.idx.msk [tilespmem:v9+s10+$0x0], $0xffff;
	v4 =	vadd.f32 v12, v4  }
0x4c6: {  	v7 =	vunpack.i.u.bf16.f32 v7;
	v6 =	vmul.bf16 v6, v8  }
0x4c7: {  	v8 =	vor.u32 v26, v3;
	v4 =	vadd.f32 v4, v7  }
0x4c8: {  	v7 =	vld.idx.msk [tilespmem:v11+s10+$0x0], $0xffff;
	v11 =	vor.u32 v26, v2;
	v12 =	vunpack.i.l.bf16.f32 v6  }
0x4c9: {  	v10 =	vld.idx.msk [tilespmem:v10+s10+$0x0], $0xffff;
	v4 =	vadd.f32 v12, v4  }
0x4ca: {  	v6 =	vunpack.i.u.bf16.f32 v6;
	v5 =	vmul.bf16 v5, v9  }
0x4cb: {  	v9 =	vor.u32 v27, v3;
	v4 =	vadd.f32 v4, v6  }
0x4cc: {  	v6 =	vld.idx.msk [tilespmem:v8+s10+$0x0], $0xffff;
	v8 =	vor.u32 v27, v2;
	v12 =	vunpack.i.l.bf16.f32 v5  }
0x4cd: {  	v11 =	vld.idx.msk [tilespmem:v11+s10+$0x0], $0xffff;
	v4 =	vadd.f32 v12, v4  }
0x4ce: {  	v5 =	vunpack.i.u.bf16.f32 v5;
	v7 =	vmul.bf16 v7, v10  }
0x4cf: {  	v10 =	vor.u32 v28, v3;
	v4 =	vadd.f32 v4, v5  }
0x4d0: {  	v5 =	vld.idx.msk [tilespmem:v9+s10+$0x0], $0xffff;
	v9 =	vor.u32 v28, v2;
	v12 =	vunpack.i.l.bf16.f32 v7  }
0x4d1: {  	v8 =	vld.idx.msk [tilespmem:v8+s10+$0x0], $0xffff;
	v4 =	vadd.f32 v12, v4  }
0x4d2: {  	v7 =	vunpack.i.u.bf16.f32 v7;
	v6 =	vmul.bf16 v6, v11  }
0x4d3: {  	v11 =	vor.u32 v29, v3;
	v4 =	vadd.f32 v4, v7  }
0x4d4: {  	v7 =	vld.idx.msk [tilespmem:v10+s10+$0x0], $0xffff;
	v10 =	vor.u32 v29, v2;
	v12 =	vunpack.i.l.bf16.f32 v6  }
0x4d5: {  	v9 =	vld.idx.msk [tilespmem:v9+s10+$0x0], $0xffff;
	v4 =	vadd.f32 v12, v4  }
0x4d6: {  	v6 =	vunpack.i.u.bf16.f32 v6;
	v5 =	vmul.bf16 v5, v8  }
0x4d7: {  	v8 =	vor.u32 v36, v3;
	v4 =	vadd.f32 v4, v6  }
0x4d8: {  	v6 =	vld.idx.msk [tilespmem:v11+s10+$0x0], $0xffff;
	v11 =	vor.u32 v36, v2;
	v12 =	vunpack.i.l.bf16.f32 v5  }
0x4d9: {  	v10 =	vld.idx.msk [tilespmem:v10+s10+$0x0], $0xffff;
	v4 =	vadd.f32 v12, v4  }
0x4da: {  	v5 =	vunpack.i.u.bf16.f32 v5;
	v7 =	vmul.bf16 v7, v9  }
0x4db: {  	v9 =	vor.u32 v31, v3;
	v4 =	vadd.f32 v4, v5  }
0x4dc: {  	v5 =	vld.idx.msk [tilespmem:v8+s10+$0x0], $0xffff;
	v8 =	vor.u32 v31, v2;
	v12 =	vunpack.i.l.bf16.f32 v7  }
0x4dd: {  	v11 =	vld.idx.msk [tilespmem:v11+s10+$0x0], $0xffff;
	v4 =	vadd.f32 v12, v4  }
0x4de: {  	v7 =	vunpack.i.u.bf16.f32 v7;
	v6 =	vmul.bf16 v6, v10  }
0x4df: {  	v10 =	vor.u32 v32, v3;
	v4 =	vadd.f32 v4, v7  }
0x4e0: {  	v7 =	vld.idx.msk [tilespmem:v9+s10+$0x0], $0xffff;
	v9 =	vor.u32 v32, v2;
	v12 =	vunpack.i.l.bf16.f32 v6  }
0x4e1: {  	v8 =	vld.idx.msk [tilespmem:v8+s10+$0x0], $0xffff;
	v4 =	vadd.f32 v12, v4  }
0x4e2: {  	v6 =	vunpack.i.u.bf16.f32 v6;
	v5 =	vmul.bf16 v5, v11  }
0x4e3: {  	v11 =	vor.u32 v33, v3;
	v4 =	vadd.f32 v4, v6  }
0x4e4: {  	v6 =	vld.idx.msk [tilespmem:v10+s10+$0x0], $0xffff;
	v10 =	vor.u32 v33, v2;
	v12 =	vunpack.i.l.bf16.f32 v5  }
0x4e5: {  	v9 =	vld.idx.msk [tilespmem:v9+s10+$0x0], $0xffff;
	v4 =	vadd.f32 v12, v4  }
0x4e6: {  	v5 =	vunpack.i.u.bf16.f32 v5;
	v7 =	vmul.bf16 v7, v8  }
0x4e7: {  	v8 =	vor.u32 v34, v3;
	v4 =	vadd.f32 v4, v5  }
0x4e8: {  	v5 =	vld.idx.msk [tilespmem:v11+s10+$0x0], $0xffff;
	v11 =	vor.u32 v34, v2;
	v12 =	vunpack.i.l.bf16.f32 v7  }
0x4e9: {  	v10 =	vld.idx.msk [tilespmem:v10+s10+$0x0], $0xffff;
	v4 =	vadd.f32 v12, v4  }
0x4ea: {  	v7 =	vunpack.i.u.bf16.f32 v7;
	v6 =	vmul.bf16 v6, v9  }
0x4eb: {  	v9 =	vor.u32 v35, v3;
	v4 =	vadd.f32 v4, v7  }
0x4ec: {  	v7 =	vld.idx.msk [tilespmem:v8+s10+$0x0], $0xffff;
	v8 =	vor.u32 v35, v2;
	v12 =	vunpack.i.l.bf16.f32 v6  }
0x4ed: {  	v11 =	vld.idx.msk [tilespmem:v11+s10+$0x0], $0xffff;
	v4 =	vadd.f32 v12, v4  }
0x4ee: {  	v6 =	vunpack.i.u.bf16.f32 v6;
	v5 =	vmul.bf16 v5, v10  }
0x4ef: {  	v10 =	vor.u32 v30, v3;
	v4 =	vadd.f32 v4, v6  }
0x4f0: {  	v6 =	vld.idx.msk [tilespmem:v9+s10+$0x0], $0xffff;
	v9 =	vor.u32 v30, v2;
	v12 =	vunpack.i.l.bf16.f32 v5  }
0x4f1: {  	v8 =	vld.idx.msk [tilespmem:v8+s10+$0x0], $0xffff;
	v4 =	vadd.f32 v12, v4  }
0x4f2: {  	v5 =	vunpack.i.u.bf16.f32 v5;
	v7 =	vmul.bf16 v7, v11  }
0x4f3: {  	v11 =	vor.u32 v37, v3;
	v4 =	vadd.f32 v4, v5  }
0x4f4: {  	v5 =	vld.idx.msk [tilespmem:v10+s10+$0x0], $0xffff;
	v10 =	vor.u32 v37, v2;
	v12 =	vunpack.i.l.bf16.f32 v7  }
0x4f5: {  	v9 =	vld.idx.msk [tilespmem:v9+s10+$0x0], $0xffff;
	v4 =	vadd.f32 v12, v4  }
0x4f6: {  	v7 =	vunpack.i.u.bf16.f32 v7;
	v6 =	vmul.bf16 v6, v8  }
0x4f7: {  	v8 =	vor.u32 v42, v3;
	v4 =	vadd.f32 v4, v7  }
0x4f8: {  	v7 =	vld.idx.msk [tilespmem:v11+s10+$0x0], $0xffff;
	v11 =	vor.u32 v42, v2;
	v12 =	vunpack.i.l.bf16.f32 v6  }
0x4f9: {  	v10 =	vld.idx.msk [tilespmem:v10+s10+$0x0], $0xffff;
	v4 =	vadd.f32 v12, v4  }
0x4fa: {  	v6 =	vunpack.i.u.bf16.f32 v6;
	v5 =	vmul.bf16 v5, v9  }
0x4fb: {  	v9 =	vor.u32 v43, v3;
	v4 =	vadd.f32 v4, v6  }
0x4fc: {  	v6 =	vld.idx.msk [tilespmem:v8+s10+$0x0], $0xffff;
	v8 =	vor.u32 v43, v2;
	v12 =	vunpack.i.l.bf16.f32 v5  }
0x4fd: {  	v11 =	vld.idx.msk [tilespmem:v11+s10+$0x0], $0xffff;
	v4 =	vadd.f32 v12, v4  }
0x4fe: {  	v5 =	vunpack.i.u.bf16.f32 v5;
	v7 =	vmul.bf16 v7, v10  }
0x4ff: {  	v10 =	vor.u32 v47, v3;
	v4 =	vadd.f32 v4, v5  }
0x500: {  	v5 =	vld.idx.msk [tilespmem:v9+s10+$0x0], $0xffff;
	v9 =	vor.u32 v47, v2;
	v12 =	vunpack.i.l.bf16.f32 v7  }
0x501: {  	v8 =	vld.idx.msk [tilespmem:v8+s10+$0x0], $0xffff;
	v4 =	vadd.f32 v12, v4  }
0x502: {  	v7 =	vunpack.i.u.bf16.f32 v7;
	v6 =	vmul.bf16 v6, v11  }
0x503: {  	v11 =	vor.u32 v48, v3;
	v4 =	vadd.f32 v4, v7  }
0x504: {  	v7 =	vld.idx.msk [tilespmem:v10+s10+$0x0], $0xffff;
	v10 =	vor.u32 v48, v2;
	v12 =	vunpack.i.l.bf16.f32 v6  }
0x505: {  	v9 =	vld.idx.msk [tilespmem:v9+s10+$0x0], $0xffff;
	v4 =	vadd.f32 v12, v4  }
0x506: {  	v6 =	vunpack.i.u.bf16.f32 v6;
	v5 =	vmul.bf16 v5, v8  }
0x507: {  	v8 =	vor.u32 v51, v3;
	v4 =	vadd.f32 v4, v6  }
0x508: {  	v6 =	vld.idx.msk [tilespmem:v11+s10+$0x0], $0xffff;
	v11 =	vor.u32 v51, v2;
	v12 =	vunpack.i.l.bf16.f32 v5  }
0x509: {  	v10 =	vld.idx.msk [tilespmem:v10+s10+$0x0], $0xffff;
	v4 =	vadd.f32 v12, v4  }
0x50a: {  	v5 =	vunpack.i.u.bf16.f32 v5;
	v7 =	vmul.bf16 v7, v9  }
0x50b: {  	v9 =	vor.u32 v54, v3;
	v4 =	vadd.f32 v4, v5  }
0x50c: {  	v5 =	vld.idx.msk [tilespmem:v8+s10+$0x0], $0xffff;
	v8 =	vor.u32 v54, v2;
	v12 =	vunpack.i.l.bf16.f32 v7  }
0x50d: {  	v11 =	vld.idx.msk [tilespmem:v11+s10+$0x0], $0xffff;
	v4 =	vadd.f32 v12, v4  }
0x50e: {  	v7 =	vunpack.i.u.bf16.f32 v7;
	v6 =	vmul.bf16 v6, v10  }
0x50f: {  	v10 =	vor.u32 v55, v3;
	v4 =	vadd.f32 v4, v7  }
0x510: {  	v7 =	vld.idx.msk [tilespmem:v9+s10+$0x0], $0xffff;
	v9 =	vor.u32 v55, v2;
	v12 =	vunpack.i.l.bf16.f32 v6  }
0x511: {  	v8 =	vld.idx.msk [tilespmem:v8+s10+$0x0], $0xffff;
	v4 =	vadd.f32 v12, v4  }
0x512: {  	v6 =	vunpack.i.u.bf16.f32 v6;
	v5 =	vmul.bf16 v5, v11  }
0x513: {  	v11 =	vor.u32 v56, v3;
	v4 =	vadd.f32 v4, v6  }
0x514: {  	v6 =	vld.idx.msk [tilespmem:v10+s10+$0x0], $0xffff;
	v10 =	vor.u32 v56, v2;
	v12 =	vunpack.i.l.bf16.f32 v5  }
0x515: {  	v9 =	vld.idx.msk [tilespmem:v9+s10+$0x0], $0xffff;
	v4 =	vadd.f32 v12, v4  }
0x516: {  	v5 =	vunpack.i.u.bf16.f32 v5;
	v7 =	vmul.bf16 v7, v8  }
0x517: {  	v8 =	vor.u32 v57, v3;
	v4 =	vadd.f32 v4, v5  }
0x518: {  	v5 =	vld.idx.msk [tilespmem:v11+s10+$0x0], $0xffff;
	v11 =	vor.u32 v57, v2;
	v12 =	vunpack.i.l.bf16.f32 v7  }
0x519: {  	v10 =	vld.idx.msk [tilespmem:v10+s10+$0x0], $0xffff;
	v4 =	vadd.f32 v12, v4  }
0x51a: {  	v7 =	vunpack.i.u.bf16.f32 v7;
	v6 =	vmul.bf16 v6, v9  }
0x51b: {  	v9 =	vor.u32 v58, v3;
	v4 =	vadd.f32 v4, v7  }
0x51c: {  	v7 =	vld.idx.msk [tilespmem:v8+s10+$0x0], $0xffff;
	v8 =	vor.u32 v58, v2;
	v12 =	vunpack.i.l.bf16.f32 v6  }
0x51d: {  	v11 =	vld.idx.msk [tilespmem:v11+s10+$0x0], $0xffff;
	v4 =	vadd.f32 v12, v4  }
0x51e: {  	v6 =	vunpack.i.u.bf16.f32 v6;
	v5 =	vmul.bf16 v5, v10  }
0x51f: {  	v4 =	vadd.f32 v4, v6  }
0x520: {  	v6 =	vld.idx.msk [tilespmem:v9+s10+$0x0], $0xffff;
	v12 =	vunpack.i.l.bf16.f32 v5  }
0x521: {  	v8 =	vld.idx.msk [tilespmem:v8+s10+$0x0], $0xffff;
	v4 =	vadd.f32 v12, v4  }
0x522: {  	v10 =	vor.u32 v59, v3;
	v5 =	vunpack.i.u.bf16.f32 v5;
	v7 =	vmul.bf16 v7, v11  }
0x523: {  	v9 =	vor.u32 v59, v2;
	v4 =	vadd.f32 v4, v5  }
0x524: {  	v12 =	vunpack.i.l.bf16.f32 v7  }
0x525: {  	v4 =	vadd.f32 v12, v4  }
0x526: {  	v11 =	vor.u32 v38, v3;
	v7 =	vunpack.i.u.bf16.f32 v7;
	v6 =	vmul.bf16 v6, v8  }
0x527: {  	v5 =	vld.idx.msk [tilespmem:v10+s10+$0x0], $0xffff;
	v10 =	vor.u32 v38, v2;
	v4 =	vadd.f32 v4, v7  }
0x528: {  	v9 =	vld.idx.msk [tilespmem:v9+s10+$0x0], $0xffff;
	v12 =	vunpack.i.l.bf16.f32 v6  }
0x529: {  	v4 =	vadd.f32 v12, v4;
	v12 =	vld [tilespmem:$0x1FD70]  }
0x52a: {  	v8 =	vor.u32 v39, v3  }
0x52b: {  	v7 =	vld.idx.msk [tilespmem:v11+s10+$0x0], $0xffff;
	v11 =	vor.u32 v39, v2  }
0x52c: {  	v10 =	vld.idx.msk [tilespmem:v10+s10+$0x0], $0xffff  }
0x52d: {  	v6 =	vunpack.i.u.bf16.f32 v6;
	v5 =	vmul.bf16 v5, v9  }
0x52e: {  	v4 =	vadd.f32 v4, v6;
	v9 =	vor.u32 v12, v3  }
0x52f: {  	v6 =	vld.idx.msk [tilespmem:v8+s10+$0x0], $0xffff;
	v8 =	vor.u32 v12, v2;
	v12 =	vunpack.i.l.bf16.f32 v5  }
0x530: {  	v11 =	vld.idx.msk [tilespmem:v11+s10+$0x0], $0xffff;
	v4 =	vadd.f32 v12, v4  }
0x531: {  	v7 =	vmul.bf16 v7, v10;
	v5 =	vunpack.i.u.bf16.f32 v5  }
0x532: {  	v10 =	vor.u32 v61, v3;
	v4 =	vadd.f32 v4, v5  }
0x533: {  	v12 =	vunpack.i.l.bf16.f32 v7;
	v5 =	vld.idx.msk [tilespmem:v9+s10+$0x0], $0xffff;
	v9 =	vor.u32 v61, v2  }
0x534: {  	v8 =	vld.idx.msk [tilespmem:v8+s10+$0x0], $0xffff;
	v4 =	vadd.f32 v12, v4  }
0x535: {  	v7 =	vunpack.i.u.bf16.f32 v7;
	v6 =	vmul.bf16 v6, v11  }
0x536: {  	v4 =	vadd.f32 v4, v7  }
0x537: {  	v12 =	vunpack.i.l.bf16.f32 v6;
	v7 =	vld.idx.msk [tilespmem:v10+s10+$0x0], $0xffff  }
0x538: {  	v11 =	vor.u32 v62, v3;
	v4 =	vadd.f32 v12, v4;
	v9 =	vld.idx.msk [tilespmem:v9+s10+$0x0], $0xffff  }
0x539: {  	v6 =	vunpack.i.u.bf16.f32 v6;
	v10 =	vor.u32 v62, v2;
	v5 =	vmul.bf16 v5, v8  }
0x53a: {  	v4 =	vadd.f32 v4, v6  }
0x53b: {  	v12 =	vunpack.i.l.bf16.f32 v5  }
0x53c: {  	v4 =	vadd.f32 v12, v4  }
0x53d: {  	v6 =	vld.idx.msk [tilespmem:v11+s10+$0x0], $0xffff;
	v5 =	vunpack.i.u.bf16.f32 v5;
	v7 =	vmul.bf16 v7, v9  }
0x53e: {  	v8 =	vor.u32 v60, v3;
	v10 =	vld.idx.msk [tilespmem:v10+s10+$0x0], $0xffff;
	v4 =	vadd.f32 v4, v5  }
0x53f: {  	v11 =	vor.u32 v60, v2;
	v12 =	vunpack.i.l.bf16.f32 v7  }
0x540: {  	v9 =	vor.u32 v63, v3;
	v4 =	vadd.f32 v12, v4;
	v12 =	vld [tilespmem:$0x1FED0];
	_ =	sdelay $0x2  }
0x541: {  	v5 =	vld.idx.msk [tilespmem:v8+s10+$0x0], $0xffff;
	v7 =	vunpack.i.u.bf16.f32 v7;
	v6 =	vmul.bf16 v6, v10  }
0x542: {  	v8 =	vor.u32 v63, v2;
	v11 =	vld.idx.msk [tilespmem:v11+s10+$0x0], $0xffff;
	v4 =	vadd.f32 v4, v7  }
0x543: {  	v7 =	vld.idx.msk [tilespmem:v9+s10+$0x0], $0xffff;
	v10 =	vor.u32 v12, v3;
	v9 =	vor.u32 v12, v2;
	v12 =	vunpack.i.l.bf16.f32 v6  }
0x544: {  	v4 =	vadd.f32 v12, v4;
	v12 =	vld [tilespmem:$0x1FEC0];
	_ =	sdelay $0x2  }
0x545: {  	v5 =	vmul.bf16 v5, v11;
	v6 =	vunpack.i.u.bf16.f32 v6  }
0x546: {  	v8 =	vld.idx.msk [tilespmem:v8+s10+$0x0], $0xffff;
	v4 =	vadd.f32 v4, v6  }
0x547: {  	v6 =	vld.idx.msk [tilespmem:v10+s10+$0x0], $0xffff;
	v11 =	vor.u32 v12, v3;
	v10 =	vor.u32 v12, v2;
	v12 =	vunpack.i.l.bf16.f32 v5  }
0x548: {  	v4 =	vadd.f32 v12, v4;
	v12 =	vld [tilespmem:$0x1FE70];
	_ =	sdelay $0x2  }
0x549: {  	v7 =	vmul.bf16 v7, v8;
	v5 =	vunpack.i.u.bf16.f32 v5  }
0x54a: {  	v9 =	vld.idx.msk [tilespmem:v9+s10+$0x0], $0xffff;
	v4 =	vadd.f32 v4, v5  }
0x54b: {  	v5 =	vld.idx.msk [tilespmem:v11+s10+$0x0], $0xffff;
	v8 =	vor.u32 v12, v3;
	v11 =	vor.u32 v12, v2;
	v12 =	vunpack.i.l.bf16.f32 v7  }
0x54c: {  	v4 =	vadd.f32 v12, v4;
	v12 =	vld [tilespmem:$0x1FE80];
	_ =	sdelay $0x2  }
0x54d: {  	v6 =	vmul.bf16 v6, v9;
	v7 =	vunpack.i.u.bf16.f32 v7  }
0x54e: {  	v10 =	vld.idx.msk [tilespmem:v10+s10+$0x0], $0xffff;
	v4 =	vadd.f32 v4, v7  }
0x54f: {  	v7 =	vld.idx.msk [tilespmem:v8+s10+$0x0], $0xffff;
	v9 =	vor.u32 v12, v3;
	v8 =	vor.u32 v12, v2;
	v12 =	vunpack.i.l.bf16.f32 v6  }
0x550: {  	v4 =	vadd.f32 v12, v4;
	v12 =	vld [tilespmem:$0x1FE90];
	_ =	sdelay $0x2  }
0x551: {  	v5 =	vmul.bf16 v5, v10;
	v6 =	vunpack.i.u.bf16.f32 v6  }
0x552: {  	v11 =	vld.idx.msk [tilespmem:v11+s10+$0x0], $0xffff;
	v4 =	vadd.f32 v4, v6  }
0x553: {  	v6 =	vld.idx.msk [tilespmem:v9+s10+$0x0], $0xffff;
	v10 =	vor.u32 v12, v3;
	v9 =	vor.u32 v12, v2;
	v12 =	vunpack.i.l.bf16.f32 v5  }
0x554: {  	v4 =	vadd.f32 v12, v4;
	v12 =	vld [tilespmem:$0x1FEA0];
	_ =	sdelay $0x2  }
0x555: {  	v7 =	vmul.bf16 v7, v11;
	v5 =	vunpack.i.u.bf16.f32 v5  }
0x556: {  	v8 =	vld.idx.msk [tilespmem:v8+s10+$0x0], $0xffff;
	v4 =	vadd.f32 v4, v5  }
0x557: {  	v5 =	vld.idx.msk [tilespmem:v10+s10+$0x0], $0xffff;
	v11 =	vor.u32 v12, v3;
	v10 =	vor.u32 v12, v2;
	v12 =	vunpack.i.l.bf16.f32 v7  }
0x558: {  	v4 =	vadd.f32 v12, v4;
	v12 =	vld [tilespmem:$0x1FEB0];
	_ =	sdelay $0x1  }
0x559: {  	v9 =	vld.idx.msk [tilespmem:v9+s10+$0x0], $0xffff  }
0x55a: {  	v6 =	vmul.bf16 v6, v8;
	v7 =	vunpack.i.u.bf16.f32 v7  }
0x55b: {  	v4 =	vadd.f32 v4, v7  }
0x55c: {  	v7 =	vld.idx.msk [tilespmem:v11+s10+$0x0], $0xffff;
	v8 =	vor.u32 v12, v3;
	v11 =	vor.u32 v12, v2;
	v12 =	vunpack.i.l.bf16.f32 v6  }
0x55d: {  	v10 =	vld.idx.msk [tilespmem:v10+s10+$0x0], $0xffff;
	v4 =	vadd.f32 v12, v4  }
0x55e: {  	v5 =	vmul.bf16 v5, v9;
	v6 =	vunpack.i.u.bf16.f32 v6  }
0x55f: {  	v4 =	vadd.f32 v4, v6  }
0x560: {  	v12 =	vunpack.i.l.bf16.f32 v5  }
0x561: {  	v9 =	vor.u32 v41, v3;
	v4 =	vadd.f32 v12, v4  }
0x562: {  	v5 =	vunpack.i.u.bf16.f32 v5;
	v7 =	vmul.bf16 v7, v10;
	v6 =	vld.idx.msk [tilespmem:v8+s10+$0x0], $0xffff;
	v8 =	vor.u32 v41, v2  }
0x563: {  	v11 =	vld.idx.msk [tilespmem:v11+s10+$0x0], $0xffff;
	v4 =	vadd.f32 v4, v5  }
0x564: {  	v12 =	vunpack.i.l.bf16.f32 v7  }
0x565: {  	v10 =	vor.u32 v44, v3;
	v4 =	vadd.f32 v12, v4;
	v12 =	vld [tilespmem:$0x1FD30]  }
0x566: {  	v5 =	vld.idx.msk [tilespmem:v9+s10+$0x0], $0xffff  }
0x567: {  	v8 =	vld.idx.msk [tilespmem:v8+s10+$0x0], $0xffff  }
0x568: {  	v7 =	vunpack.i.u.bf16.f32 v7;
	v9 =	vor.u32 v44, v2;
	v6 =	vmul.bf16 v6, v11  }
0x569: {  	v4 =	vadd.f32 v4, v7  }
0x56a: {  	v7 =	vld.idx.msk [tilespmem:v10+s10+$0x0], $0xffff;
	v11 =	vor.u32 v12, v3;
	v10 =	vor.u32 v12, v2;
	v12 =	vunpack.i.l.bf16.f32 v6  }
0x56b: {  	v4 =	vadd.f32 v12, v4  }
0x56c: {  	v6 =	vunpack.i.u.bf16.f32 v6;
	v5 =	vmul.bf16 v5, v8  }
0x56d: {  	v9 =	vld.idx.msk [tilespmem:v9+s10+$0x0], $0xffff;
	v4 =	vadd.f32 v4, v6  }
0x56e: {  	v12 =	vunpack.i.l.bf16.f32 v5  }
0x56f: {  	v8 =	vor.u32 v46, v3;
	v4 =	vadd.f32 v12, v4;
	v12 =	vld [tilespmem:$0x1FD40];
	_ =	sdelay $0x2  }
0x570: {  	v5 =	vunpack.i.u.bf16.f32 v5;
	v7 =	vmul.bf16 v7, v9;
	v6 =	vld.idx.msk [tilespmem:v11+s10+$0x0], $0xffff  }
0x571: {  	v11 =	vor.u32 v46, v2;
	v10 =	vld.idx.msk [tilespmem:v10+s10+$0x0], $0xffff;
	v4 =	vadd.f32 v4, v5  }
0x572: {  	v5 =	vld.idx.msk [tilespmem:v8+s10+$0x0], $0xffff;
	v9 =	vor.u32 v12, v3;
	v8 =	vor.u32 v12, v2;
	v12 =	vunpack.i.l.bf16.f32 v7  }
0x573: {  	v4 =	vadd.f32 v12, v4;
	v12 =	vld [tilespmem:$0x1FD50];
	_ =	sdelay $0x2  }
0x574: {  	v7 =	vunpack.i.u.bf16.f32 v7;
	v6 =	vmul.bf16 v6, v10  }
0x575: {  	v11 =	vld.idx.msk [tilespmem:v11+s10+$0x0], $0xffff;
	v4 =	vadd.f32 v4, v7  }
0x576: {  	v7 =	vld.idx.msk [tilespmem:v9+s10+$0x0], $0xffff;
	v10 =	vor.u32 v12, v3;
	v9 =	vor.u32 v12, v2;
	v12 =	vunpack.i.l.bf16.f32 v6  }
0x577: {  	v4 =	vadd.f32 v12, v4;
	v12 =	vld [tilespmem:$0x1FD60];
	_ =	sdelay $0x2  }
0x578: {  	v8 =	vld.idx.msk [tilespmem:v8+s10+$0x0], $0xffff  }
0x579: {  	v5 =	vmul.bf16 v5, v11;
	v6 =	vunpack.i.u.bf16.f32 v6  }
0x57a: {  	v4 =	vadd.f32 v4, v6;
	v11 =	vor.u32 v12, v3  }
0x57b: {  	v6 =	vld.idx.msk [tilespmem:v10+s10+$0x0], $0xffff;
	v10 =	vor.u32 v12, v2;
	v12 =	vunpack.i.l.bf16.f32 v5  }
0x57c: {  	v9 =	vld.idx.msk [tilespmem:v9+s10+$0x0], $0xffff;
	v4 =	vadd.f32 v12, v4  }
0x57d: {  	v7 =	vmul.bf16 v7, v8;
	v5 =	vunpack.i.u.bf16.f32 v5  }
0x57e: {  	v8 =	vor.u32 v0, v3;
	v4 =	vadd.f32 v4, v5  }
0x57f: {  	v0 =	vor.u32 v0, v2;
	v5 =	vld.idx.msk [tilespmem:v11+s10+$0x0], $0xffff;
	v11 =	vunpack.i.l.bf16.f32 v7  }
0x580: {  	v10 =	vld.idx.msk [tilespmem:v10+s10+$0x0], $0xffff;
	v4 =	vadd.f32 v11, v4  }
0x581: {  	v6 =	vmul.bf16 v6, v9;
	v7 =	vunpack.i.u.bf16.f32 v7  }
0x582: {  	v9 =	vor.u32 v49, v3;
	v4 =	vadd.f32 v4, v7  }
0x583: {  	v11 =	vunpack.i.l.bf16.f32 v6;
	v7 =	vld.idx.msk [tilespmem:v8+s10+$0x0], $0xffff;
	v8 =	vor.u32 v49, v2  }
0x584: {  	v0 =	vld.idx.msk [tilespmem:v0+s10+$0x0], $0xffff;
	v4 =	vadd.f32 v11, v4  }
0x585: {  	v6 =	vunpack.i.u.bf16.f32 v6;
	v5 =	vmul.bf16 v5, v10  }
0x586: {  	v10 =	vor.u32 v45, v3;
	v4 =	vadd.f32 v4, v6  }
0x587: {  	v6 =	vld.idx.msk [tilespmem:v9+s10+$0x0], $0xffff;
	v9 =	vor.u32 v45, v2;
	v11 =	vunpack.i.l.bf16.f32 v5  }
0x588: {  	v8 =	vld.idx.msk [tilespmem:v8+s10+$0x0], $0xffff;
	v4 =	vadd.f32 v11, v4  }
0x589: {  	v5 =	vunpack.i.u.bf16.f32 v5;
	v0 =	vmul.bf16 v7, v0  }
0x58a: {  	v7 =	vor.u32 v1, v3;
	v4 =	vadd.f32 v4, v5  }
0x58b: {  	v1 =	vor.u32 v1, v2;
	v5 =	vld.idx.msk [tilespmem:v10+s10+$0x0], $0xffff;
	v10 =	vunpack.i.l.bf16.f32 v0  }
0x58c: {  	v9 =	vld.idx.msk [tilespmem:v9+s10+$0x0], $0xffff;
	v4 =	vadd.f32 v10, v4  }
0x58d: {  	v0 =	vunpack.i.u.bf16.f32 v0;
	v6 =	vmul.bf16 v6, v8  }
0x58e: {  	v8 =	vor.u32 v50, v3;
	v0 =	vadd.f32 v4, v0  }
0x58f: {  	v4 =	vld.idx.msk [tilespmem:v7+s10+$0x0], $0xffff;
	v7 =	vor.u32 v50, v2;
	v10 =	vunpack.i.l.bf16.f32 v6  }
0x590: {  	v1 =	vld.idx.msk [tilespmem:v1+s10+$0x0], $0xffff;
	v0 =	vadd.f32 v10, v0  }
0x591: {  	v6 =	vunpack.i.u.bf16.f32 v6;
	v5 =	vmul.bf16 v5, v9  }
0x592: {  	v9 =	vor.u32 v52, v3;
	v0 =	vadd.f32 v0, v6  }
0x593: {  	v6 =	vld.idx.msk [tilespmem:v8+s10+$0x0], $0xffff;
	v8 =	vor.u32 v52, v2;
	v10 =	vunpack.i.l.bf16.f32 v5  }
0x594: {  	v7 =	vld.idx.msk [tilespmem:v7+s10+$0x0], $0xffff;
	v0 =	vadd.f32 v10, v0  }
0x595: {  	v5 =	vunpack.i.u.bf16.f32 v5;
	v1 =	vmul.bf16 v4, v1  }
0x596: {  	v4 =	vor.u32 v53, v3;
	v0 =	vadd.f32 v0, v5  }
0x597: {  	v10 =	vunpack.i.l.bf16.f32 v1;
	v5 =	vld.idx.msk [tilespmem:v9+s10+$0x0], $0xffff;
	v9 =	vor.u32 v53, v2  }
0x598: {  	v8 =	vld.idx.msk [tilespmem:v8+s10+$0x0], $0xffff;
	v0 =	vadd.f32 v10, v0  }
0x599: {  	v1 =	vunpack.i.u.bf16.f32 v1;
	v6 =	vmul.bf16 v6, v7  }
0x59a: {  	v3 =	vor.u32 v40, v3;
	v0 =	vadd.f32 v0, v1  }
0x59b: {  	v2 =	vor.u32 v40, v2;
	v1 =	vld.idx.msk [tilespmem:v4+s10+$0x0], $0xffff;
	v4 =	vunpack.i.l.bf16.f32 v6  }
0x59c: {  	v0 =	vadd.f32 v4, v0;
	v4 =	vld.idx.msk [tilespmem:v9+s10+$0x0], $0xffff  }
0x59d: {  	v6 =	vunpack.i.u.bf16.f32 v6;
	v5 =	vmul.bf16 v5, v8  }
0x59e: {  	v0 =	vadd.f32 v0, v6  }
0x59f: {  	v3 =	vld.idx.msk [tilespmem:v3+s10+$0x0], $0xffff;
	v6 =	vunpack.i.l.bf16.f32 v5  }
0x5a0: {  	v2 =	vld.idx.msk [tilespmem:v2+s10+$0x0], $0xffff;
	v0 =	vadd.f32 v6, v0  }
0x5a1: {  	v1 =	vmul.bf16 v1, v4;
	v4 =	vunpack.i.u.bf16.f32 v5  }
0x5a2: {  	v0 =	vadd.f32 v0, v4  }
0x5a3: {  	v4 =	vunpack.i.l.bf16.f32 v1  }
0x5a4: {  	v0 =	vadd.f32 v4, v0  }
0x5a5: {  	v2 =	vmul.bf16 v3, v2;
	v1 =	vunpack.i.u.bf16.f32 v1  }
0x5a6: {  	s15 =	sadd.s32 $0x1, s15;
	v12 =	vmovc v18;
	v18 =	vmovc v25;
	v25 =	vmov v31;
	v31 =	vmov v30;
	v0 =	vadd.f32 v0, v1  }
0x5a7: {  	p0 =	sne.s32 s15, $0x19;
	v30 =	vmovc v38;
	v38 =	vmovc v63;
	v11 =	vmov v17;
	v17 =	vmov v26;
	v1 =	vunpack.i.l.bf16.f32 v2  }
.Ltmp1:
0x5a8: {  	v26 =	vmovc v32;
	v10 =	vmovc v16;
	v7 =	vmov v13;
	v16 =	vmov v21;
	v0 =	vadd.f32 v1, v0;
	(pc) =	sbr.rel @p0 .LBB2_2-.Ltmp1, $4  }
0x5a9: {  	v13 =	vmovc v24;
	v21 =	vmovc v27;
	v24 =	vmov v36;
	v27 =	vmov v33;
	v1 =	vunpack.i.u.bf16.f32 v2  }
0x5aa: {  	v36 =	vmovc v39;
	v39 =	vmovc v41;
	v41 =	vmov v60;
	v9 =	vmov v15;
	v0 =	vadd.f32 v0, v1  }
0x5ab: {  	s16 =	sadd.s32 $0x10, s16;
	v32 =	vld [tilespmem:$0x1FED0];
	v8 =	vlaneseq.u32;
	v15 =	vmovc v22;
	v22 =	vmovc v28;
	v28 =	vmov v34;
	v34 =	vmov v61  }
0x5ac: {  	s14 =	sadd.s32 $0x190, s14;
	v33 =	vld [tilespmem:$0x1FEC0];
	v6 =	vmovc v14;
	v14 =	vmovc v23;
	v23 =	vmov v29;
	v29 =	vmov v35;
	v35 =	vmov v62;
	[tilespmem:s16+$0x0] =	vst v0  }
0x5ad: {  	s13 =	sadd.s32 $0x1, s13  }
0x5ae: {  	p0 =	sne.s32 s13, s6  }
.Ltmp2:
0x5af: {  	_ = 	snop;
	(pc) =	sbr.rel @p0 .LBB2_1-.Ltmp2, $4  }
0x5b0: {  	[hbm4b:s5+s3] =	stream.linear.scatter [tilespmem:s12], [sflag:$0x2], $0x2710, $0x38;
	[tilespmem:$0x14050] =	vst v63  }
0x5b1: {  	_ =	swait.ge [sflag:s7], $0x2710  }
0x5b2: {  	[sflag:s7] =	ssyncset.done $0x0  }
0x5b3: {  	[sflag:s7] =	ssyncadd.s32 $0xFFFFD8F0  }
0x5b4: {  	_ =	sfence.sel $0x180000  }
0x5b5: {  	[bflag:$0x0] =	sbarrier.arrive $0xFFFF  }
0x5b6: {  	p0 =	sne.s32 s0, $0x0;
	_ =	strace $0x90000047  }
0x5b7: {  	s0 =	sadd.s32 @!p0 $0x100000, s2;
	[bflag:$0x2] =	sbarrier.arrive $0xFFFF  }
0x5b8: {  	[sflag:s0] =	ssyncadd.tile.s32 @!p0 $0x1;
	_ =	shalt  }
.Lfunc_end2:
_tile_overlayer_lowered:
.L_overlay_start_2:
0x5b9: {  	(tag) =	ssettag $0x2  }
0x5ba: {  	s0 =	rddreg [dreg:$0x0];
	s2 =	stileid.u32  }
0x5bb: {  	s1 =	rddreg [dreg:$0x1];
	p0 =	sne.s32 s2, $0x0  }
0x5bc: {  	s3 =	rddreg [dreg:$0x2];
	[bflag:$0x3] =	sbarrier.arrive $0xFFFF;
	s2 =	simm.s32 @!p0 $0x1C02  }
0x5bd: {  	[timem:s3], [sflag:s2] =	dma.local @!p0 [hbm:s0], s1  }
0x5be: {  	s0 =	simm.s32 @!p0 $0x2  }
0x5bf: {  	_ =	swait.ge @!p0 [sflag:s0], s1  }
0x5c0: {  	s1 =	ssub.s32 @!p0 $0x0, s1;
	[sflag:s0] =	ssyncset.done @!p0 $0x0  }
0x5c1: {  	[sflag:s0] =	ssyncadd.s32 @!p0 s1  }
0x5c2: {  	[bflag:$0x3] =	sbarrier.arrive $0xFFFF  }
0x5c3: {  	_ =	shalt  }

</sc_bundles>
